<compile_context>
chip_gen: v7x
topology: tpu7x:2x2x1
jax: 0.10.2.dev20260603
libtpu: 0.0.44.dev20260713+nightly
codegen_flags: <defaults>
</compile_context>

<pallas_src>
import jax
import jax.numpy as jnp
from jax import lax
from jax.experimental import pallas as pl
from jax.experimental.pallas import tpu as pltpu
from jax.experimental.pallas import tpu_sc as plsc

_ROWS = 64
_COLS = 1000000
_CHUNK = 3584
_MAIN = 999936
_NCHUNK = _MAIN // _CHUNK
_TAIL = _COLS - _MAIN
_VECS = _CHUNK // 16
_PER_SHARD = 70
_NUM_CORES = 2
_NUM_SUBCORES = 16
_INT_MAX = 2**31 - 1

_mesh = plsc.VectorSubcoreMesh(
    core_axis_name="c", subcore_axis_name="s",
    num_cores=_NUM_CORES, num_subcores=_NUM_SUBCORES,
)


def _scan_chunk(buf, vec_base, carry):

    def body(i, c):
        ib = lax.broadcast_in_dim(vec_base + i, (16,), ())
        out = []
        for r in range(8):
            bv, bn = c[2 * r], c[2 * r + 1]
            v = buf[r, pl.ds(i * 16, 16)]
            m = v > bv
            out.append(jnp.where(m, v, bv))
            out.append(jnp.where(m, ib, bn))
        return tuple(out)

    return plsc.parallel_loop(0, _VECS, step=1, unroll=2, carry=carry)(body)


_KERNEL_KWARGS = dict(
    out_type=(jax.ShapeDtypeStruct((32, 16), jnp.float32),
              jax.ShapeDtypeStruct((32, 16), jnp.int32)),
    mesh=_mesh,
    scratch_types=[
        pltpu.VMEM((8, _CHUNK), jnp.float32),
        pltpu.VMEM((8, _CHUNK), jnp.float32),
        pltpu.VMEM((8, _CHUNK), jnp.float32),
        pltpu.VMEM((8, _CHUNK), jnp.float32),
        pltpu.VMEM((8, _TAIL), jnp.float32),
        pltpu.VMEM((16,), jnp.float32),
        pltpu.VMEM((16,), jnp.int32),
        pltpu.SemaphoreType.DMA,
        pltpu.SemaphoreType.DMA,
        pltpu.SemaphoreType.DMA,
        pltpu.SemaphoreType.DMA,
        pltpu.SemaphoreType.DMA,
    ],
    compiler_params=pltpu.CompilerParams(needs_layout_passes=False),
)


def _argmax_body(x_hbm, oval_hbm, oidx_hbm, buf0, buf1, buf2, buf3, tailbuf,
                 val_v, idx_v, sem0, sem1, sem2, sem3, semt):
    c = lax.axis_index("c")
    s = lax.axis_index("s")
    wid = c * 16 + s
    g = c * 4 + s // 4
    sh = s % 4
    row0 = pl.multiple_of(g * 8, 8)
    lane = lax.iota(jnp.int32, 16)

    def chunk_src(k):
        cn = jnp.minimum(sh + 4 * k, _NCHUNK - 1)
        col = pl.multiple_of(cn * _CHUNK, _CHUNK)
        return x_hbm.at[pl.ds(row0, 8), pl.ds(col, _CHUNK)], cn

    bufs = (buf0, buf1, buf2, buf3)
    sems = (sem0, sem1, sem2, sem3)

    pltpu.async_copy(
        x_hbm.at[pl.ds(row0, 8), pl.ds(_MAIN, _TAIL)], tailbuf, semt)
    for b in range(4):
        src, _ = chunk_src(b)
        pltpu.async_copy(src, bufs[b], sems[b])

    neg_inf = jnp.full((16,), -jnp.inf, jnp.float32)
    zero = jnp.zeros((16,), jnp.int32)
    carry = (neg_inf, zero) * 8

    def quad(p, carry):
        for b in range(4):
            k = 4 * p + b
            src, cn = chunk_src(k)
            pltpu.make_async_copy(src, bufs[b], sems[b]).wait()
            carry = _scan_chunk(bufs[b], cn * _VECS, carry)

            @pl.when(k + 4 < _PER_SHARD)
            def _(k=k, b=b):
                src, _ = chunk_src(k + 4)
                pltpu.async_copy(src, bufs[b], sems[b])

        return carry

    carry = lax.fori_loop(0, _PER_SHARD // 4, quad, carry)

    for b in range(_PER_SHARD % 4):
        k = (_PER_SHARD // 4) * 4 + b
        src, cn = chunk_src(k)
        pltpu.make_async_copy(src, bufs[b], sems[b]).wait()
        carry = _scan_chunk(bufs[b], cn * _VECS, carry)

    pltpu.make_async_copy(
        x_hbm.at[pl.ds(row0, 8), pl.ds(_MAIN, _TAIL)], tailbuf, semt).wait()
    carry = list(carry)
    for r in range(8):
        bv, bn = carry[2 * r], carry[2 * r + 1]
        for i in range(_TAIL // 16):
            v = tailbuf[r, pl.ds(i * 16, 16)]
            ib = jnp.full((16,), _MAIN // 16 + i, jnp.int32)
            m = v > bv
            bv = jnp.where(m, v, bv)
            bn = jnp.where(m, ib, bn)
        carry[2 * r], carry[2 * r + 1] = bv, bn

    res_val = jnp.full((16,), -jnp.inf, jnp.float32)
    res_idx = jnp.zeros((16,), jnp.int32)
    for r in range(8):
        bv, bn = carry[2 * r], carry[2 * r + 1]
        idx = (bn << 4) + lane
        mx = jnp.max(bv)
        cand = jnp.where(bv == mx, idx, jnp.int32(_INT_MAX))
        ii = jnp.min(cand)
        res_val = jnp.where(lane == r, mx, res_val)
        res_idx = jnp.where(lane == r, ii, res_idx)

    val_v[...] = res_val
    idx_v[...] = res_idx
    pltpu.sync_copy(val_v, oval_hbm.at[wid])
    pltpu.sync_copy(idx_v, oidx_hbm.at[wid])


_argmax_sc = pl.kernel(_argmax_body, **_KERNEL_KWARGS)


def _merge_body(val_ref, idx_ref, out_ref):
    for g in range(8):
        base = (g // 4) * 16 + (g % 4) * 4
        bv = val_ref[base]
        bi = idx_ref[base]
        for k in range(1, 4):
            ov = val_ref[base + k]
            oi = idx_ref[base + k]
            take = (ov > bv) | ((ov == bv) & (oi < bi))
            bv = jnp.where(take, ov, bv)
            bi = jnp.where(take, oi, bi)
        out_ref[g] = bi


_merge_tc = pl.pallas_call(
    _merge_body,
    out_shape=jax.ShapeDtypeStruct((8, 16), jnp.int32),
)


def kernel(inputs):
    pval, pidx = _argmax_sc(inputs)
    merged = _merge_tc(pval, pidx)
    return merged[:, :8].reshape(_ROWS).astype(jnp.int64)

# --- scband reference (transcript-rebuilt; emitter-appended) ---
"""Pipeline reference for scband-argmax-layer-18253611008719 (READ-ONLY COPY).

The authoritative reference and input builder live on the scoring server;
editing this copy changes nothing except your own understanding.
"""

import jax, jax.numpy as jnp
import numpy as np


def setup_inputs(seed: int = 0) -> dict:
    key = jax.random.key(seed)
    inputs = jax.random.normal(key, (64, 1000000), dtype=jnp.float32)
    return {"inputs": inputs}


def reference(inputs):
    # tf.argmax(inputs, axis=1) -> int64 indices
    return jnp.argmax(inputs, axis=1).astype(jnp.int64)

if __name__ == "__main__":
    import jax
    _d = setup_inputs()
    print(jax.jit(kernel)(*tuple(_d.values())))

</pallas_src>

<mosaic_0001>
#map = affine_map<(d0, d1) -> (0, 0)>
module attributes {stable_mosaic.version = 14 : i64} {
  func.func @_argmax_body(%arg0: i32, %arg1: i32, %arg2: memref<64x1000000xf32, #tpu.memory_space<hbm>>, %arg3: memref<32x16xf32, #tpu.memory_space<hbm>>, %arg4: memref<32x16xi32, #tpu.memory_space<hbm>>, %arg5: memref<8x3584xf32, #tpu.memory_space<vmem>>, %arg6: memref<8x3584xf32, #tpu.memory_space<vmem>>, %arg7: memref<8x3584xf32, #tpu.memory_space<vmem>>, %arg8: memref<8x3584xf32, #tpu.memory_space<vmem>>, %arg9: memref<8x64xf32, #tpu.memory_space<vmem>>, %arg10: memref<16xf32, #tpu.memory_space<vmem>>, %arg11: memref<16xi32, #tpu.memory_space<vmem>>, %arg12: memref<!tpu.dma_semaphore, #tpu.memory_space<semaphore_mem>>, %arg13: memref<!tpu.dma_semaphore, #tpu.memory_space<semaphore_mem>>, %arg14: memref<!tpu.dma_semaphore, #tpu.memory_space<semaphore_mem>>, %arg15: memref<!tpu.dma_semaphore, #tpu.memory_space<semaphore_mem>>, %arg16: memref<!tpu.dma_semaphore, #tpu.memory_space<semaphore_mem>>) attributes {dimension_semantics = [#tpu.dimension_semantics<core_parallel>, #tpu.dimension_semantics<subcore_parallel>], iteration_bounds = array<i64: 2, 16>, scalar_prefetch = 0 : i64, scratch_operands = 12 : i64, tpu.core_type = #tpu.core_type<sc_vector_subcore>, window_params = [{transform_indices = #map}, {transform_indices = #map}, {transform_indices = #map}]} {
    %mul3A = arith.constant 16 : i32
    %mul3A_0 = arith.muli %arg0, %mul3A : i32
    %add3A = arith.addi %mul3A_0, %arg1 : i32
    %mul3A_1 = arith.constant 4 : i32
    %mul3A_2 = arith.muli %arg0, %mul3A_1 : i32
    %jit3A = arith.constant 4 : i32
    %div3A = arith.divsi %arg1, %jit3A : i32
    %sign3A = arith.constant 0 : i32
    %sign3A_3 = arith.cmpi sgt, %arg1, %sign3A : i32
    %sign3A_4 = arith.extui %sign3A_3 : i1 to i32
    %sign3A_5 = arith.constant 0 : i32
    %sign3A_6 = arith.cmpi slt, %arg1, %sign3A_5 : i32
    %sign3A_7 = arith.extui %sign3A_6 : i1 to i32
    %sign3A_8 = arith.subi %sign3A_4, %sign3A_7 : i32
    %sign3A_9 = arith.constant 0 : i32
    %sign3A_10 = arith.cmpi sgt, %jit3A, %sign3A_9 : i32
    %sign3A_11 = arith.extui %sign3A_10 : i1 to i32
    %sign3A_12 = arith.constant 0 : i32
    %sign3A_13 = arith.cmpi slt, %jit3A, %sign3A_12 : i32
    %sign3A_14 = arith.extui %sign3A_13 : i1 to i32
    %sign3A_15 = arith.subi %sign3A_11, %sign3A_14 : i32
    %ne3A = arith.cmpi ne, %sign3A_8, %sign3A_15 : i32
    %rem3A = arith.remsi %arg1, %jit3A : i32
    %ne3A_16 = arith.constant 0 : i32
    %ne3A_17 = arith.cmpi ne, %rem3A, %ne3A_16 : i32
    %and3A = arith.andi %ne3A, %ne3A_17 : i1
    %sub3A = arith.constant 1 : i32
    %sub3A_18 = arith.subi %div3A, %sub3A : i32
    %select_n3A = arith.select %and3A, %sub3A_18, %div3A : i32
    %add3A_19 = arith.addi %mul3A_2, %select_n3A : i32
    %jit3A_20 = arith.constant 4 : i32
    %eq3A = arith.constant 0 : i32
    %eq3A_21 = arith.cmpi eq, %jit3A_20, %eq3A : i32
    %jit3A_22 = arith.constant 1 : i32
    %select_n3A_23 = arith.select %eq3A_21, %jit3A_22, %jit3A_20 : i32
    %rem3A_24 = arith.remsi %arg1, %select_n3A_23 : i32
    %ne3A_25 = arith.constant 0 : i32
    %ne3A_26 = arith.cmpi ne, %rem3A_24, %ne3A_25 : i32
    %lt3A = arith.constant 0 : i32
    %lt3A_27 = arith.cmpi slt, %rem3A_24, %lt3A : i32
    %lt3A_28 = arith.constant 0 : i32
    %lt3A_29 = arith.cmpi slt, %select_n3A_23, %lt3A_28 : i32
    %ne3A_30 = arith.xori %lt3A_27, %lt3A_29 : i1
    %and3A_31 = arith.andi %ne3A_30, %ne3A_26 : i1
    %add3A_32 = arith.addi %rem3A_24, %select_n3A_23 : i32
    %select_n3A_33 = arith.select %and3A_31, %add3A_32, %rem3A_24 : i32
    %mul3A_34 = arith.constant 8 : i32
    %mul3A_35 = arith.muli %add3A_19, %mul3A_34 : i32
    %multiple_of3A = tpu.assume_multiple %mul3A_35, 8 : i32
    %iota3A = tpu.iota {dimensions = array<i32: 0>} : vector<16xi32>
    %dma_start3A = arith.constant 999936 : i32
    %dma_start3A_36 = tpu.memref_slice %arg2[%multiple_of3A, %dma_start3A] : memref<64x1000000xf32, #tpu.memory_space<hbm>> -> memref<8x64xf32, #tpu.memory_space<hbm>>
    %dma_start3A_37 = arith.constant 999936 : i32
    %dma_start3A_38 = tpu.memref_slice %arg2[%multiple_of3A, %dma_start3A_37] : memref<64x1000000xf32, #tpu.memory_space<hbm>> -> memref<8x64xf32, #tpu.memory_space<hbm>>
    tpu.enqueue_dma source(%dma_start3A_38 : memref<8x64xf32, #tpu.memory_space<hbm>>) target(%arg9 : memref<8x64xf32, #tpu.memory_space<vmem>>) target_semaphore(%arg16 : memref<!tpu.dma_semaphore, #tpu.memory_space<semaphore_mem>>)
    %add3A_39 = arith.constant 0 : i32
    %add3A_40 = arith.addi %select_n3A_33, %add3A_39 : i32
    %min3A = arith.constant 278 : i32
    %min3A_41 = arith.minsi %add3A_40, %min3A : i32
    %mul3A_42 = arith.constant 3584 : i32
    %mul3A_43 = arith.muli %min3A_41, %mul3A_42 : i32
    %multiple_of3A_44 = tpu.assume_multiple %mul3A_43, 3584 : i32
    %dma_start3A_45 = tpu.memref_slice %arg2[%multiple_of3A, %multiple_of3A_44] : memref<64x1000000xf32, #tpu.memory_space<hbm>> -> memref<8x3584xf32, #tpu.memory_space<hbm>>
    %dma_start3A_46 = tpu.memref_slice %arg2[%multiple_of3A, %multiple_of3A_44] : memref<64x1000000xf32, #tpu.memory_space<hbm>> -> memref<8x3584xf32, #tpu.memory_space<hbm>>
    tpu.enqueue_dma source(%dma_start3A_46 : memref<8x3584xf32, #tpu.memory_space<hbm>>) target(%arg5 : memref<8x3584xf32, #tpu.memory_space<vmem>>) target_semaphore(%arg12 : memref<!tpu.dma_semaphore, #tpu.memory_space<semaphore_mem>>)
    %add3A_47 = arith.constant 4 : i32
    %add3A_48 = arith.addi %select_n3A_33, %add3A_47 : i32
    %min3A_49 = arith.constant 278 : i32
    %min3A_50 = arith.minsi %add3A_48, %min3A_49 : i32
    %mul3A_51 = arith.constant 3584 : i32
    %mul3A_52 = arith.muli %min3A_50, %mul3A_51 : i32
    %multiple_of3A_53 = tpu.assume_multiple %mul3A_52, 3584 : i32
    %dma_start3A_54 = tpu.memref_slice %arg2[%multiple_of3A, %multiple_of3A_53] : memref<64x1000000xf32, #tpu.memory_space<hbm>> -> memref<8x3584xf32, #tpu.memory_space<hbm>>
    %dma_start3A_55 = tpu.memref_slice %arg2[%multiple_of3A, %multiple_of3A_53] : memref<64x1000000xf32, #tpu.memory_space<hbm>> -> memref<8x3584xf32, #tpu.memory_space<hbm>>
    tpu.enqueue_dma source(%dma_start3A_55 : memref<8x3584xf32, #tpu.memory_space<hbm>>) target(%arg6 : memref<8x3584xf32, #tpu.memory_space<vmem>>) target_semaphore(%arg13 : memref<!tpu.dma_semaphore, #tpu.memory_space<semaphore_mem>>)
    %add3A_56 = arith.constant 8 : i32
    %add3A_57 = arith.addi %select_n3A_33, %add3A_56 : i32
    %min3A_58 = arith.constant 278 : i32
    %min3A_59 = arith.minsi %add3A_57, %min3A_58 : i32
    %mul3A_60 = arith.constant 3584 : i32
    %mul3A_61 = arith.muli %min3A_59, %mul3A_60 : i32
    %multiple_of3A_62 = tpu.assume_multiple %mul3A_61, 3584 : i32
    %dma_start3A_63 = tpu.memref_slice %arg2[%multiple_of3A, %multiple_of3A_62] : memref<64x1000000xf32, #tpu.memory_space<hbm>> -> memref<8x3584xf32, #tpu.memory_space<hbm>>
    %dma_start3A_64 = tpu.memref_slice %arg2[%multiple_of3A, %multiple_of3A_62] : memref<64x1000000xf32, #tpu.memory_space<hbm>> -> memref<8x3584xf32, #tpu.memory_space<hbm>>
    tpu.enqueue_dma source(%dma_start3A_64 : memref<8x3584xf32, #tpu.memory_space<hbm>>) target(%arg7 : memref<8x3584xf32, #tpu.memory_space<vmem>>) target_semaphore(%arg14 : memref<!tpu.dma_semaphore, #tpu.memory_space<semaphore_mem>>)
    %add3A_65 = arith.constant 12 : i32
    %add3A_66 = arith.addi %select_n3A_33, %add3A_65 : i32
    %min3A_67 = arith.constant 278 : i32
    %min3A_68 = arith.minsi %add3A_66, %min3A_67 : i32
    %mul3A_69 = arith.constant 3584 : i32
    %mul3A_70 = arith.muli %min3A_68, %mul3A_69 : i32
    %multiple_of3A_71 = tpu.assume_multiple %mul3A_70, 3584 : i32
    %dma_start3A_72 = tpu.memref_slice %arg2[%multiple_of3A, %multiple_of3A_71] : memref<64x1000000xf32, #tpu.memory_space<hbm>> -> memref<8x3584xf32, #tpu.memory_space<hbm>>
    %dma_start3A_73 = tpu.memref_slice %arg2[%multiple_of3A, %multiple_of3A_71] : memref<64x1000000xf32, #tpu.memory_space<hbm>> -> memref<8x3584xf32, #tpu.memory_space<hbm>>
    tpu.enqueue_dma source(%dma_start3A_73 : memref<8x3584xf32, #tpu.memory_space<hbm>>) target(%arg8 : memref<8x3584xf32, #tpu.memory_space<vmem>>) target_semaphore(%arg15 : memref<!tpu.dma_semaphore, #tpu.memory_space<semaphore_mem>>)
    %broadcast_in_dim3A = arith.constant 0xFF800000 : f32
    %broadcast_in_dim3A_74 = vector.broadcast %broadcast_in_dim3A : f32 to vector<16xf32>
    %broadcast_in_dim3A_75 = arith.constant 0 : i32
    %broadcast_in_dim3A_76 = vector.broadcast %broadcast_in_dim3A_75 : i32 to vector<16xi32>
    %scan3A = arith.constant 0 : i32
    %scan3A_77 = arith.constant 17 : i32
    %scan3A_78 = arith.addi %scan3A, %scan3A_77 : i32
    %scan3A_79 = arith.constant 1 : i32
    %scan3A_80:16 = scf.for %scan3A_652 = %scan3A to %scan3A_78 step %scan3A_79 iter_args(%scan3A_653 = %broadcast_in_dim3A_74, %scan3A_654 = %broadcast_in_dim3A_76, %scan3A_655 = %broadcast_in_dim3A_74, %scan3A_656 = %broadcast_in_dim3A_76, %scan3A_657 = %broadcast_in_dim3A_74, %scan3A_658 = %broadcast_in_dim3A_76, %scan3A_659 = %broadcast_in_dim3A_74, %scan3A_660 = %broadcast_in_dim3A_76, %scan3A_661 = %broadcast_in_dim3A_74, %scan3A_662 = %broadcast_in_dim3A_76, %scan3A_663 = %broadcast_in_dim3A_74, %scan3A_664 = %broadcast_in_dim3A_76, %scan3A_665 = %broadcast_in_dim3A_74, %scan3A_666 = %broadcast_in_dim3A_76, %scan3A_667 = %broadcast_in_dim3A_74, %scan3A_668 = %broadcast_in_dim3A_76) -> (vector<16xf32>, vector<16xi32>, vector<16xf32>, vector<16xi32>, vector<16xf32>, vector<16xi32>, vector<16xf32>, vector<16xi32>, vector<16xf32>, vector<16xi32>, vector<16xf32>, vector<16xi32>, vector<16xf32>, vector<16xi32>, vector<16xf32>, vector<16xi32>)  : i32 {
      %mul3A_669 = arith.constant 4 : i32
      %mul3A_670 = arith.muli %mul3A_669, %scan3A_652 : i32
      %add3A_671 = arith.constant 0 : i32
      %add3A_672 = arith.addi %mul3A_670, %add3A_671 : i32
      %mul3A_673 = arith.constant 4 : i32
      %mul3A_674 = arith.muli %mul3A_673, %add3A_672 : i32
      %add3A_675 = arith.addi %select_n3A_33, %mul3A_674 : i32
      %min3A_676 = arith.constant 278 : i32
      %min3A_677 = arith.minsi %add3A_675, %min3A_676 : i32
      %mul3A_678 = arith.constant 3584 : i32
      %mul3A_679 = arith.muli %min3A_677, %mul3A_678 : i32
      %multiple_of3A_680 = tpu.assume_multiple %mul3A_679, 3584 : i32
      %dma_wait3A_681 = tpu.memref_slice %arg2[%multiple_of3A, %multiple_of3A_680] : memref<64x1000000xf32, #tpu.memory_space<hbm>> -> memref<8x3584xf32, #tpu.memory_space<hbm>>
      %dma_wait3A_682 = tpu.memref_slice %arg2[%multiple_of3A, %multiple_of3A_680] : memref<64x1000000xf32, #tpu.memory_space<hbm>> -> memref<8x3584xf32, #tpu.memory_space<hbm>>
      tpu.wait_dma2 semaphore(%arg12 : memref<!tpu.dma_semaphore, #tpu.memory_space<semaphore_mem>>) src(%dma_wait3A_682 : memref<8x3584xf32, #tpu.memory_space<hbm>>) dst(%arg5 : memref<8x3584xf32, #tpu.memory_space<vmem>>)
      %mul3A_683 = arith.constant 224 : i32
      %mul3A_684 = arith.muli %min3A_677, %mul3A_683 : i32
      %parallel_loop3A_685 = arith.constant 0 : i32
      %parallel_loop3A_686 = arith.constant 224 : i32
      %parallel_loop3A_687 = arith.constant 1 : i32
      %parallel_loop3A_688:16 = scf.for %parallel_loop3A_775 = %parallel_loop3A_685 to %parallel_loop3A_686 step %parallel_loop3A_687 iter_args(%parallel_loop3A_776 = %scan3A_653, %parallel_loop3A_777 = %scan3A_654, %parallel_loop3A_778 = %scan3A_655, %parallel_loop3A_779 = %scan3A_656, %parallel_loop3A_780 = %scan3A_657, %parallel_loop3A_781 = %scan3A_658, %parallel_loop3A_782 = %scan3A_659, %parallel_loop3A_783 = %scan3A_660, %parallel_loop3A_784 = %scan3A_661, %parallel_loop3A_785 = %scan3A_662, %parallel_loop3A_786 = %scan3A_663, %parallel_loop3A_787 = %scan3A_664, %parallel_loop3A_788 = %scan3A_665, %parallel_loop3A_789 = %scan3A_666, %parallel_loop3A_790 = %scan3A_667, %parallel_loop3A_791 = %scan3A_668) -> (vector<16xf32>, vector<16xi32>, vector<16xf32>, vector<16xi32>, vector<16xf32>, vector<16xi32>, vector<16xf32>, vector<16xi32>, vector<16xf32>, vector<16xi32>, vector<16xf32>, vector<16xi32>, vector<16xf32>, vector<16xi32>, vector<16xf32>, vector<16xi32>)  : i32 {
        %parallel_loop3A_792 = arith.addi %mul3A_684, %parallel_loop3A_775 : i32
        %parallel_loop3A_793 = vector.broadcast %parallel_loop3A_792 : i32 to vector<16xi32>
        %parallel_loop3A_794 = arith.constant 16 : i32
        %parallel_loop3A_795 = arith.muli %parallel_loop3A_775, %parallel_loop3A_794 : i32
        %parallel_loop3A_796 = arith.constant 0 : i32
        %parallel_loop3A_797 = arith.index_cast %parallel_loop3A_796 : i32 to index
        %parallel_loop3A_798 = arith.index_cast %parallel_loop3A_795 : i32 to index
        %parallel_loop3A_799 = tpu.vector_load %arg5[%parallel_loop3A_797, %parallel_loop3A_798] {strides = array<i32>} : memref<8x3584xf32, #tpu.memory_space<vmem>>, vector<16xf32>,
        %parallel_loop3A_800 = arith.cmpf ogt, %parallel_loop3A_799, %parallel_loop3A_776 : vector<16xf32>
        %parallel_loop3A_801 = arith.select %parallel_loop3A_800, %parallel_loop3A_799, %parallel_loop3A_776 : vector<16xi1>, vector<16xf32>
        %parallel_loop3A_802 = arith.select %parallel_loop3A_800, %parallel_loop3A_793, %parallel_loop3A_777 : vector<16xi1>, vector<16xi32>
        %parallel_loop3A_803 = arith.constant 16 : i32
        %parallel_loop3A_804 = arith.muli %parallel_loop3A_775, %parallel_loop3A_803 : i32
        %parallel_loop3A_805 = arith.constant 1 : i32
        %parallel_loop3A_806 = arith.index_cast %parallel_loop3A_805 : i32 to index
        %parallel_loop3A_807 = arith.index_cast %parallel_loop3A_804 : i32 to index
        %parallel_loop3A_808 = tpu.vector_load %arg5[%parallel_loop3A_806, %parallel_loop3A_807] {strides = array<i32>} : memref<8x3584xf32, #tpu.memory_space<vmem>>, vector<16xf32>,
        %parallel_loop3A_809 = arith.cmpf ogt, %parallel_loop3A_808, %parallel_loop3A_778 : vector<16xf32>
        %parallel_loop3A_810 = arith.select %parallel_loop3A_809, %parallel_loop3A_808, %parallel_loop3A_778 : vector<16xi1>, vector<16xf32>
        %parallel_loop3A_811 = arith.select %parallel_loop3A_809, %parallel_loop3A_793, %parallel_loop3A_779 : vector<16xi1>, vector<16xi32>
        %parallel_loop3A_812 = arith.constant 16 : i32
        %parallel_loop3A_813 = arith.muli %parallel_loop3A_775, %parallel_loop3A_812 : i32
        %parallel_loop3A_814 = arith.constant 2 : i32
        %parallel_loop3A_815 = arith.index_cast %parallel_loop3A_814 : i32 to index
        %parallel_loop3A_816 = arith.index_cast %parallel_loop3A_813 : i32 to index
        %parallel_loop3A_817 = tpu.vector_load %arg5[%parallel_loop3A_815, %parallel_loop3A_816] {strides = array<i32>} : memref<8x3584xf32, #tpu.memory_space<vmem>>, vector<16xf32>,
        %parallel_loop3A_818 = arith.cmpf ogt, %parallel_loop3A_817, %parallel_loop3A_780 : vector<16xf32>
        %parallel_loop3A_819 = arith.select %parallel_loop3A_818, %parallel_loop3A_817, %parallel_loop3A_780 : vector<16xi1>, vector<16xf32>
        %parallel_loop3A_820 = arith.select %parallel_loop3A_818, %parallel_loop3A_793, %parallel_loop3A_781 : vector<16xi1>, vector<16xi32>
        %parallel_loop3A_821 = arith.constant 16 : i32
        %parallel_loop3A_822 = arith.muli %parallel_loop3A_775, %parallel_loop3A_821 : i32
        %parallel_loop3A_823 = arith.constant 3 : i32
        %parallel_loop3A_824 = arith.index_cast %parallel_loop3A_823 : i32 to index
        %parallel_loop3A_825 = arith.index_cast %parallel_loop3A_822 : i32 to index
        %parallel_loop3A_826 = tpu.vector_load %arg5[%parallel_loop3A_824, %parallel_loop3A_825] {strides = array<i32>} : memref<8x3584xf32, #tpu.memory_space<vmem>>, vector<16xf32>,
        %parallel_loop3A_827 = arith.cmpf ogt, %parallel_loop3A_826, %parallel_loop3A_782 : vector<16xf32>
        %parallel_loop3A_828 = arith.select %parallel_loop3A_827, %parallel_loop3A_826, %parallel_loop3A_782 : vector<16xi1>, vector<16xf32>
        %parallel_loop3A_829 = arith.select %parallel_loop3A_827, %parallel_loop3A_793, %parallel_loop3A_783 : vector<16xi1>, vector<16xi32>
        %parallel_loop3A_830 = arith.constant 16 : i32
        %parallel_loop3A_831 = arith.muli %parallel_loop3A_775, %parallel_loop3A_830 : i32
        %parallel_loop3A_832 = arith.constant 4 : i32
        %parallel_loop3A_833 = arith.index_cast %parallel_loop3A_832 : i32 to index
        %parallel_loop3A_834 = arith.index_cast %parallel_loop3A_831 : i32 to index
        %parallel_loop3A_835 = tpu.vector_load %arg5[%parallel_loop3A_833, %parallel_loop3A_834] {strides = array<i32>} : memref<8x3584xf32, #tpu.memory_space<vmem>>, vector<16xf32>,
        %parallel_loop3A_836 = arith.cmpf ogt, %parallel_loop3A_835, %parallel_loop3A_784 : vector<16xf32>
        %parallel_loop3A_837 = arith.select %parallel_loop3A_836, %parallel_loop3A_835, %parallel_loop3A_784 : vector<16xi1>, vector<16xf32>
        %parallel_loop3A_838 = arith.select %parallel_loop3A_836, %parallel_loop3A_793, %parallel_loop3A_785 : vector<16xi1>, vector<16xi32>
        %parallel_loop3A_839 = arith.constant 16 : i32
        %parallel_loop3A_840 = arith.muli %parallel_loop3A_775, %parallel_loop3A_839 : i32
        %parallel_loop3A_841 = arith.constant 5 : i32
        %parallel_loop3A_842 = arith.index_cast %parallel_loop3A_841 : i32 to index
        %parallel_loop3A_843 = arith.index_cast %parallel_loop3A_840 : i32 to index
        %parallel_loop3A_844 = tpu.vector_load %arg5[%parallel_loop3A_842, %parallel_loop3A_843] {strides = array<i32>} : memref<8x3584xf32, #tpu.memory_space<vmem>>, vector<16xf32>,
        %parallel_loop3A_845 = arith.cmpf ogt, %parallel_loop3A_844, %parallel_loop3A_786 : vector<16xf32>
        %parallel_loop3A_846 = arith.select %parallel_loop3A_845, %parallel_loop3A_844, %parallel_loop3A_786 : vector<16xi1>, vector<16xf32>
        %parallel_loop3A_847 = arith.select %parallel_loop3A_845, %parallel_loop3A_793, %parallel_loop3A_787 : vector<16xi1>, vector<16xi32>
        %parallel_loop3A_848 = arith.constant 16 : i32
        %parallel_loop3A_849 = arith.muli %parallel_loop3A_775, %parallel_loop3A_848 : i32
        %parallel_loop3A_850 = arith.constant 6 : i32
        %parallel_loop3A_851 = arith.index_cast %parallel_loop3A_850 : i32 to index
        %parallel_loop3A_852 = arith.index_cast %parallel_loop3A_849 : i32 to index
        %parallel_loop3A_853 = tpu.vector_load %arg5[%parallel_loop3A_851, %parallel_loop3A_852] {strides = array<i32>} : memref<8x3584xf32, #tpu.memory_space<vmem>>, vector<16xf32>,
        %parallel_loop3A_854 = arith.cmpf ogt, %parallel_loop3A_853, %parallel_loop3A_788 : vector<16xf32>
        %parallel_loop3A_855 = arith.select %parallel_loop3A_854, %parallel_loop3A_853, %parallel_loop3A_788 : vector<16xi1>, vector<16xf32>
        %parallel_loop3A_856 = arith.select %parallel_loop3A_854, %parallel_loop3A_793, %parallel_loop3A_789 : vector<16xi1>, vector<16xi32>
        %parallel_loop3A_857 = arith.constant 16 : i32
        %parallel_loop3A_858 = arith.muli %parallel_loop3A_775, %parallel_loop3A_857 : i32
        %parallel_loop3A_859 = arith.constant 7 : i32
        %parallel_loop3A_860 = arith.index_cast %parallel_loop3A_859 : i32 to index
        %parallel_loop3A_861 = arith.index_cast %parallel_loop3A_858 : i32 to index
        %parallel_loop3A_862 = tpu.vector_load %arg5[%parallel_loop3A_860, %parallel_loop3A_861] {strides = array<i32>} : memref<8x3584xf32, #tpu.memory_space<vmem>>, vector<16xf32>,
        %parallel_loop3A_863 = arith.cmpf ogt, %parallel_loop3A_862, %parallel_loop3A_790 : vector<16xf32>
        %parallel_loop3A_864 = arith.select %parallel_loop3A_863, %parallel_loop3A_862, %parallel_loop3A_790 : vector<16xi1>, vector<16xf32>
        %parallel_loop3A_865 = arith.select %parallel_loop3A_863, %parallel_loop3A_793, %parallel_loop3A_791 : vector<16xi1>, vector<16xi32>
        scf.yield %parallel_loop3A_801, %parallel_loop3A_802, %parallel_loop3A_810, %parallel_loop3A_811, %parallel_loop3A_819, %parallel_loop3A_820, %parallel_loop3A_828, %parallel_loop3A_829, %parallel_loop3A_837, %parallel_loop3A_838, %parallel_loop3A_846, %parallel_loop3A_847, %parallel_loop3A_855, %parallel_loop3A_856, %parallel_loop3A_864, %parallel_loop3A_865 : vector<16xf32>, vector<16xi32>, vector<16xf32>, vector<16xi32>, vector<16xf32>, vector<16xi32>, vector<16xf32>, vector<16xi32>, vector<16xf32>, vector<16xi32>, vector<16xf32>, vector<16xi32>, vector<16xf32>, vector<16xi32>, vector<16xf32>, vector<16xi32>
      } {sc.loop_unroll_factor = 2 : i64, sc.parallel_access}
      %add3A_689 = arith.constant 4 : i32
      %add3A_690 = arith.addi %add3A_672, %add3A_689 : i32
      %lt3A_691 = arith.constant 70 : i32
      %lt3A_692 = arith.cmpi slt, %add3A_690, %lt3A_691 : i32
      %convert_element_type3A = arith.extui %lt3A_692 : i1 to i32
      %cond3A = arith.constant 0 : i32
      %cond3A_693 = arith.cmpi ne, %convert_element_type3A, %cond3A : i32
      scf.if %cond3A_693 {
        %add3A_775 = arith.constant 4 : i32
        %add3A_776 = arith.addi %add3A_672, %add3A_775 : i32
        %mul3A_777 = arith.constant 4 : i32
        %mul3A_778 = arith.muli %mul3A_777, %add3A_776 : i32
        %add3A_779 = arith.addi %select_n3A_33, %mul3A_778 : i32
        %min3A_780 = arith.constant 278 : i32
        %min3A_781 = arith.minsi %add3A_779, %min3A_780 : i32
        %mul3A_782 = arith.constant 3584 : i32
        %mul3A_783 = arith.muli %min3A_781, %mul3A_782 : i32
        %multiple_of3A_784 = tpu.assume_multiple %mul3A_783, 3584 : i32
        %dma_start3A_785 = tpu.memref_slice %arg2[%multiple_of3A, %multiple_of3A_784] : memref<64x1000000xf32, #tpu.memory_space<hbm>> -> memref<8x3584xf32, #tpu.memory_space<hbm>>
        %dma_start3A_786 = tpu.memref_slice %arg2[%multiple_of3A, %multiple_of3A_784] : memref<64x1000000xf32, #tpu.memory_space<hbm>> -> memref<8x3584xf32, #tpu.memory_space<hbm>>
        tpu.enqueue_dma source(%dma_start3A_786 : memref<8x3584xf32, #tpu.memory_space<hbm>>) target(%arg5 : memref<8x3584xf32, #tpu.memory_space<vmem>>) target_semaphore(%arg12 : memref<!tpu.dma_semaphore, #tpu.memory_space<semaphore_mem>>)
      } else {
      }
      %mul3A_694 = arith.constant 4 : i32
      %mul3A_695 = arith.muli %mul3A_694, %scan3A_652 : i32
      %add3A_696 = arith.constant 1 : i32
      %add3A_697 = arith.addi %mul3A_695, %add3A_696 : i32
      %mul3A_698 = arith.constant 4 : i32
      %mul3A_699 = arith.muli %mul3A_698, %add3A_697 : i32
      %add3A_700 = arith.addi %select_n3A_33, %mul3A_699 : i32
      %min3A_701 = arith.constant 278 : i32
      %min3A_702 = arith.minsi %add3A_700, %min3A_701 : i32
      %mul3A_703 = arith.constant 3584 : i32
      %mul3A_704 = arith.muli %min3A_702, %mul3A_703 : i32
      %multiple_of3A_705 = tpu.assume_multiple %mul3A_704, 3584 : i32
      %dma_wait3A_706 = tpu.memref_slice %arg2[%multiple_of3A, %multiple_of3A_705] : memref<64x1000000xf32, #tpu.memory_space<hbm>> -> memref<8x3584xf32, #tpu.memory_space<hbm>>
      %dma_wait3A_707 = tpu.memref_slice %arg2[%multiple_of3A, %multiple_of3A_705] : memref<64x1000000xf32, #tpu.memory_space<hbm>> -> memref<8x3584xf32, #tpu.memory_space<hbm>>
      tpu.wait_dma2 semaphore(%arg13 : memref<!tpu.dma_semaphore, #tpu.memory_space<semaphore_mem>>) src(%dma_wait3A_707 : memref<8x3584xf32, #tpu.memory_space<hbm>>) dst(%arg6 : memref<8x3584xf32, #tpu.memory_space<vmem>>)
      %mul3A_708 = arith.constant 224 : i32
      %mul3A_709 = arith.muli %min3A_702, %mul3A_708 : i32
      %parallel_loop3A_710 = arith.constant 0 : i32
      %parallel_loop3A_711 = arith.constant 224 : i32
      %parallel_loop3A_712 = arith.constant 1 : i32
      %parallel_loop3A_713:16 = scf.for %parallel_loop3A_775 = %parallel_loop3A_710 to %parallel_loop3A_711 step %parallel_loop3A_712 iter_args(%parallel_loop3A_776 = %parallel_loop3A_688#0, %parallel_loop3A_777 = %parallel_loop3A_688#1, %parallel_loop3A_778 = %parallel_loop3A_688#2, %parallel_loop3A_779 = %parallel_loop3A_688#3, %parallel_loop3A_780 = %parallel_loop3A_688#4, %parallel_loop3A_781 = %parallel_loop3A_688#5, %parallel_loop3A_782 = %parallel_loop3A_688#6, %parallel_loop3A_783 = %parallel_loop3A_688#7, %parallel_loop3A_784 = %parallel_loop3A_688#8, %parallel_loop3A_785 = %parallel_loop3A_688#9, %parallel_loop3A_786 = %parallel_loop3A_688#10, %parallel_loop3A_787 = %parallel_loop3A_688#11, %parallel_loop3A_788 = %parallel_loop3A_688#12, %parallel_loop3A_789 = %parallel_loop3A_688#13, %parallel_loop3A_790 = %parallel_loop3A_688#14, %parallel_loop3A_791 = %parallel_loop3A_688#15) -> (vector<16xf32>, vector<16xi32>, vector<16xf32>, vector<16xi32>, vector<16xf32>, vector<16xi32>, vector<16xf32>, vector<16xi32>, vector<16xf32>, vector<16xi32>, vector<16xf32>, vector<16xi32>, vector<16xf32>, vector<16xi32>, vector<16xf32>, vector<16xi32>)  : i32 {
        %parallel_loop3A_792 = arith.addi %mul3A_709, %parallel_loop3A_775 : i32
        %parallel_loop3A_793 = vector.broadcast %parallel_loop3A_792 : i32 to vector<16xi32>
        %parallel_loop3A_794 = arith.constant 16 : i32
        %parallel_loop3A_795 = arith.muli %parallel_loop3A_775, %parallel_loop3A_794 : i32
        %parallel_loop3A_796 = arith.constant 0 : i32
        %parallel_loop3A_797 = arith.index_cast %parallel_loop3A_796 : i32 to index
        %parallel_loop3A_798 = arith.index_cast %parallel_loop3A_795 : i32 to index
        %parallel_loop3A_799 = tpu.vector_load %arg6[%parallel_loop3A_797, %parallel_loop3A_798] {strides = array<i32>} : memref<8x3584xf32, #tpu.memory_space<vmem>>, vector<16xf32>,
        %parallel_loop3A_800 = arith.cmpf ogt, %parallel_loop3A_799, %parallel_loop3A_776 : vector<16xf32>
        %parallel_loop3A_801 = arith.select %parallel_loop3A_800, %parallel_loop3A_799, %parallel_loop3A_776 : vector<16xi1>, vector<16xf32>
        %parallel_loop3A_802 = arith.select %parallel_loop3A_800, %parallel_loop3A_793, %parallel_loop3A_777 : vector<16xi1>, vector<16xi32>
        %parallel_loop3A_803 = arith.constant 16 : i32
        %parallel_loop3A_804 = arith.muli %parallel_loop3A_775, %parallel_loop3A_803 : i32
        %parallel_loop3A_805 = arith.constant 1 : i32
        %parallel_loop3A_806 = arith.index_cast %parallel_loop3A_805 : i32 to index
        %parallel_loop3A_807 = arith.index_cast %parallel_loop3A_804 : i32 to index
        %parallel_loop3A_808 = tpu.vector_load %arg6[%parallel_loop3A_806, %parallel_loop3A_807] {strides = array<i32>} : memref<8x3584xf32, #tpu.memory_space<vmem>>, vector<16xf32>,
        %parallel_loop3A_809 = arith.cmpf ogt, %parallel_loop3A_808, %parallel_loop3A_778 : vector<16xf32>
        %parallel_loop3A_810 = arith.select %parallel_loop3A_809, %parallel_loop3A_808, %parallel_loop3A_778 : vector<16xi1>, vector<16xf32>
        %parallel_loop3A_811 = arith.select %parallel_loop3A_809, %parallel_loop3A_793, %parallel_loop3A_779 : vector<16xi1>, vector<16xi32>
        %parallel_loop3A_812 = arith.constant 16 : i32
        %parallel_loop3A_813 = arith.muli %parallel_loop3A_775, %parallel_loop3A_812 : i32
        %parallel_loop3A_814 = arith.constant 2 : i32
        %parallel_loop3A_815 = arith.index_cast %parallel_loop3A_814 : i32 to index
        %parallel_loop3A_816 = arith.index_cast %parallel_loop3A_813 : i32 to index
        %parallel_loop3A_817 = tpu.vector_load %arg6[%parallel_loop3A_815, %parallel_loop3A_816] {strides = array<i32>} : memref<8x3584xf32, #tpu.memory_space<vmem>>, vector<16xf32>,
        %parallel_loop3A_818 = arith.cmpf ogt, %parallel_loop3A_817, %parallel_loop3A_780 : vector<16xf32>
        %parallel_loop3A_819 = arith.select %parallel_loop3A_818, %parallel_loop3A_817, %parallel_loop3A_780 : vector<16xi1>, vector<16xf32>
        %parallel_loop3A_820 = arith.select %parallel_loop3A_818, %parallel_loop3A_793, %parallel_loop3A_781 : vector<16xi1>, vector<16xi32>
        %parallel_loop3A_821 = arith.constant 16 : i32
        %parallel_loop3A_822 = arith.muli %parallel_loop3A_775, %parallel_loop3A_821 : i32
        %parallel_loop3A_823 = arith.constant 3 : i32
        %parallel_loop3A_824 = arith.index_cast %parallel_loop3A_823 : i32 to index
        %parallel_loop3A_825 = arith.index_cast %parallel_loop3A_822 : i32 to index
        %parallel_loop3A_826 = tpu.vector_load %arg6[%parallel_loop3A_824, %parallel_loop3A_825] {strides = array<i32>} : memref<8x3584xf32, #tpu.memory_space<vmem>>, vector<16xf32>,
        %parallel_loop3A_827 = arith.cmpf ogt, %parallel_loop3A_826, %parallel_loop3A_782 : vector<16xf32>
        %parallel_loop3A_828 = arith.select %parallel_loop3A_827, %parallel_loop3A_826, %parallel_loop3A_782 : vector<16xi1>, vector<16xf32>
        %parallel_loop3A_829 = arith.select %parallel_loop3A_827, %parallel_loop3A_793, %parallel_loop3A_783 : vector<16xi1>, vector<16xi32>
        %parallel_loop3A_830 = arith.constant 16 : i32
        %parallel_loop3A_831 = arith.muli %parallel_loop3A_775, %parallel_loop3A_830 : i32
        %parallel_loop3A_832 = arith.constant 4 : i32
        %parallel_loop3A_833 = arith.index_cast %parallel_loop3A_832 : i32 to index
        %parallel_loop3A_834 = arith.index_cast %parallel_loop3A_831 : i32 to index
        %parallel_loop3A_835 = tpu.vector_load %arg6[%parallel_loop3A_833, %parallel_loop3A_834] {strides = array<i32>} : memref<8x3584xf32, #tpu.memory_space<vmem>>, vector<16xf32>,
        %parallel_loop3A_836 = arith.cmpf ogt, %parallel_loop3A_835, %parallel_loop3A_784 : vector<16xf32>
        %parallel_loop3A_837 = arith.select %parallel_loop3A_836, %parallel_loop3A_835, %parallel_loop3A_784 : vector<16xi1>, vector<16xf32>
        %parallel_loop3A_838 = arith.select %parallel_loop3A_836, %parallel_loop3A_793, %parallel_loop3A_785 : vector<16xi1>, vector<16xi32>
        %parallel_loop3A_839 = arith.constant 16 : i32
        %parallel_loop3A_840 = arith.muli %parallel_loop3A_775, %parallel_loop3A_839 : i32
        %parallel_loop3A_841 = arith.constant 5 : i32
        %parallel_loop3A_842 = arith.index_cast %parallel_loop3A_841 : i32 to index
        %parallel_loop3A_843 = arith.index_cast %parallel_loop3A_840 : i32 to index
        %parallel_loop3A_844 = tpu.vector_load %arg6[%parallel_loop3A_842, %parallel_loop3A_843] {strides = array<i32>} : memref<8x3584xf32, #tpu.memory_space<vmem>>, vector<16xf32>,
        %parallel_loop3A_845 = arith.cmpf ogt, %parallel_loop3A_844, %parallel_loop3A_786 : vector<16xf32>
        %parallel_loop3A_846 = arith.select %parallel_loop3A_845, %parallel_loop3A_844, %parallel_loop3A_786 : vector<16xi1>, vector<16xf32>
        %parallel_loop3A_847 = arith.select %parallel_loop3A_845, %parallel_loop3A_793, %parallel_loop3A_787 : vector<16xi1>, vector<16xi32>
        %parallel_loop3A_848 = arith.constant 16 : i32
        %parallel_loop3A_849 = arith.muli %parallel_loop3A_775, %parallel_loop3A_848 : i32
        %parallel_loop3A_850 = arith.constant 6 : i32
        %parallel_loop3A_851 = arith.index_cast %parallel_loop3A_850 : i32 to index
        %parallel_loop3A_852 = arith.index_cast %parallel_loop3A_849 : i32 to index
        %parallel_loop3A_853 = tpu.vector_load %arg6[%parallel_loop3A_851, %parallel_loop3A_852] {strides = array<i32>} : memref<8x3584xf32, #tpu.memory_space<vmem>>, vector<16xf32>,
        %parallel_loop3A_854 = arith.cmpf ogt, %parallel_loop3A_853, %parallel_loop3A_788 : vector<16xf32>
        %parallel_loop3A_855 = arith.select %parallel_loop3A_854, %parallel_loop3A_853, %parallel_loop3A_788 : vector<16xi1>, vector<16xf32>
        %parallel_loop3A_856 = arith.select %parallel_loop3A_854, %parallel_loop3A_793, %parallel_loop3A_789 : vector<16xi1>, vector<16xi32>
        %parallel_loop3A_857 = arith.constant 16 : i32
        %parallel_loop3A_858 = arith.muli %parallel_loop3A_775, %parallel_loop3A_857 : i32
        %parallel_loop3A_859 = arith.constant 7 : i32
        %parallel_loop3A_860 = arith.index_cast %parallel_loop3A_859 : i32 to index
        %parallel_loop3A_861 = arith.index_cast %parallel_loop3A_858 : i32 to index
        %parallel_loop3A_862 = tpu.vector_load %arg6[%parallel_loop3A_860, %parallel_loop3A_861] {strides = array<i32>} : memref<8x3584xf32, #tpu.memory_space<vmem>>, vector<16xf32>,
        %parallel_loop3A_863 = arith.cmpf ogt, %parallel_loop3A_862, %parallel_loop3A_790 : vector<16xf32>
        %parallel_loop3A_864 = arith.select %parallel_loop3A_863, %parallel_loop3A_862, %parallel_loop3A_790 : vector<16xi1>, vector<16xf32>
        %parallel_loop3A_865 = arith.select %parallel_loop3A_863, %parallel_loop3A_793, %parallel_loop3A_791 : vector<16xi1>, vector<16xi32>
        scf.yield %parallel_loop3A_801, %parallel_loop3A_802, %parallel_loop3A_810, %parallel_loop3A_811, %parallel_loop3A_819, %parallel_loop3A_820, %parallel_loop3A_828, %parallel_loop3A_829, %parallel_loop3A_837, %parallel_loop3A_838, %parallel_loop3A_846, %parallel_loop3A_847, %parallel_loop3A_855, %parallel_loop3A_856, %parallel_loop3A_864, %parallel_loop3A_865 : vector<16xf32>, vector<16xi32>, vector<16xf32>, vector<16xi32>, vector<16xf32>, vector<16xi32>, vector<16xf32>, vector<16xi32>, vector<16xf32>, vector<16xi32>, vector<16xf32>, vector<16xi32>, vector<16xf32>, vector<16xi32>, vector<16xf32>, vector<16xi32>
      } {sc.loop_unroll_factor = 2 : i64, sc.parallel_access}
      %add3A_714 = arith.constant 4 : i32
      %add3A_715 = arith.addi %add3A_697, %add3A_714 : i32
      %lt3A_716 = arith.constant 70 : i32
      %lt3A_717 = arith.cmpi slt, %add3A_715, %lt3A_716 : i32
      %convert_element_type3A_718 = arith.extui %lt3A_717 : i1 to i32
      %cond3A_719 = arith.constant 0 : i32
      %cond3A_720 = arith.cmpi ne, %convert_element_type3A_718, %cond3A_719 : i32
      scf.if %cond3A_720 {
        %add3A_775 = arith.constant 4 : i32
        %add3A_776 = arith.addi %add3A_697, %add3A_775 : i32
        %mul3A_777 = arith.constant 4 : i32
        %mul3A_778 = arith.muli %mul3A_777, %add3A_776 : i32
        %add3A_779 = arith.addi %select_n3A_33, %mul3A_778 : i32
        %min3A_780 = arith.constant 278 : i32
        %min3A_781 = arith.minsi %add3A_779, %min3A_780 : i32
        %mul3A_782 = arith.constant 3584 : i32
        %mul3A_783 = arith.muli %min3A_781, %mul3A_782 : i32
        %multiple_of3A_784 = tpu.assume_multiple %mul3A_783, 3584 : i32
        %dma_start3A_785 = tpu.memref_slice %arg2[%multiple_of3A, %multiple_of3A_784] : memref<64x1000000xf32, #tpu.memory_space<hbm>> -> memref<8x3584xf32, #tpu.memory_space<hbm>>
        %dma_start3A_786 = tpu.memref_slice %arg2[%multiple_of3A, %multiple_of3A_784] : memref<64x1000000xf32, #tpu.memory_space<hbm>> -> memref<8x3584xf32, #tpu.memory_space<hbm>>
        tpu.enqueue_dma source(%dma_start3A_786 : memref<8x3584xf32, #tpu.memory_space<hbm>>) target(%arg6 : memref<8x3584xf32, #tpu.memory_space<vmem>>) target_semaphore(%arg13 : memref<!tpu.dma_semaphore, #tpu.memory_space<semaphore_mem>>)
      } else {
      }
      %mul3A_721 = arith.constant 4 : i32
      %mul3A_722 = arith.muli %mul3A_721, %scan3A_652 : i32
      %add3A_723 = arith.constant 2 : i32
      %add3A_724 = arith.addi %mul3A_722, %add3A_723 : i32
      %mul3A_725 = arith.constant 4 : i32
      %mul3A_726 = arith.muli %mul3A_725, %add3A_724 : i32
      %add3A_727 = arith.addi %select_n3A_33, %mul3A_726 : i32
      %min3A_728 = arith.constant 278 : i32
      %min3A_729 = arith.minsi %add3A_727, %min3A_728 : i32
      %mul3A_730 = arith.constant 3584 : i32
      %mul3A_731 = arith.muli %min3A_729, %mul3A_730 : i32
      %multiple_of3A_732 = tpu.assume_multiple %mul3A_731, 3584 : i32
      %dma_wait3A_733 = tpu.memref_slice %arg2[%multiple_of3A, %multiple_of3A_732] : memref<64x1000000xf32, #tpu.memory_space<hbm>> -> memref<8x3584xf32, #tpu.memory_space<hbm>>
      %dma_wait3A_734 = tpu.memref_slice %arg2[%multiple_of3A, %multiple_of3A_732] : memref<64x1000000xf32, #tpu.memory_space<hbm>> -> memref<8x3584xf32, #tpu.memory_space<hbm>>
      tpu.wait_dma2 semaphore(%arg14 : memref<!tpu.dma_semaphore, #tpu.memory_space<semaphore_mem>>) src(%dma_wait3A_734 : memref<8x3584xf32, #tpu.memory_space<hbm>>) dst(%arg7 : memref<8x3584xf32, #tpu.memory_space<vmem>>)
      %mul3A_735 = arith.constant 224 : i32
      %mul3A_736 = arith.muli %min3A_729, %mul3A_735 : i32
      %parallel_loop3A_737 = arith.constant 0 : i32
      %parallel_loop3A_738 = arith.constant 224 : i32
      %parallel_loop3A_739 = arith.constant 1 : i32
      %parallel_loop3A_740:16 = scf.for %parallel_loop3A_775 = %parallel_loop3A_737 to %parallel_loop3A_738 step %parallel_loop3A_739 iter_args(%parallel_loop3A_776 = %parallel_loop3A_713#0, %parallel_loop3A_777 = %parallel_loop3A_713#1, %parallel_loop3A_778 = %parallel_loop3A_713#2, %parallel_loop3A_779 = %parallel_loop3A_713#3, %parallel_loop3A_780 = %parallel_loop3A_713#4, %parallel_loop3A_781 = %parallel_loop3A_713#5, %parallel_loop3A_782 = %parallel_loop3A_713#6, %parallel_loop3A_783 = %parallel_loop3A_713#7, %parallel_loop3A_784 = %parallel_loop3A_713#8, %parallel_loop3A_785 = %parallel_loop3A_713#9, %parallel_loop3A_786 = %parallel_loop3A_713#10, %parallel_loop3A_787 = %parallel_loop3A_713#11, %parallel_loop3A_788 = %parallel_loop3A_713#12, %parallel_loop3A_789 = %parallel_loop3A_713#13, %parallel_loop3A_790 = %parallel_loop3A_713#14, %parallel_loop3A_791 = %parallel_loop3A_713#15) -> (vector<16xf32>, vector<16xi32>, vector<16xf32>, vector<16xi32>, vector<16xf32>, vector<16xi32>, vector<16xf32>, vector<16xi32>, vector<16xf32>, vector<16xi32>, vector<16xf32>, vector<16xi32>, vector<16xf32>, vector<16xi32>, vector<16xf32>, vector<16xi32>)  : i32 {
        %parallel_loop3A_792 = arith.addi %mul3A_736, %parallel_loop3A_775 : i32
        %parallel_loop3A_793 = vector.broadcast %parallel_loop3A_792 : i32 to vector<16xi32>
        %parallel_loop3A_794 = arith.constant 16 : i32
        %parallel_loop3A_795 = arith.muli %parallel_loop3A_775, %parallel_loop3A_794 : i32
        %parallel_loop3A_796 = arith.constant 0 : i32
        %parallel_loop3A_797 = arith.index_cast %parallel_loop3A_796 : i32 to index
        %parallel_loop3A_798 = arith.index_cast %parallel_loop3A_795 : i32 to index
        %parallel_loop3A_799 = tpu.vector_load %arg7[%parallel_loop3A_797, %parallel_loop3A_798] {strides = array<i32>} : memref<8x3584xf32, #tpu.memory_space<vmem>>, vector<16xf32>,
        %parallel_loop3A_800 = arith.cmpf ogt, %parallel_loop3A_799, %parallel_loop3A_776 : vector<16xf32>
        %parallel_loop3A_801 = arith.select %parallel_loop3A_800, %parallel_loop3A_799, %parallel_loop3A_776 : vector<16xi1>, vector<16xf32>
        %parallel_loop3A_802 = arith.select %parallel_loop3A_800, %parallel_loop3A_793, %parallel_loop3A_777 : vector<16xi1>, vector<16xi32>
        %parallel_loop3A_803 = arith.constant 16 : i32
        %parallel_loop3A_804 = arith.muli %parallel_loop3A_775, %parallel_loop3A_803 : i32
        %parallel_loop3A_805 = arith.constant 1 : i32
        %parallel_loop3A_806 = arith.index_cast %parallel_loop3A_805 : i32 to index
        %parallel_loop3A_807 = arith.index_cast %parallel_loop3A_804 : i32 to index
        %parallel_loop3A_808 = tpu.vector_load %arg7[%parallel_loop3A_806, %parallel_loop3A_807] {strides = array<i32>} : memref<8x3584xf32, #tpu.memory_space<vmem>>, vector<16xf32>,
        %parallel_loop3A_809 = arith.cmpf ogt, %parallel_loop3A_808, %parallel_loop3A_778 : vector<16xf32>
        %parallel_loop3A_810 = arith.select %parallel_loop3A_809, %parallel_loop3A_808, %parallel_loop3A_778 : vector<16xi1>, vector<16xf32>
        %parallel_loop3A_811 = arith.select %parallel_loop3A_809, %parallel_loop3A_793, %parallel_loop3A_779 : vector<16xi1>, vector<16xi32>
        %parallel_loop3A_812 = arith.constant 16 : i32
        %parallel_loop3A_813 = arith.muli %parallel_loop3A_775, %parallel_loop3A_812 : i32
        %parallel_loop3A_814 = arith.constant 2 : i32
        %parallel_loop3A_815 = arith.index_cast %parallel_loop3A_814 : i32 to index
        %parallel_loop3A_816 = arith.index_cast %parallel_loop3A_813 : i32 to index
        %parallel_loop3A_817 = tpu.vector_load %arg7[%parallel_loop3A_815, %parallel_loop3A_816] {strides = array<i32>} : memref<8x3584xf32, #tpu.memory_space<vmem>>, vector<16xf32>,
        %parallel_loop3A_818 = arith.cmpf ogt, %parallel_loop3A_817, %parallel_loop3A_780 : vector<16xf32>
        %parallel_loop3A_819 = arith.select %parallel_loop3A_818, %parallel_loop3A_817, %parallel_loop3A_780 : vector<16xi1>, vector<16xf32>
        %parallel_loop3A_820 = arith.select %parallel_loop3A_818, %parallel_loop3A_793, %parallel_loop3A_781 : vector<16xi1>, vector<16xi32>
        %parallel_loop3A_821 = arith.constant 16 : i32
        %parallel_loop3A_822 = arith.muli %parallel_loop3A_775, %parallel_loop3A_821 : i32
        %parallel_loop3A_823 = arith.constant 3 : i32
        %parallel_loop3A_824 = arith.index_cast %parallel_loop3A_823 : i32 to index
        %parallel_loop3A_825 = arith.index_cast %parallel_loop3A_822 : i32 to index
        %parallel_loop3A_826 = tpu.vector_load %arg7[%parallel_loop3A_824, %parallel_loop3A_825] {strides = array<i32>} : memref<8x3584xf32, #tpu.memory_space<vmem>>, vector<16xf32>,
        %parallel_loop3A_827 = arith.cmpf ogt, %parallel_loop3A_826, %parallel_loop3A_782 : vector<16xf32>
        %parallel_loop3A_828 = arith.select %parallel_loop3A_827, %parallel_loop3A_826, %parallel_loop3A_782 : vector<16xi1>, vector<16xf32>
        %parallel_loop3A_829 = arith.select %parallel_loop3A_827, %parallel_loop3A_793, %parallel_loop3A_783 : vector<16xi1>, vector<16xi32>
        %parallel_loop3A_830 = arith.constant 16 : i32
        %parallel_loop3A_831 = arith.muli %parallel_loop3A_775, %parallel_loop3A_830 : i32
        %parallel_loop3A_832 = arith.constant 4 : i32
        %parallel_loop3A_833 = arith.index_cast %parallel_loop3A_832 : i32 to index
        %parallel_loop3A_834 = arith.index_cast %parallel_loop3A_831 : i32 to index
        %parallel_loop3A_835 = tpu.vector_load %arg7[%parallel_loop3A_833, %parallel_loop3A_834] {strides = array<i32>} : memref<8x3584xf32, #tpu.memory_space<vmem>>, vector<16xf32>,
        %parallel_loop3A_836 = arith.cmpf ogt, %parallel_loop3A_835, %parallel_loop3A_784 : vector<16xf32>
        %parallel_loop3A_837 = arith.select %parallel_loop3A_836, %parallel_loop3A_835, %parallel_loop3A_784 : vector<16xi1>, vector<16xf32>
        %parallel_loop3A_838 = arith.select %parallel_loop3A_836, %parallel_loop3A_793, %parallel_loop3A_785 : vector<16xi1>, vector<16xi32>
        %parallel_loop3A_839 = arith.constant 16 : i32
        %parallel_loop3A_840 = arith.muli %parallel_loop3A_775, %parallel_loop3A_839 : i32
        %parallel_loop3A_841 = arith.constant 5 : i32
        %parallel_loop3A_842 = arith.index_cast %parallel_loop3A_841 : i32 to index
        %parallel_loop3A_843 = arith.index_cast %parallel_loop3A_840 : i32 to index
        %parallel_loop3A_844 = tpu.vector_load %arg7[%parallel_loop3A_842, %parallel_loop3A_843] {strides = array<i32>} : memref<8x3584xf32, #tpu.memory_space<vmem>>, vector<16xf32>,
        %parallel_loop3A_845 = arith.cmpf ogt, %parallel_loop3A_844, %parallel_loop3A_786 : vector<16xf32>
        %parallel_loop3A_846 = arith.select %parallel_loop3A_845, %parallel_loop3A_844, %parallel_loop3A_786 : vector<16xi1>, vector<16xf32>
        %parallel_loop3A_847 = arith.select %parallel_loop3A_845, %parallel_loop3A_793, %parallel_loop3A_787 : vector<16xi1>, vector<16xi32>
        %parallel_loop3A_848 = arith.constant 16 : i32
        %parallel_loop3A_849 = arith.muli %parallel_loop3A_775, %parallel_loop3A_848 : i32
        %parallel_loop3A_850 = arith.constant 6 : i32
        %parallel_loop3A_851 = arith.index_cast %parallel_loop3A_850 : i32 to index
        %parallel_loop3A_852 = arith.index_cast %parallel_loop3A_849 : i32 to index
        %parallel_loop3A_853 = tpu.vector_load %arg7[%parallel_loop3A_851, %parallel_loop3A_852] {strides = array<i32>} : memref<8x3584xf32, #tpu.memory_space<vmem>>, vector<16xf32>,
        %parallel_loop3A_854 = arith.cmpf ogt, %parallel_loop3A_853, %parallel_loop3A_788 : vector<16xf32>
        %parallel_loop3A_855 = arith.select %parallel_loop3A_854, %parallel_loop3A_853, %parallel_loop3A_788 : vector<16xi1>, vector<16xf32>
        %parallel_loop3A_856 = arith.select %parallel_loop3A_854, %parallel_loop3A_793, %parallel_loop3A_789 : vector<16xi1>, vector<16xi32>
        %parallel_loop3A_857 = arith.constant 16 : i32
        %parallel_loop3A_858 = arith.muli %parallel_loop3A_775, %parallel_loop3A_857 : i32
        %parallel_loop3A_859 = arith.constant 7 : i32
        %parallel_loop3A_860 = arith.index_cast %parallel_loop3A_859 : i32 to index
        %parallel_loop3A_861 = arith.index_cast %parallel_loop3A_858 : i32 to index
        %parallel_loop3A_862 = tpu.vector_load %arg7[%parallel_loop3A_860, %parallel_loop3A_861] {strides = array<i32>} : memref<8x3584xf32, #tpu.memory_space<vmem>>, vector<16xf32>,
        %parallel_loop3A_863 = arith.cmpf ogt, %parallel_loop3A_862, %parallel_loop3A_790 : vector<16xf32>
        %parallel_loop3A_864 = arith.select %parallel_loop3A_863, %parallel_loop3A_862, %parallel_loop3A_790 : vector<16xi1>, vector<16xf32>
        %parallel_loop3A_865 = arith.select %parallel_loop3A_863, %parallel_loop3A_793, %parallel_loop3A_791 : vector<16xi1>, vector<16xi32>
        scf.yield %parallel_loop3A_801, %parallel_loop3A_802, %parallel_loop3A_810, %parallel_loop3A_811, %parallel_loop3A_819, %parallel_loop3A_820, %parallel_loop3A_828, %parallel_loop3A_829, %parallel_loop3A_837, %parallel_loop3A_838, %parallel_loop3A_846, %parallel_loop3A_847, %parallel_loop3A_855, %parallel_loop3A_856, %parallel_loop3A_864, %parallel_loop3A_865 : vector<16xf32>, vector<16xi32>, vector<16xf32>, vector<16xi32>, vector<16xf32>, vector<16xi32>, vector<16xf32>, vector<16xi32>, vector<16xf32>, vector<16xi32>, vector<16xf32>, vector<16xi32>, vector<16xf32>, vector<16xi32>, vector<16xf32>, vector<16xi32>
      } {sc.loop_unroll_factor = 2 : i64, sc.parallel_access}
      %add3A_741 = arith.constant 4 : i32
      %add3A_742 = arith.addi %add3A_724, %add3A_741 : i32
      %lt3A_743 = arith.constant 70 : i32
      %lt3A_744 = arith.cmpi slt, %add3A_742, %lt3A_743 : i32
      %convert_element_type3A_745 = arith.extui %lt3A_744 : i1 to i32
      %cond3A_746 = arith.constant 0 : i32
      %cond3A_747 = arith.cmpi ne, %convert_element_type3A_745, %cond3A_746 : i32
      scf.if %cond3A_747 {
        %add3A_775 = arith.constant 4 : i32
        %add3A_776 = arith.addi %add3A_724, %add3A_775 : i32
        %mul3A_777 = arith.constant 4 : i32
        %mul3A_778 = arith.muli %mul3A_777, %add3A_776 : i32
        %add3A_779 = arith.addi %select_n3A_33, %mul3A_778 : i32
        %min3A_780 = arith.constant 278 : i32
        %min3A_781 = arith.minsi %add3A_779, %min3A_780 : i32
        %mul3A_782 = arith.constant 3584 : i32
        %mul3A_783 = arith.muli %min3A_781, %mul3A_782 : i32
        %multiple_of3A_784 = tpu.assume_multiple %mul3A_783, 3584 : i32
        %dma_start3A_785 = tpu.memref_slice %arg2[%multiple_of3A, %multiple_of3A_784] : memref<64x1000000xf32, #tpu.memory_space<hbm>> -> memref<8x3584xf32, #tpu.memory_space<hbm>>
        %dma_start3A_786 = tpu.memref_slice %arg2[%multiple_of3A, %multiple_of3A_784] : memref<64x1000000xf32, #tpu.memory_space<hbm>> -> memref<8x3584xf32, #tpu.memory_space<hbm>>
        tpu.enqueue_dma source(%dma_start3A_786 : memref<8x3584xf32, #tpu.memory_space<hbm>>) target(%arg7 : memref<8x3584xf32, #tpu.memory_space<vmem>>) target_semaphore(%arg14 : memref<!tpu.dma_semaphore, #tpu.memory_space<semaphore_mem>>)
      } else {
      }
      %mul3A_748 = arith.constant 4 : i32
      %mul3A_749 = arith.muli %mul3A_748, %scan3A_652 : i32
      %add3A_750 = arith.constant 3 : i32
      %add3A_751 = arith.addi %mul3A_749, %add3A_750 : i32
      %mul3A_752 = arith.constant 4 : i32
      %mul3A_753 = arith.muli %mul3A_752, %add3A_751 : i32
      %add3A_754 = arith.addi %select_n3A_33, %mul3A_753 : i32
      %min3A_755 = arith.constant 278 : i32
      %min3A_756 = arith.minsi %add3A_754, %min3A_755 : i32
      %mul3A_757 = arith.constant 3584 : i32
      %mul3A_758 = arith.muli %min3A_756, %mul3A_757 : i32
      %multiple_of3A_759 = tpu.assume_multiple %mul3A_758, 3584 : i32
      %dma_wait3A_760 = tpu.memref_slice %arg2[%multiple_of3A, %multiple_of3A_759] : memref<64x1000000xf32, #tpu.memory_space<hbm>> -> memref<8x3584xf32, #tpu.memory_space<hbm>>
      %dma_wait3A_761 = tpu.memref_slice %arg2[%multiple_of3A, %multiple_of3A_759] : memref<64x1000000xf32, #tpu.memory_space<hbm>> -> memref<8x3584xf32, #tpu.memory_space<hbm>>
      tpu.wait_dma2 semaphore(%arg15 : memref<!tpu.dma_semaphore, #tpu.memory_space<semaphore_mem>>) src(%dma_wait3A_761 : memref<8x3584xf32, #tpu.memory_space<hbm>>) dst(%arg8 : memref<8x3584xf32, #tpu.memory_space<vmem>>)
      %mul3A_762 = arith.constant 224 : i32
      %mul3A_763 = arith.muli %min3A_756, %mul3A_762 : i32
      %parallel_loop3A_764 = arith.constant 0 : i32
      %parallel_loop3A_765 = arith.constant 224 : i32
      %parallel_loop3A_766 = arith.constant 1 : i32
      %parallel_loop3A_767:16 = scf.for %parallel_loop3A_775 = %parallel_loop3A_764 to %parallel_loop3A_765 step %parallel_loop3A_766 iter_args(%parallel_loop3A_776 = %parallel_loop3A_740#0, %parallel_loop3A_777 = %parallel_loop3A_740#1, %parallel_loop3A_778 = %parallel_loop3A_740#2, %parallel_loop3A_779 = %parallel_loop3A_740#3, %parallel_loop3A_780 = %parallel_loop3A_740#4, %parallel_loop3A_781 = %parallel_loop3A_740#5, %parallel_loop3A_782 = %parallel_loop3A_740#6, %parallel_loop3A_783 = %parallel_loop3A_740#7, %parallel_loop3A_784 = %parallel_loop3A_740#8, %parallel_loop3A_785 = %parallel_loop3A_740#9, %parallel_loop3A_786 = %parallel_loop3A_740#10, %parallel_loop3A_787 = %parallel_loop3A_740#11, %parallel_loop3A_788 = %parallel_loop3A_740#12, %parallel_loop3A_789 = %parallel_loop3A_740#13, %parallel_loop3A_790 = %parallel_loop3A_740#14, %parallel_loop3A_791 = %parallel_loop3A_740#15) -> (vector<16xf32>, vector<16xi32>, vector<16xf32>, vector<16xi32>, vector<16xf32>, vector<16xi32>, vector<16xf32>, vector<16xi32>, vector<16xf32>, vector<16xi32>, vector<16xf32>, vector<16xi32>, vector<16xf32>, vector<16xi32>, vector<16xf32>, vector<16xi32>)  : i32 {
        %parallel_loop3A_792 = arith.addi %mul3A_763, %parallel_loop3A_775 : i32
        %parallel_loop3A_793 = vector.broadcast %parallel_loop3A_792 : i32 to vector<16xi32>
        %parallel_loop3A_794 = arith.constant 16 : i32
        %parallel_loop3A_795 = arith.muli %parallel_loop3A_775, %parallel_loop3A_794 : i32
        %parallel_loop3A_796 = arith.constant 0 : i32
        %parallel_loop3A_797 = arith.index_cast %parallel_loop3A_796 : i32 to index
        %parallel_loop3A_798 = arith.index_cast %parallel_loop3A_795 : i32 to index
        %parallel_loop3A_799 = tpu.vector_load %arg8[%parallel_loop3A_797, %parallel_loop3A_798] {strides = array<i32>} : memref<8x3584xf32, #tpu.memory_space<vmem>>, vector<16xf32>,
        %parallel_loop3A_800 = arith.cmpf ogt, %parallel_loop3A_799, %parallel_loop3A_776 : vector<16xf32>
        %parallel_loop3A_801 = arith.select %parallel_loop3A_800, %parallel_loop3A_799, %parallel_loop3A_776 : vector<16xi1>, vector<16xf32>
        %parallel_loop3A_802 = arith.select %parallel_loop3A_800, %parallel_loop3A_793, %parallel_loop3A_777 : vector<16xi1>, vector<16xi32>
        %parallel_loop3A_803 = arith.constant 16 : i32
        %parallel_loop3A_804 = arith.muli %parallel_loop3A_775, %parallel_loop3A_803 : i32
        %parallel_loop3A_805 = arith.constant 1 : i32
        %parallel_loop3A_806 = arith.index_cast %parallel_loop3A_805 : i32 to index
        %parallel_loop3A_807 = arith.index_cast %parallel_loop3A_804 : i32 to index
        %parallel_loop3A_808 = tpu.vector_load %arg8[%parallel_loop3A_806, %parallel_loop3A_807] {strides = array<i32>} : memref<8x3584xf32, #tpu.memory_space<vmem>>, vector<16xf32>,
        %parallel_loop3A_809 = arith.cmpf ogt, %parallel_loop3A_808, %parallel_loop3A_778 : vector<16xf32>
        %parallel_loop3A_810 = arith.select %parallel_loop3A_809, %parallel_loop3A_808, %parallel_loop3A_778 : vector<16xi1>, vector<16xf32>
        %parallel_loop3A_811 = arith.select %parallel_loop3A_809, %parallel_loop3A_793, %parallel_loop3A_779 : vector<16xi1>, vector<16xi32>
        %parallel_loop3A_812 = arith.constant 16 : i32
        %parallel_loop3A_813 = arith.muli %parallel_loop3A_775, %parallel_loop3A_812 : i32
        %parallel_loop3A_814 = arith.constant 2 : i32
        %parallel_loop3A_815 = arith.index_cast %parallel_loop3A_814 : i32 to index
        %parallel_loop3A_816 = arith.index_cast %parallel_loop3A_813 : i32 to index
        %parallel_loop3A_817 = tpu.vector_load %arg8[%parallel_loop3A_815, %parallel_loop3A_816] {strides = array<i32>} : memref<8x3584xf32, #tpu.memory_space<vmem>>, vector<16xf32>,
        %parallel_loop3A_818 = arith.cmpf ogt, %parallel_loop3A_817, %parallel_loop3A_780 : vector<16xf32>
        %parallel_loop3A_819 = arith.select %parallel_loop3A_818, %parallel_loop3A_817, %parallel_loop3A_780 : vector<16xi1>, vector<16xf32>
        %parallel_loop3A_820 = arith.select %parallel_loop3A_818, %parallel_loop3A_793, %parallel_loop3A_781 : vector<16xi1>, vector<16xi32>
        %parallel_loop3A_821 = arith.constant 16 : i32
        %parallel_loop3A_822 = arith.muli %parallel_loop3A_775, %parallel_loop3A_821 : i32
        %parallel_loop3A_823 = arith.constant 3 : i32
        %parallel_loop3A_824 = arith.index_cast %parallel_loop3A_823 : i32 to index
        %parallel_loop3A_825 = arith.index_cast %parallel_loop3A_822 : i32 to index
        %parallel_loop3A_826 = tpu.vector_load %arg8[%parallel_loop3A_824, %parallel_loop3A_825] {strides = array<i32>} : memref<8x3584xf32, #tpu.memory_space<vmem>>, vector<16xf32>,
        %parallel_loop3A_827 = arith.cmpf ogt, %parallel_loop3A_826, %parallel_loop3A_782 : vector<16xf32>
        %parallel_loop3A_828 = arith.select %parallel_loop3A_827, %parallel_loop3A_826, %parallel_loop3A_782 : vector<16xi1>, vector<16xf32>
        %parallel_loop3A_829 = arith.select %parallel_loop3A_827, %parallel_loop3A_793, %parallel_loop3A_783 : vector<16xi1>, vector<16xi32>
        %parallel_loop3A_830 = arith.constant 16 : i32
        %parallel_loop3A_831 = arith.muli %parallel_loop3A_775, %parallel_loop3A_830 : i32
        %parallel_loop3A_832 = arith.constant 4 : i32
        %parallel_loop3A_833 = arith.index_cast %parallel_loop3A_832 : i32 to index
        %parallel_loop3A_834 = arith.index_cast %parallel_loop3A_831 : i32 to index
        %parallel_loop3A_835 = tpu.vector_load %arg8[%parallel_loop3A_833, %parallel_loop3A_834] {strides = array<i32>} : memref<8x3584xf32, #tpu.memory_space<vmem>>, vector<16xf32>,
        %parallel_loop3A_836 = arith.cmpf ogt, %parallel_loop3A_835, %parallel_loop3A_784 : vector<16xf32>
        %parallel_loop3A_837 = arith.select %parallel_loop3A_836, %parallel_loop3A_835, %parallel_loop3A_784 : vector<16xi1>, vector<16xf32>
        %parallel_loop3A_838 = arith.select %parallel_loop3A_836, %parallel_loop3A_793, %parallel_loop3A_785 : vector<16xi1>, vector<16xi32>
        %parallel_loop3A_839 = arith.constant 16 : i32
        %parallel_loop3A_840 = arith.muli %parallel_loop3A_775, %parallel_loop3A_839 : i32
        %parallel_loop3A_841 = arith.constant 5 : i32
        %parallel_loop3A_842 = arith.index_cast %parallel_loop3A_841 : i32 to index
        %parallel_loop3A_843 = arith.index_cast %parallel_loop3A_840 : i32 to index
        %parallel_loop3A_844 = tpu.vector_load %arg8[%parallel_loop3A_842, %parallel_loop3A_843] {strides = array<i32>} : memref<8x3584xf32, #tpu.memory_space<vmem>>, vector<16xf32>,
        %parallel_loop3A_845 = arith.cmpf ogt, %parallel_loop3A_844, %parallel_loop3A_786 : vector<16xf32>
        %parallel_loop3A_846 = arith.select %parallel_loop3A_845, %parallel_loop3A_844, %parallel_loop3A_786 : vector<16xi1>, vector<16xf32>
        %parallel_loop3A_847 = arith.select %parallel_loop3A_845, %parallel_loop3A_793, %parallel_loop3A_787 : vector<16xi1>, vector<16xi32>
        %parallel_loop3A_848 = arith.constant 16 : i32
        %parallel_loop3A_849 = arith.muli %parallel_loop3A_775, %parallel_loop3A_848 : i32
        %parallel_loop3A_850 = arith.constant 6 : i32
        %parallel_loop3A_851 = arith.index_cast %parallel_loop3A_850 : i32 to index
        %parallel_loop3A_852 = arith.index_cast %parallel_loop3A_849 : i32 to index
        %parallel_loop3A_853 = tpu.vector_load %arg8[%parallel_loop3A_851, %parallel_loop3A_852] {strides = array<i32>} : memref<8x3584xf32, #tpu.memory_space<vmem>>, vector<16xf32>,
        %parallel_loop3A_854 = arith.cmpf ogt, %parallel_loop3A_853, %parallel_loop3A_788 : vector<16xf32>
        %parallel_loop3A_855 = arith.select %parallel_loop3A_854, %parallel_loop3A_853, %parallel_loop3A_788 : vector<16xi1>, vector<16xf32>
        %parallel_loop3A_856 = arith.select %parallel_loop3A_854, %parallel_loop3A_793, %parallel_loop3A_789 : vector<16xi1>, vector<16xi32>
        %parallel_loop3A_857 = arith.constant 16 : i32
        %parallel_loop3A_858 = arith.muli %parallel_loop3A_775, %parallel_loop3A_857 : i32
        %parallel_loop3A_859 = arith.constant 7 : i32
        %parallel_loop3A_860 = arith.index_cast %parallel_loop3A_859 : i32 to index
        %parallel_loop3A_861 = arith.index_cast %parallel_loop3A_858 : i32 to index
        %parallel_loop3A_862 = tpu.vector_load %arg8[%parallel_loop3A_860, %parallel_loop3A_861] {strides = array<i32>} : memref<8x3584xf32, #tpu.memory_space<vmem>>, vector<16xf32>,
        %parallel_loop3A_863 = arith.cmpf ogt, %parallel_loop3A_862, %parallel_loop3A_790 : vector<16xf32>
        %parallel_loop3A_864 = arith.select %parallel_loop3A_863, %parallel_loop3A_862, %parallel_loop3A_790 : vector<16xi1>, vector<16xf32>
        %parallel_loop3A_865 = arith.select %parallel_loop3A_863, %parallel_loop3A_793, %parallel_loop3A_791 : vector<16xi1>, vector<16xi32>
        scf.yield %parallel_loop3A_801, %parallel_loop3A_802, %parallel_loop3A_810, %parallel_loop3A_811, %parallel_loop3A_819, %parallel_loop3A_820, %parallel_loop3A_828, %parallel_loop3A_829, %parallel_loop3A_837, %parallel_loop3A_838, %parallel_loop3A_846, %parallel_loop3A_847, %parallel_loop3A_855, %parallel_loop3A_856, %parallel_loop3A_864, %parallel_loop3A_865 : vector<16xf32>, vector<16xi32>, vector<16xf32>, vector<16xi32>, vector<16xf32>, vector<16xi32>, vector<16xf32>, vector<16xi32>, vector<16xf32>, vector<16xi32>, vector<16xf32>, vector<16xi32>, vector<16xf32>, vector<16xi32>, vector<16xf32>, vector<16xi32>
      } {sc.loop_unroll_factor = 2 : i64, sc.parallel_access}
      %add3A_768 = arith.constant 4 : i32
      %add3A_769 = arith.addi %add3A_751, %add3A_768 : i32
      %lt3A_770 = arith.constant 70 : i32
      %lt3A_771 = arith.cmpi slt, %add3A_769, %lt3A_770 : i32
      %convert_element_type3A_772 = arith.extui %lt3A_771 : i1 to i32
      %cond3A_773 = arith.constant 0 : i32
      %cond3A_774 = arith.cmpi ne, %convert_element_type3A_772, %cond3A_773 : i32
      scf.if %cond3A_774 {
        %add3A_775 = arith.constant 4 : i32
        %add3A_776 = arith.addi %add3A_751, %add3A_775 : i32
        %mul3A_777 = arith.constant 4 : i32
        %mul3A_778 = arith.muli %mul3A_777, %add3A_776 : i32
        %add3A_779 = arith.addi %select_n3A_33, %mul3A_778 : i32
        %min3A_780 = arith.constant 278 : i32
        %min3A_781 = arith.minsi %add3A_779, %min3A_780 : i32
        %mul3A_782 = arith.constant 3584 : i32
        %mul3A_783 = arith.muli %min3A_781, %mul3A_782 : i32
        %multiple_of3A_784 = tpu.assume_multiple %mul3A_783, 3584 : i32
        %dma_start3A_785 = tpu.memref_slice %arg2[%multiple_of3A, %multiple_of3A_784] : memref<64x1000000xf32, #tpu.memory_space<hbm>> -> memref<8x3584xf32, #tpu.memory_space<hbm>>
        %dma_start3A_786 = tpu.memref_slice %arg2[%multiple_of3A, %multiple_of3A_784] : memref<64x1000000xf32, #tpu.memory_space<hbm>> -> memref<8x3584xf32, #tpu.memory_space<hbm>>
        tpu.enqueue_dma source(%dma_start3A_786 : memref<8x3584xf32, #tpu.memory_space<hbm>>) target(%arg8 : memref<8x3584xf32, #tpu.memory_space<vmem>>) target_semaphore(%arg15 : memref<!tpu.dma_semaphore, #tpu.memory_space<semaphore_mem>>)
      } else {
      }
      scf.yield %parallel_loop3A_767#0, %parallel_loop3A_767#1, %parallel_loop3A_767#2, %parallel_loop3A_767#3, %parallel_loop3A_767#4, %parallel_loop3A_767#5, %parallel_loop3A_767#6, %parallel_loop3A_767#7, %parallel_loop3A_767#8, %parallel_loop3A_767#9, %parallel_loop3A_767#10, %parallel_loop3A_767#11, %parallel_loop3A_767#12, %parallel_loop3A_767#13, %parallel_loop3A_767#14, %parallel_loop3A_767#15 : vector<16xf32>, vector<16xi32>, vector<16xf32>, vector<16xi32>, vector<16xf32>, vector<16xi32>, vector<16xf32>, vector<16xi32>, vector<16xf32>, vector<16xi32>, vector<16xf32>, vector<16xi32>, vector<16xf32>, vector<16xi32>, vector<16xf32>, vector<16xi32>
    }
    %scan3A_81 = arith.constant 17 : i32
    %add3A_82 = arith.constant 272 : i32
    %add3A_83 = arith.addi %select_n3A_33, %add3A_82 : i32
    %min3A_84 = arith.constant 278 : i32
    %min3A_85 = arith.minsi %add3A_83, %min3A_84 : i32
    %mul3A_86 = arith.constant 3584 : i32
    %mul3A_87 = arith.muli %min3A_85, %mul3A_86 : i32
    %multiple_of3A_88 = tpu.assume_multiple %mul3A_87, 3584 : i32
    %dma_wait3A = tpu.memref_slice %arg2[%multiple_of3A, %multiple_of3A_88] : memref<64x1000000xf32, #tpu.memory_space<hbm>> -> memref<8x3584xf32, #tpu.memory_space<hbm>>
    %dma_wait3A_89 = tpu.memref_slice %arg2[%multiple_of3A, %multiple_of3A_88] : memref<64x1000000xf32, #tpu.memory_space<hbm>> -> memref<8x3584xf32, #tpu.memory_space<hbm>>
    tpu.wait_dma2 semaphore(%arg12 : memref<!tpu.dma_semaphore, #tpu.memory_space<semaphore_mem>>) src(%dma_wait3A_89 : memref<8x3584xf32, #tpu.memory_space<hbm>>) dst(%arg5 : memref<8x3584xf32, #tpu.memory_space<vmem>>)
    %mul3A_90 = arith.constant 224 : i32
    %mul3A_91 = arith.muli %min3A_85, %mul3A_90 : i32
    %parallel_loop3A = arith.constant 0 : i32
    %parallel_loop3A_92 = arith.constant 224 : i32
    %parallel_loop3A_93 = arith.constant 1 : i32
    %parallel_loop3A_94:16 = scf.for %parallel_loop3A_652 = %parallel_loop3A to %parallel_loop3A_92 step %parallel_loop3A_93 iter_args(%parallel_loop3A_653 = %scan3A_80#0, %parallel_loop3A_654 = %scan3A_80#1, %parallel_loop3A_655 = %scan3A_80#2, %parallel_loop3A_656 = %scan3A_80#3, %parallel_loop3A_657 = %scan3A_80#4, %parallel_loop3A_658 = %scan3A_80#5, %parallel_loop3A_659 = %scan3A_80#6, %parallel_loop3A_660 = %scan3A_80#7, %parallel_loop3A_661 = %scan3A_80#8, %parallel_loop3A_662 = %scan3A_80#9, %parallel_loop3A_663 = %scan3A_80#10, %parallel_loop3A_664 = %scan3A_80#11, %parallel_loop3A_665 = %scan3A_80#12, %parallel_loop3A_666 = %scan3A_80#13, %parallel_loop3A_667 = %scan3A_80#14, %parallel_loop3A_668 = %scan3A_80#15) -> (vector<16xf32>, vector<16xi32>, vector<16xf32>, vector<16xi32>, vector<16xf32>, vector<16xi32>, vector<16xf32>, vector<16xi32>, vector<16xf32>, vector<16xi32>, vector<16xf32>, vector<16xi32>, vector<16xf32>, vector<16xi32>, vector<16xf32>, vector<16xi32>)  : i32 {
      %parallel_loop3A_669 = arith.addi %mul3A_91, %parallel_loop3A_652 : i32
      %parallel_loop3A_670 = vector.broadcast %parallel_loop3A_669 : i32 to vector<16xi32>
      %parallel_loop3A_671 = arith.constant 16 : i32
      %parallel_loop3A_672 = arith.muli %parallel_loop3A_652, %parallel_loop3A_671 : i32
      %parallel_loop3A_673 = arith.constant 0 : i32
      %parallel_loop3A_674 = arith.index_cast %parallel_loop3A_673 : i32 to index
      %parallel_loop3A_675 = arith.index_cast %parallel_loop3A_672 : i32 to index
      %parallel_loop3A_676 = tpu.vector_load %arg5[%parallel_loop3A_674, %parallel_loop3A_675] {strides = array<i32>} : memref<8x3584xf32, #tpu.memory_space<vmem>>, vector<16xf32>,
      %parallel_loop3A_677 = arith.cmpf ogt, %parallel_loop3A_676, %parallel_loop3A_653 : vector<16xf32>
      %parallel_loop3A_678 = arith.select %parallel_loop3A_677, %parallel_loop3A_676, %parallel_loop3A_653 : vector<16xi1>, vector<16xf32>
      %parallel_loop3A_679 = arith.select %parallel_loop3A_677, %parallel_loop3A_670, %parallel_loop3A_654 : vector<16xi1>, vector<16xi32>
      %parallel_loop3A_680 = arith.constant 16 : i32
      %parallel_loop3A_681 = arith.muli %parallel_loop3A_652, %parallel_loop3A_680 : i32
      %parallel_loop3A_682 = arith.constant 1 : i32
      %parallel_loop3A_683 = arith.index_cast %parallel_loop3A_682 : i32 to index
      %parallel_loop3A_684 = arith.index_cast %parallel_loop3A_681 : i32 to index
      %parallel_loop3A_685 = tpu.vector_load %arg5[%parallel_loop3A_683, %parallel_loop3A_684] {strides = array<i32>} : memref<8x3584xf32, #tpu.memory_space<vmem>>, vector<16xf32>,
      %parallel_loop3A_686 = arith.cmpf ogt, %parallel_loop3A_685, %parallel_loop3A_655 : vector<16xf32>
      %parallel_loop3A_687 = arith.select %parallel_loop3A_686, %parallel_loop3A_685, %parallel_loop3A_655 : vector<16xi1>, vector<16xf32>
      %parallel_loop3A_688 = arith.select %parallel_loop3A_686, %parallel_loop3A_670, %parallel_loop3A_656 : vector<16xi1>, vector<16xi32>
      %parallel_loop3A_689 = arith.constant 16 : i32
      %parallel_loop3A_690 = arith.muli %parallel_loop3A_652, %parallel_loop3A_689 : i32
      %parallel_loop3A_691 = arith.constant 2 : i32
      %parallel_loop3A_692 = arith.index_cast %parallel_loop3A_691 : i32 to index
      %parallel_loop3A_693 = arith.index_cast %parallel_loop3A_690 : i32 to index
      %parallel_loop3A_694 = tpu.vector_load %arg5[%parallel_loop3A_692, %parallel_loop3A_693] {strides = array<i32>} : memref<8x3584xf32, #tpu.memory_space<vmem>>, vector<16xf32>,
      %parallel_loop3A_695 = arith.cmpf ogt, %parallel_loop3A_694, %parallel_loop3A_657 : vector<16xf32>
      %parallel_loop3A_696 = arith.select %parallel_loop3A_695, %parallel_loop3A_694, %parallel_loop3A_657 : vector<16xi1>, vector<16xf32>
      %parallel_loop3A_697 = arith.select %parallel_loop3A_695, %parallel_loop3A_670, %parallel_loop3A_658 : vector<16xi1>, vector<16xi32>
      %parallel_loop3A_698 = arith.constant 16 : i32
      %parallel_loop3A_699 = arith.muli %parallel_loop3A_652, %parallel_loop3A_698 : i32
      %parallel_loop3A_700 = arith.constant 3 : i32
      %parallel_loop3A_701 = arith.index_cast %parallel_loop3A_700 : i32 to index
      %parallel_loop3A_702 = arith.index_cast %parallel_loop3A_699 : i32 to index
      %parallel_loop3A_703 = tpu.vector_load %arg5[%parallel_loop3A_701, %parallel_loop3A_702] {strides = array<i32>} : memref<8x3584xf32, #tpu.memory_space<vmem>>, vector<16xf32>,
      %parallel_loop3A_704 = arith.cmpf ogt, %parallel_loop3A_703, %parallel_loop3A_659 : vector<16xf32>
      %parallel_loop3A_705 = arith.select %parallel_loop3A_704, %parallel_loop3A_703, %parallel_loop3A_659 : vector<16xi1>, vector<16xf32>
      %parallel_loop3A_706 = arith.select %parallel_loop3A_704, %parallel_loop3A_670, %parallel_loop3A_660 : vector<16xi1>, vector<16xi32>
      %parallel_loop3A_707 = arith.constant 16 : i32
      %parallel_loop3A_708 = arith.muli %parallel_loop3A_652, %parallel_loop3A_707 : i32
      %parallel_loop3A_709 = arith.constant 4 : i32
      %parallel_loop3A_710 = arith.index_cast %parallel_loop3A_709 : i32 to index
      %parallel_loop3A_711 = arith.index_cast %parallel_loop3A_708 : i32 to index
      %parallel_loop3A_712 = tpu.vector_load %arg5[%parallel_loop3A_710, %parallel_loop3A_711] {strides = array<i32>} : memref<8x3584xf32, #tpu.memory_space<vmem>>, vector<16xf32>,
      %parallel_loop3A_713 = arith.cmpf ogt, %parallel_loop3A_712, %parallel_loop3A_661 : vector<16xf32>
      %parallel_loop3A_714 = arith.select %parallel_loop3A_713, %parallel_loop3A_712, %parallel_loop3A_661 : vector<16xi1>, vector<16xf32>
      %parallel_loop3A_715 = arith.select %parallel_loop3A_713, %parallel_loop3A_670, %parallel_loop3A_662 : vector<16xi1>, vector<16xi32>
      %parallel_loop3A_716 = arith.constant 16 : i32
      %parallel_loop3A_717 = arith.muli %parallel_loop3A_652, %parallel_loop3A_716 : i32
      %parallel_loop3A_718 = arith.constant 5 : i32
      %parallel_loop3A_719 = arith.index_cast %parallel_loop3A_718 : i32 to index
      %parallel_loop3A_720 = arith.index_cast %parallel_loop3A_717 : i32 to index
      %parallel_loop3A_721 = tpu.vector_load %arg5[%parallel_loop3A_719, %parallel_loop3A_720] {strides = array<i32>} : memref<8x3584xf32, #tpu.memory_space<vmem>>, vector<16xf32>,
      %parallel_loop3A_722 = arith.cmpf ogt, %parallel_loop3A_721, %parallel_loop3A_663 : vector<16xf32>
      %parallel_loop3A_723 = arith.select %parallel_loop3A_722, %parallel_loop3A_721, %parallel_loop3A_663 : vector<16xi1>, vector<16xf32>
      %parallel_loop3A_724 = arith.select %parallel_loop3A_722, %parallel_loop3A_670, %parallel_loop3A_664 : vector<16xi1>, vector<16xi32>
      %parallel_loop3A_725 = arith.constant 16 : i32
      %parallel_loop3A_726 = arith.muli %parallel_loop3A_652, %parallel_loop3A_725 : i32
      %parallel_loop3A_727 = arith.constant 6 : i32
      %parallel_loop3A_728 = arith.index_cast %parallel_loop3A_727 : i32 to index
      %parallel_loop3A_729 = arith.index_cast %parallel_loop3A_726 : i32 to index
      %parallel_loop3A_730 = tpu.vector_load %arg5[%parallel_loop3A_728, %parallel_loop3A_729] {strides = array<i32>} : memref<8x3584xf32, #tpu.memory_space<vmem>>, vector<16xf32>,
      %parallel_loop3A_731 = arith.cmpf ogt, %parallel_loop3A_730, %parallel_loop3A_665 : vector<16xf32>
      %parallel_loop3A_732 = arith.select %parallel_loop3A_731, %parallel_loop3A_730, %parallel_loop3A_665 : vector<16xi1>, vector<16xf32>
      %parallel_loop3A_733 = arith.select %parallel_loop3A_731, %parallel_loop3A_670, %parallel_loop3A_666 : vector<16xi1>, vector<16xi32>
      %parallel_loop3A_734 = arith.constant 16 : i32
      %parallel_loop3A_735 = arith.muli %parallel_loop3A_652, %parallel_loop3A_734 : i32
      %parallel_loop3A_736 = arith.constant 7 : i32
      %parallel_loop3A_737 = arith.index_cast %parallel_loop3A_736 : i32 to index
      %parallel_loop3A_738 = arith.index_cast %parallel_loop3A_735 : i32 to index
      %parallel_loop3A_739 = tpu.vector_load %arg5[%parallel_loop3A_737, %parallel_loop3A_738] {strides = array<i32>} : memref<8x3584xf32, #tpu.memory_space<vmem>>, vector<16xf32>,
      %parallel_loop3A_740 = arith.cmpf ogt, %parallel_loop3A_739, %parallel_loop3A_667 : vector<16xf32>
      %parallel_loop3A_741 = arith.select %parallel_loop3A_740, %parallel_loop3A_739, %parallel_loop3A_667 : vector<16xi1>, vector<16xf32>
      %parallel_loop3A_742 = arith.select %parallel_loop3A_740, %parallel_loop3A_670, %parallel_loop3A_668 : vector<16xi1>, vector<16xi32>
      scf.yield %parallel_loop3A_678, %parallel_loop3A_679, %parallel_loop3A_687, %parallel_loop3A_688, %parallel_loop3A_696, %parallel_loop3A_697, %parallel_loop3A_705, %parallel_loop3A_706, %parallel_loop3A_714, %parallel_loop3A_715, %parallel_loop3A_723, %parallel_loop3A_724, %parallel_loop3A_732, %parallel_loop3A_733, %parallel_loop3A_741, %parallel_loop3A_742 : vector<16xf32>, vector<16xi32>, vector<16xf32>, vector<16xi32>, vector<16xf32>, vector<16xi32>, vector<16xf32>, vector<16xi32>, vector<16xf32>, vector<16xi32>, vector<16xf32>, vector<16xi32>, vector<16xf32>, vector<16xi32>, vector<16xf32>, vector<16xi32>
    } {sc.loop_unroll_factor = 2 : i64, sc.parallel_access}
    %add3A_95 = arith.constant 276 : i32
    %add3A_96 = arith.addi %select_n3A_33, %add3A_95 : i32
    %min3A_97 = arith.constant 278 : i32
    %min3A_98 = arith.minsi %add3A_96, %min3A_97 : i32
    %mul3A_99 = arith.constant 3584 : i32
    %mul3A_100 = arith.muli %min3A_98, %mul3A_99 : i32
    %multiple_of3A_101 = tpu.assume_multiple %mul3A_100, 3584 : i32
    %dma_wait3A_102 = tpu.memref_slice %arg2[%multiple_of3A, %multiple_of3A_101] : memref<64x1000000xf32, #tpu.memory_space<hbm>> -> memref<8x3584xf32, #tpu.memory_space<hbm>>
    %dma_wait3A_103 = tpu.memref_slice %arg2[%multiple_of3A, %multiple_of3A_101] : memref<64x1000000xf32, #tpu.memory_space<hbm>> -> memref<8x3584xf32, #tpu.memory_space<hbm>>
    tpu.wait_dma2 semaphore(%arg13 : memref<!tpu.dma_semaphore, #tpu.memory_space<semaphore_mem>>) src(%dma_wait3A_103 : memref<8x3584xf32, #tpu.memory_space<hbm>>) dst(%arg6 : memref<8x3584xf32, #tpu.memory_space<vmem>>)
    %mul3A_104 = arith.constant 224 : i32
    %mul3A_105 = arith.muli %min3A_98, %mul3A_104 : i32
    %parallel_loop3A_106 = arith.constant 0 : i32
    %parallel_loop3A_107 = arith.constant 224 : i32
    %parallel_loop3A_108 = arith.constant 1 : i32
    %parallel_loop3A_109:16 = scf.for %parallel_loop3A_652 = %parallel_loop3A_106 to %parallel_loop3A_107 step %parallel_loop3A_108 iter_args(%parallel_loop3A_653 = %parallel_loop3A_94#0, %parallel_loop3A_654 = %parallel_loop3A_94#1, %parallel_loop3A_655 = %parallel_loop3A_94#2, %parallel_loop3A_656 = %parallel_loop3A_94#3, %parallel_loop3A_657 = %parallel_loop3A_94#4, %parallel_loop3A_658 = %parallel_loop3A_94#5, %parallel_loop3A_659 = %parallel_loop3A_94#6, %parallel_loop3A_660 = %parallel_loop3A_94#7, %parallel_loop3A_661 = %parallel_loop3A_94#8, %parallel_loop3A_662 = %parallel_loop3A_94#9, %parallel_loop3A_663 = %parallel_loop3A_94#10, %parallel_loop3A_664 = %parallel_loop3A_94#11, %parallel_loop3A_665 = %parallel_loop3A_94#12, %parallel_loop3A_666 = %parallel_loop3A_94#13, %parallel_loop3A_667 = %parallel_loop3A_94#14, %parallel_loop3A_668 = %parallel_loop3A_94#15) -> (vector<16xf32>, vector<16xi32>, vector<16xf32>, vector<16xi32>, vector<16xf32>, vector<16xi32>, vector<16xf32>, vector<16xi32>, vector<16xf32>, vector<16xi32>, vector<16xf32>, vector<16xi32>, vector<16xf32>, vector<16xi32>, vector<16xf32>, vector<16xi32>)  : i32 {
      %parallel_loop3A_669 = arith.addi %mul3A_105, %parallel_loop3A_652 : i32
      %parallel_loop3A_670 = vector.broadcast %parallel_loop3A_669 : i32 to vector<16xi32>
      %parallel_loop3A_671 = arith.constant 16 : i32
      %parallel_loop3A_672 = arith.muli %parallel_loop3A_652, %parallel_loop3A_671 : i32
      %parallel_loop3A_673 = arith.constant 0 : i32
      %parallel_loop3A_674 = arith.index_cast %parallel_loop3A_673 : i32 to index
      %parallel_loop3A_675 = arith.index_cast %parallel_loop3A_672 : i32 to index
      %parallel_loop3A_676 = tpu.vector_load %arg6[%parallel_loop3A_674, %parallel_loop3A_675] {strides = array<i32>} : memref<8x3584xf32, #tpu.memory_space<vmem>>, vector<16xf32>,
      %parallel_loop3A_677 = arith.cmpf ogt, %parallel_loop3A_676, %parallel_loop3A_653 : vector<16xf32>
      %parallel_loop3A_678 = arith.select %parallel_loop3A_677, %parallel_loop3A_676, %parallel_loop3A_653 : vector<16xi1>, vector<16xf32>
      %parallel_loop3A_679 = arith.select %parallel_loop3A_677, %parallel_loop3A_670, %parallel_loop3A_654 : vector<16xi1>, vector<16xi32>
      %parallel_loop3A_680 = arith.constant 16 : i32
      %parallel_loop3A_681 = arith.muli %parallel_loop3A_652, %parallel_loop3A_680 : i32
      %parallel_loop3A_682 = arith.constant 1 : i32
      %parallel_loop3A_683 = arith.index_cast %parallel_loop3A_682 : i32 to index
      %parallel_loop3A_684 = arith.index_cast %parallel_loop3A_681 : i32 to index
      %parallel_loop3A_685 = tpu.vector_load %arg6[%parallel_loop3A_683, %parallel_loop3A_684] {strides = array<i32>} : memref<8x3584xf32, #tpu.memory_space<vmem>>, vector<16xf32>,
      %parallel_loop3A_686 = arith.cmpf ogt, %parallel_loop3A_685, %parallel_loop3A_655 : vector<16xf32>
      %parallel_loop3A_687 = arith.select %parallel_loop3A_686, %parallel_loop3A_685, %parallel_loop3A_655 : vector<16xi1>, vector<16xf32>
      %parallel_loop3A_688 = arith.select %parallel_loop3A_686, %parallel_loop3A_670, %parallel_loop3A_656 : vector<16xi1>, vector<16xi32>
      %parallel_loop3A_689 = arith.constant 16 : i32
      %parallel_loop3A_690 = arith.muli %parallel_loop3A_652, %parallel_loop3A_689 : i32
      %parallel_loop3A_691 = arith.constant 2 : i32
      %parallel_loop3A_692 = arith.index_cast %parallel_loop3A_691 : i32 to index
      %parallel_loop3A_693 = arith.index_cast %parallel_loop3A_690 : i32 to index
      %parallel_loop3A_694 = tpu.vector_load %arg6[%parallel_loop3A_692, %parallel_loop3A_693] {strides = array<i32>} : memref<8x3584xf32, #tpu.memory_space<vmem>>, vector<16xf32>,
      %parallel_loop3A_695 = arith.cmpf ogt, %parallel_loop3A_694, %parallel_loop3A_657 : vector<16xf32>
      %parallel_loop3A_696 = arith.select %parallel_loop3A_695, %parallel_loop3A_694, %parallel_loop3A_657 : vector<16xi1>, vector<16xf32>
      %parallel_loop3A_697 = arith.select %parallel_loop3A_695, %parallel_loop3A_670, %parallel_loop3A_658 : vector<16xi1>, vector<16xi32>
      %parallel_loop3A_698 = arith.constant 16 : i32
      %parallel_loop3A_699 = arith.muli %parallel_loop3A_652, %parallel_loop3A_698 : i32
      %parallel_loop3A_700 = arith.constant 3 : i32
      %parallel_loop3A_701 = arith.index_cast %parallel_loop3A_700 : i32 to index
      %parallel_loop3A_702 = arith.index_cast %parallel_loop3A_699 : i32 to index
      %parallel_loop3A_703 = tpu.vector_load %arg6[%parallel_loop3A_701, %parallel_loop3A_702] {strides = array<i32>} : memref<8x3584xf32, #tpu.memory_space<vmem>>, vector<16xf32>,
      %parallel_loop3A_704 = arith.cmpf ogt, %parallel_loop3A_703, %parallel_loop3A_659 : vector<16xf32>
      %parallel_loop3A_705 = arith.select %parallel_loop3A_704, %parallel_loop3A_703, %parallel_loop3A_659 : vector<16xi1>, vector<16xf32>
      %parallel_loop3A_706 = arith.select %parallel_loop3A_704, %parallel_loop3A_670, %parallel_loop3A_660 : vector<16xi1>, vector<16xi32>
      %parallel_loop3A_707 = arith.constant 16 : i32
      %parallel_loop3A_708 = arith.muli %parallel_loop3A_652, %parallel_loop3A_707 : i32
      %parallel_loop3A_709 = arith.constant 4 : i32
      %parallel_loop3A_710 = arith.index_cast %parallel_loop3A_709 : i32 to index
      %parallel_loop3A_711 = arith.index_cast %parallel_loop3A_708 : i32 to index
      %parallel_loop3A_712 = tpu.vector_load %arg6[%parallel_loop3A_710, %parallel_loop3A_711] {strides = array<i32>} : memref<8x3584xf32, #tpu.memory_space<vmem>>, vector<16xf32>,
      %parallel_loop3A_713 = arith.cmpf ogt, %parallel_loop3A_712, %parallel_loop3A_661 : vector<16xf32>
      %parallel_loop3A_714 = arith.select %parallel_loop3A_713, %parallel_loop3A_712, %parallel_loop3A_661 : vector<16xi1>, vector<16xf32>
      %parallel_loop3A_715 = arith.select %parallel_loop3A_713, %parallel_loop3A_670, %parallel_loop3A_662 : vector<16xi1>, vector<16xi32>
      %parallel_loop3A_716 = arith.constant 16 : i32
      %parallel_loop3A_717 = arith.muli %parallel_loop3A_652, %parallel_loop3A_716 : i32
      %parallel_loop3A_718 = arith.constant 5 : i32
      %parallel_loop3A_719 = arith.index_cast %parallel_loop3A_718 : i32 to index
      %parallel_loop3A_720 = arith.index_cast %parallel_loop3A_717 : i32 to index
      %parallel_loop3A_721 = tpu.vector_load %arg6[%parallel_loop3A_719, %parallel_loop3A_720] {strides = array<i32>} : memref<8x3584xf32, #tpu.memory_space<vmem>>, vector<16xf32>,
      %parallel_loop3A_722 = arith.cmpf ogt, %parallel_loop3A_721, %parallel_loop3A_663 : vector<16xf32>
      %parallel_loop3A_723 = arith.select %parallel_loop3A_722, %parallel_loop3A_721, %parallel_loop3A_663 : vector<16xi1>, vector<16xf32>
      %parallel_loop3A_724 = arith.select %parallel_loop3A_722, %parallel_loop3A_670, %parallel_loop3A_664 : vector<16xi1>, vector<16xi32>
      %parallel_loop3A_725 = arith.constant 16 : i32
      %parallel_loop3A_726 = arith.muli %parallel_loop3A_652, %parallel_loop3A_725 : i32
      %parallel_loop3A_727 = arith.constant 6 : i32
      %parallel_loop3A_728 = arith.index_cast %parallel_loop3A_727 : i32 to index
      %parallel_loop3A_729 = arith.index_cast %parallel_loop3A_726 : i32 to index
      %parallel_loop3A_730 = tpu.vector_load %arg6[%parallel_loop3A_728, %parallel_loop3A_729] {strides = array<i32>} : memref<8x3584xf32, #tpu.memory_space<vmem>>, vector<16xf32>,
      %parallel_loop3A_731 = arith.cmpf ogt, %parallel_loop3A_730, %parallel_loop3A_665 : vector<16xf32>
      %parallel_loop3A_732 = arith.select %parallel_loop3A_731, %parallel_loop3A_730, %parallel_loop3A_665 : vector<16xi1>, vector<16xf32>
      %parallel_loop3A_733 = arith.select %parallel_loop3A_731, %parallel_loop3A_670, %parallel_loop3A_666 : vector<16xi1>, vector<16xi32>
      %parallel_loop3A_734 = arith.constant 16 : i32
      %parallel_loop3A_735 = arith.muli %parallel_loop3A_652, %parallel_loop3A_734 : i32
      %parallel_loop3A_736 = arith.constant 7 : i32
      %parallel_loop3A_737 = arith.index_cast %parallel_loop3A_736 : i32 to index
      %parallel_loop3A_738 = arith.index_cast %parallel_loop3A_735 : i32 to index
      %parallel_loop3A_739 = tpu.vector_load %arg6[%parallel_loop3A_737, %parallel_loop3A_738] {strides = array<i32>} : memref<8x3584xf32, #tpu.memory_space<vmem>>, vector<16xf32>,
      %parallel_loop3A_740 = arith.cmpf ogt, %parallel_loop3A_739, %parallel_loop3A_667 : vector<16xf32>
      %parallel_loop3A_741 = arith.select %parallel_loop3A_740, %parallel_loop3A_739, %parallel_loop3A_667 : vector<16xi1>, vector<16xf32>
      %parallel_loop3A_742 = arith.select %parallel_loop3A_740, %parallel_loop3A_670, %parallel_loop3A_668 : vector<16xi1>, vector<16xi32>
      scf.yield %parallel_loop3A_678, %parallel_loop3A_679, %parallel_loop3A_687, %parallel_loop3A_688, %parallel_loop3A_696, %parallel_loop3A_697, %parallel_loop3A_705, %parallel_loop3A_706, %parallel_loop3A_714, %parallel_loop3A_715, %parallel_loop3A_723, %parallel_loop3A_724, %parallel_loop3A_732, %parallel_loop3A_733, %parallel_loop3A_741, %parallel_loop3A_742 : vector<16xf32>, vector<16xi32>, vector<16xf32>, vector<16xi32>, vector<16xf32>, vector<16xi32>, vector<16xf32>, vector<16xi32>, vector<16xf32>, vector<16xi32>, vector<16xf32>, vector<16xi32>, vector<16xf32>, vector<16xi32>, vector<16xf32>, vector<16xi32>
    } {sc.loop_unroll_factor = 2 : i64, sc.parallel_access}
    %dma_wait3A_110 = arith.constant 999936 : i32
    %dma_wait3A_111 = tpu.memref_slice %arg2[%multiple_of3A, %dma_wait3A_110] : memref<64x1000000xf32, #tpu.memory_space<hbm>> -> memref<8x64xf32, #tpu.memory_space<hbm>>
    %dma_wait3A_112 = arith.constant 999936 : i32
    %dma_wait3A_113 = tpu.memref_slice %arg2[%multiple_of3A, %dma_wait3A_112] : memref<64x1000000xf32, #tpu.memory_space<hbm>> -> memref<8x64xf32, #tpu.memory_space<hbm>>
    tpu.wait_dma2 semaphore(%arg16 : memref<!tpu.dma_semaphore, #tpu.memory_space<semaphore_mem>>) src(%dma_wait3A_113 : memref<8x64xf32, #tpu.memory_space<hbm>>) dst(%arg9 : memref<8x64xf32, #tpu.memory_space<vmem>>)
    %get3A = arith.constant 0 : i32
    %get3A_114 = arith.index_cast %get3A : i32 to index
    %get3A_115 = arith.constant 0 : index
    %get3A_116 = tpu.vector_load %arg9[%get3A_114, %get3A_115] {strides = array<i32>} : memref<8x64xf32, #tpu.memory_space<vmem>>, vector<16xf32>,
    %broadcast_in_dim3A_117 = arith.constant 62496 : i32
    %broadcast_in_dim3A_118 = vector.broadcast %broadcast_in_dim3A_117 : i32 to vector<16xi32>
    %gt3A = arith.cmpf ogt, %get3A_116, %parallel_loop3A_109#0 : vector<16xf32>
    %select_n3A_119 = arith.select %gt3A, %get3A_116, %parallel_loop3A_109#0 : vector<16xi1>, vector<16xf32>
    %select_n3A_120 = arith.select %gt3A, %broadcast_in_dim3A_118, %parallel_loop3A_109#1 : vector<16xi1>, vector<16xi32>
    %get3A_121 = arith.constant 0 : i32
    %get3A_122 = arith.index_cast %get3A_121 : i32 to index
    %get3A_123 = arith.constant 16 : index
    %get3A_124 = tpu.vector_load %arg9[%get3A_122, %get3A_123] {strides = array<i32>} : memref<8x64xf32, #tpu.memory_space<vmem>>, vector<16xf32>,
    %broadcast_in_dim3A_125 = arith.constant 62497 : i32
    %broadcast_in_dim3A_126 = vector.broadcast %broadcast_in_dim3A_125 : i32 to vector<16xi32>
    %gt3A_127 = arith.cmpf ogt, %get3A_124, %select_n3A_119 : vector<16xf32>
    %select_n3A_128 = arith.select %gt3A_127, %get3A_124, %select_n3A_119 : vector<16xi1>, vector<16xf32>
    %select_n3A_129 = arith.select %gt3A_127, %broadcast_in_dim3A_126, %select_n3A_120 : vector<16xi1>, vector<16xi32>
    %get3A_130 = arith.constant 0 : i32
    %get3A_131 = arith.index_cast %get3A_130 : i32 to index
    %get3A_132 = arith.constant 32 : index
    %get3A_133 = tpu.vector_load %arg9[%get3A_131, %get3A_132] {strides = array<i32>} : memref<8x64xf32, #tpu.memory_space<vmem>>, vector<16xf32>,
    %broadcast_in_dim3A_134 = arith.constant 62498 : i32
    %broadcast_in_dim3A_135 = vector.broadcast %broadcast_in_dim3A_134 : i32 to vector<16xi32>
    %gt3A_136 = arith.cmpf ogt, %get3A_133, %select_n3A_128 : vector<16xf32>
    %select_n3A_137 = arith.select %gt3A_136, %get3A_133, %select_n3A_128 : vector<16xi1>, vector<16xf32>
    %select_n3A_138 = arith.select %gt3A_136, %broadcast_in_dim3A_135, %select_n3A_129 : vector<16xi1>, vector<16xi32>
    %get3A_139 = arith.constant 0 : i32
    %get3A_140 = arith.index_cast %get3A_139 : i32 to index
    %get3A_141 = arith.constant 48 : index
    %get3A_142 = tpu.vector_load %arg9[%get3A_140, %get3A_141] {strides = array<i32>} : memref<8x64xf32, #tpu.memory_space<vmem>>, vector<16xf32>,
    %broadcast_in_dim3A_143 = arith.constant 62499 : i32
    %broadcast_in_dim3A_144 = vector.broadcast %broadcast_in_dim3A_143 : i32 to vector<16xi32>
    %gt3A_145 = arith.cmpf ogt, %get3A_142, %select_n3A_137 : vector<16xf32>
    %select_n3A_146 = arith.select %gt3A_145, %get3A_142, %select_n3A_137 : vector<16xi1>, vector<16xf32>
    %select_n3A_147 = arith.select %gt3A_145, %broadcast_in_dim3A_144, %select_n3A_138 : vector<16xi1>, vector<16xi32>
    %get3A_148 = arith.constant 1 : i32
    %get3A_149 = arith.index_cast %get3A_148 : i32 to index
    %get3A_150 = arith.constant 0 : index
    %get3A_151 = tpu.vector_load %arg9[%get3A_149, %get3A_150] {strides = array<i32>} : memref<8x64xf32, #tpu.memory_space<vmem>>, vector<16xf32>,
    %broadcast_in_dim3A_152 = arith.constant 62496 : i32
    %broadcast_in_dim3A_153 = vector.broadcast %broadcast_in_dim3A_152 : i32 to vector<16xi32>
    %gt3A_154 = arith.cmpf ogt, %get3A_151, %parallel_loop3A_109#2 : vector<16xf32>
    %select_n3A_155 = arith.select %gt3A_154, %get3A_151, %parallel_loop3A_109#2 : vector<16xi1>, vector<16xf32>
    %select_n3A_156 = arith.select %gt3A_154, %broadcast_in_dim3A_153, %parallel_loop3A_109#3 : vector<16xi1>, vector<16xi32>
    %get3A_157 = arith.constant 1 : i32
    %get3A_158 = arith.index_cast %get3A_157 : i32 to index
    %get3A_159 = arith.constant 16 : index
    %get3A_160 = tpu.vector_load %arg9[%get3A_158, %get3A_159] {strides = array<i32>} : memref<8x64xf32, #tpu.memory_space<vmem>>, vector<16xf32>,
    %broadcast_in_dim3A_161 = arith.constant 62497 : i32
    %broadcast_in_dim3A_162 = vector.broadcast %broadcast_in_dim3A_161 : i32 to vector<16xi32>
    %gt3A_163 = arith.cmpf ogt, %get3A_160, %select_n3A_155 : vector<16xf32>
    %select_n3A_164 = arith.select %gt3A_163, %get3A_160, %select_n3A_155 : vector<16xi1>, vector<16xf32>
    %select_n3A_165 = arith.select %gt3A_163, %broadcast_in_dim3A_162, %select_n3A_156 : vector<16xi1>, vector<16xi32>
    %get3A_166 = arith.constant 1 : i32
    %get3A_167 = arith.index_cast %get3A_166 : i32 to index
    %get3A_168 = arith.constant 32 : index
    %get3A_169 = tpu.vector_load %arg9[%get3A_167, %get3A_168] {strides = array<i32>} : memref<8x64xf32, #tpu.memory_space<vmem>>, vector<16xf32>,
    %broadcast_in_dim3A_170 = arith.constant 62498 : i32
    %broadcast_in_dim3A_171 = vector.broadcast %broadcast_in_dim3A_170 : i32 to vector<16xi32>
    %gt3A_172 = arith.cmpf ogt, %get3A_169, %select_n3A_164 : vector<16xf32>
    %select_n3A_173 = arith.select %gt3A_172, %get3A_169, %select_n3A_164 : vector<16xi1>, vector<16xf32>
    %select_n3A_174 = arith.select %gt3A_172, %broadcast_in_dim3A_171, %select_n3A_165 : vector<16xi1>, vector<16xi32>
    %get3A_175 = arith.constant 1 : i32
    %get3A_176 = arith.index_cast %get3A_175 : i32 to index
    %get3A_177 = arith.constant 48 : index
    %get3A_178 = tpu.vector_load %arg9[%get3A_176, %get3A_177] {strides = array<i32>} : memref<8x64xf32, #tpu.memory_space<vmem>>, vector<16xf32>,
    %broadcast_in_dim3A_179 = arith.constant 62499 : i32
    %broadcast_in_dim3A_180 = vector.broadcast %broadcast_in_dim3A_179 : i32 to vector<16xi32>
    %gt3A_181 = arith.cmpf ogt, %get3A_178, %select_n3A_173 : vector<16xf32>
    %select_n3A_182 = arith.select %gt3A_181, %get3A_178, %select_n3A_173 : vector<16xi1>, vector<16xf32>
    %select_n3A_183 = arith.select %gt3A_181, %broadcast_in_dim3A_180, %select_n3A_174 : vector<16xi1>, vector<16xi32>
    %get3A_184 = arith.constant 2 : i32
    %get3A_185 = arith.index_cast %get3A_184 : i32 to index
    %get3A_186 = arith.constant 0 : index
    %get3A_187 = tpu.vector_load %arg9[%get3A_185, %get3A_186] {strides = array<i32>} : memref<8x64xf32, #tpu.memory_space<vmem>>, vector<16xf32>,
    %broadcast_in_dim3A_188 = arith.constant 62496 : i32
    %broadcast_in_dim3A_189 = vector.broadcast %broadcast_in_dim3A_188 : i32 to vector<16xi32>
    %gt3A_190 = arith.cmpf ogt, %get3A_187, %parallel_loop3A_109#4 : vector<16xf32>
    %select_n3A_191 = arith.select %gt3A_190, %get3A_187, %parallel_loop3A_109#4 : vector<16xi1>, vector<16xf32>
    %select_n3A_192 = arith.select %gt3A_190, %broadcast_in_dim3A_189, %parallel_loop3A_109#5 : vector<16xi1>, vector<16xi32>
    %get3A_193 = arith.constant 2 : i32
    %get3A_194 = arith.index_cast %get3A_193 : i32 to index
    %get3A_195 = arith.constant 16 : index
    %get3A_196 = tpu.vector_load %arg9[%get3A_194, %get3A_195] {strides = array<i32>} : memref<8x64xf32, #tpu.memory_space<vmem>>, vector<16xf32>,
    %broadcast_in_dim3A_197 = arith.constant 62497 : i32
    %broadcast_in_dim3A_198 = vector.broadcast %broadcast_in_dim3A_197 : i32 to vector<16xi32>
    %gt3A_199 = arith.cmpf ogt, %get3A_196, %select_n3A_191 : vector<16xf32>
    %select_n3A_200 = arith.select %gt3A_199, %get3A_196, %select_n3A_191 : vector<16xi1>, vector<16xf32>
    %select_n3A_201 = arith.select %gt3A_199, %broadcast_in_dim3A_198, %select_n3A_192 : vector<16xi1>, vector<16xi32>
    %get3A_202 = arith.constant 2 : i32
    %get3A_203 = arith.index_cast %get3A_202 : i32 to index
    %get3A_204 = arith.constant 32 : index
    %get3A_205 = tpu.vector_load %arg9[%get3A_203, %get3A_204] {strides = array<i32>} : memref<8x64xf32, #tpu.memory_space<vmem>>, vector<16xf32>,
    %broadcast_in_dim3A_206 = arith.constant 62498 : i32
    %broadcast_in_dim3A_207 = vector.broadcast %broadcast_in_dim3A_206 : i32 to vector<16xi32>
    %gt3A_208 = arith.cmpf ogt, %get3A_205, %select_n3A_200 : vector<16xf32>
    %select_n3A_209 = arith.select %gt3A_208, %get3A_205, %select_n3A_200 : vector<16xi1>, vector<16xf32>
    %select_n3A_210 = arith.select %gt3A_208, %broadcast_in_dim3A_207, %select_n3A_201 : vector<16xi1>, vector<16xi32>
    %get3A_211 = arith.constant 2 : i32
    %get3A_212 = arith.index_cast %get3A_211 : i32 to index
    %get3A_213 = arith.constant 48 : index
    %get3A_214 = tpu.vector_load %arg9[%get3A_212, %get3A_213] {strides = array<i32>} : memref<8x64xf32, #tpu.memory_space<vmem>>, vector<16xf32>,
    %broadcast_in_dim3A_215 = arith.constant 62499 : i32
    %broadcast_in_dim3A_216 = vector.broadcast %broadcast_in_dim3A_215 : i32 to vector<16xi32>
    %gt3A_217 = arith.cmpf ogt, %get3A_214, %select_n3A_209 : vector<16xf32>
    %select_n3A_218 = arith.select %gt3A_217, %get3A_214, %select_n3A_209 : vector<16xi1>, vector<16xf32>
    %select_n3A_219 = arith.select %gt3A_217, %broadcast_in_dim3A_216, %select_n3A_210 : vector<16xi1>, vector<16xi32>
    %get3A_220 = arith.constant 3 : i32
    %get3A_221 = arith.index_cast %get3A_220 : i32 to index
    %get3A_222 = arith.constant 0 : index
    %get3A_223 = tpu.vector_load %arg9[%get3A_221, %get3A_222] {strides = array<i32>} : memref<8x64xf32, #tpu.memory_space<vmem>>, vector<16xf32>,
    %broadcast_in_dim3A_224 = arith.constant 62496 : i32
    %broadcast_in_dim3A_225 = vector.broadcast %broadcast_in_dim3A_224 : i32 to vector<16xi32>
    %gt3A_226 = arith.cmpf ogt, %get3A_223, %parallel_loop3A_109#6 : vector<16xf32>
    %select_n3A_227 = arith.select %gt3A_226, %get3A_223, %parallel_loop3A_109#6 : vector<16xi1>, vector<16xf32>
    %select_n3A_228 = arith.select %gt3A_226, %broadcast_in_dim3A_225, %parallel_loop3A_109#7 : vector<16xi1>, vector<16xi32>
    %get3A_229 = arith.constant 3 : i32
    %get3A_230 = arith.index_cast %get3A_229 : i32 to index
    %get3A_231 = arith.constant 16 : index
    %get3A_232 = tpu.vector_load %arg9[%get3A_230, %get3A_231] {strides = array<i32>} : memref<8x64xf32, #tpu.memory_space<vmem>>, vector<16xf32>,
    %broadcast_in_dim3A_233 = arith.constant 62497 : i32
    %broadcast_in_dim3A_234 = vector.broadcast %broadcast_in_dim3A_233 : i32 to vector<16xi32>
    %gt3A_235 = arith.cmpf ogt, %get3A_232, %select_n3A_227 : vector<16xf32>
    %select_n3A_236 = arith.select %gt3A_235, %get3A_232, %select_n3A_227 : vector<16xi1>, vector<16xf32>
    %select_n3A_237 = arith.select %gt3A_235, %broadcast_in_dim3A_234, %select_n3A_228 : vector<16xi1>, vector<16xi32>
    %get3A_238 = arith.constant 3 : i32
    %get3A_239 = arith.index_cast %get3A_238 : i32 to index
    %get3A_240 = arith.constant 32 : index
    %get3A_241 = tpu.vector_load %arg9[%get3A_239, %get3A_240] {strides = array<i32>} : memref<8x64xf32, #tpu.memory_space<vmem>>, vector<16xf32>,
    %broadcast_in_dim3A_242 = arith.constant 62498 : i32
    %broadcast_in_dim3A_243 = vector.broadcast %broadcast_in_dim3A_242 : i32 to vector<16xi32>
    %gt3A_244 = arith.cmpf ogt, %get3A_241, %select_n3A_236 : vector<16xf32>
    %select_n3A_245 = arith.select %gt3A_244, %get3A_241, %select_n3A_236 : vector<16xi1>, vector<16xf32>
    %select_n3A_246 = arith.select %gt3A_244, %broadcast_in_dim3A_243, %select_n3A_237 : vector<16xi1>, vector<16xi32>
    %get3A_247 = arith.constant 3 : i32
    %get3A_248 = arith.index_cast %get3A_247 : i32 to index
    %get3A_249 = arith.constant 48 : index
    %get3A_250 = tpu.vector_load %arg9[%get3A_248, %get3A_249] {strides = array<i32>} : memref<8x64xf32, #tpu.memory_space<vmem>>, vector<16xf32>,
    %broadcast_in_dim3A_251 = arith.constant 62499 : i32
    %broadcast_in_dim3A_252 = vector.broadcast %broadcast_in_dim3A_251 : i32 to vector<16xi32>
    %gt3A_253 = arith.cmpf ogt, %get3A_250, %select_n3A_245 : vector<16xf32>
    %select_n3A_254 = arith.select %gt3A_253, %get3A_250, %select_n3A_245 : vector<16xi1>, vector<16xf32>
    %select_n3A_255 = arith.select %gt3A_253, %broadcast_in_dim3A_252, %select_n3A_246 : vector<16xi1>, vector<16xi32>
    %get3A_256 = arith.constant 4 : i32
    %get3A_257 = arith.index_cast %get3A_256 : i32 to index
    %get3A_258 = arith.constant 0 : index
    %get3A_259 = tpu.vector_load %arg9[%get3A_257, %get3A_258] {strides = array<i32>} : memref<8x64xf32, #tpu.memory_space<vmem>>, vector<16xf32>,
    %broadcast_in_dim3A_260 = arith.constant 62496 : i32
    %broadcast_in_dim3A_261 = vector.broadcast %broadcast_in_dim3A_260 : i32 to vector<16xi32>
    %gt3A_262 = arith.cmpf ogt, %get3A_259, %parallel_loop3A_109#8 : vector<16xf32>
    %select_n3A_263 = arith.select %gt3A_262, %get3A_259, %parallel_loop3A_109#8 : vector<16xi1>, vector<16xf32>
    %select_n3A_264 = arith.select %gt3A_262, %broadcast_in_dim3A_261, %parallel_loop3A_109#9 : vector<16xi1>, vector<16xi32>
    %get3A_265 = arith.constant 4 : i32
    %get3A_266 = arith.index_cast %get3A_265 : i32 to index
    %get3A_267 = arith.constant 16 : index
    %get3A_268 = tpu.vector_load %arg9[%get3A_266, %get3A_267] {strides = array<i32>} : memref<8x64xf32, #tpu.memory_space<vmem>>, vector<16xf32>,
    %broadcast_in_dim3A_269 = arith.constant 62497 : i32
    %broadcast_in_dim3A_270 = vector.broadcast %broadcast_in_dim3A_269 : i32 to vector<16xi32>
    %gt3A_271 = arith.cmpf ogt, %get3A_268, %select_n3A_263 : vector<16xf32>
    %select_n3A_272 = arith.select %gt3A_271, %get3A_268, %select_n3A_263 : vector<16xi1>, vector<16xf32>
    %select_n3A_273 = arith.select %gt3A_271, %broadcast_in_dim3A_270, %select_n3A_264 : vector<16xi1>, vector<16xi32>
    %get3A_274 = arith.constant 4 : i32
    %get3A_275 = arith.index_cast %get3A_274 : i32 to index
    %get3A_276 = arith.constant 32 : index
    %get3A_277 = tpu.vector_load %arg9[%get3A_275, %get3A_276] {strides = array<i32>} : memref<8x64xf32, #tpu.memory_space<vmem>>, vector<16xf32>,
    %broadcast_in_dim3A_278 = arith.constant 62498 : i32
    %broadcast_in_dim3A_279 = vector.broadcast %broadcast_in_dim3A_278 : i32 to vector<16xi32>
    %gt3A_280 = arith.cmpf ogt, %get3A_277, %select_n3A_272 : vector<16xf32>
    %select_n3A_281 = arith.select %gt3A_280, %get3A_277, %select_n3A_272 : vector<16xi1>, vector<16xf32>
    %select_n3A_282 = arith.select %gt3A_280, %broadcast_in_dim3A_279, %select_n3A_273 : vector<16xi1>, vector<16xi32>
    %get3A_283 = arith.constant 4 : i32
    %get3A_284 = arith.index_cast %get3A_283 : i32 to index
    %get3A_285 = arith.constant 48 : index
    %get3A_286 = tpu.vector_load %arg9[%get3A_284, %get3A_285] {strides = array<i32>} : memref<8x64xf32, #tpu.memory_space<vmem>>, vector<16xf32>,
    %broadcast_in_dim3A_287 = arith.constant 62499 : i32
    %broadcast_in_dim3A_288 = vector.broadcast %broadcast_in_dim3A_287 : i32 to vector<16xi32>
    %gt3A_289 = arith.cmpf ogt, %get3A_286, %select_n3A_281 : vector<16xf32>
    %select_n3A_290 = arith.select %gt3A_289, %get3A_286, %select_n3A_281 : vector<16xi1>, vector<16xf32>
    %select_n3A_291 = arith.select %gt3A_289, %broadcast_in_dim3A_288, %select_n3A_282 : vector<16xi1>, vector<16xi32>
    %get3A_292 = arith.constant 5 : i32
    %get3A_293 = arith.index_cast %get3A_292 : i32 to index
    %get3A_294 = arith.constant 0 : index
    %get3A_295 = tpu.vector_load %arg9[%get3A_293, %get3A_294] {strides = array<i32>} : memref<8x64xf32, #tpu.memory_space<vmem>>, vector<16xf32>,
    %broadcast_in_dim3A_296 = arith.constant 62496 : i32
    %broadcast_in_dim3A_297 = vector.broadcast %broadcast_in_dim3A_296 : i32 to vector<16xi32>
    %gt3A_298 = arith.cmpf ogt, %get3A_295, %parallel_loop3A_109#10 : vector<16xf32>
    %select_n3A_299 = arith.select %gt3A_298, %get3A_295, %parallel_loop3A_109#10 : vector<16xi1>, vector<16xf32>
    %select_n3A_300 = arith.select %gt3A_298, %broadcast_in_dim3A_297, %parallel_loop3A_109#11 : vector<16xi1>, vector<16xi32>
    %get3A_301 = arith.constant 5 : i32
    %get3A_302 = arith.index_cast %get3A_301 : i32 to index
    %get3A_303 = arith.constant 16 : index
    %get3A_304 = tpu.vector_load %arg9[%get3A_302, %get3A_303] {strides = array<i32>} : memref<8x64xf32, #tpu.memory_space<vmem>>, vector<16xf32>,
    %broadcast_in_dim3A_305 = arith.constant 62497 : i32
    %broadcast_in_dim3A_306 = vector.broadcast %broadcast_in_dim3A_305 : i32 to vector<16xi32>
    %gt3A_307 = arith.cmpf ogt, %get3A_304, %select_n3A_299 : vector<16xf32>
    %select_n3A_308 = arith.select %gt3A_307, %get3A_304, %select_n3A_299 : vector<16xi1>, vector<16xf32>
    %select_n3A_309 = arith.select %gt3A_307, %broadcast_in_dim3A_306, %select_n3A_300 : vector<16xi1>, vector<16xi32>
    %get3A_310 = arith.constant 5 : i32
    %get3A_311 = arith.index_cast %get3A_310 : i32 to index
    %get3A_312 = arith.constant 32 : index
    %get3A_313 = tpu.vector_load %arg9[%get3A_311, %get3A_312] {strides = array<i32>} : memref<8x64xf32, #tpu.memory_space<vmem>>, vector<16xf32>,
    %broadcast_in_dim3A_314 = arith.constant 62498 : i32
    %broadcast_in_dim3A_315 = vector.broadcast %broadcast_in_dim3A_314 : i32 to vector<16xi32>
    %gt3A_316 = arith.cmpf ogt, %get3A_313, %select_n3A_308 : vector<16xf32>
    %select_n3A_317 = arith.select %gt3A_316, %get3A_313, %select_n3A_308 : vector<16xi1>, vector<16xf32>
    %select_n3A_318 = arith.select %gt3A_316, %broadcast_in_dim3A_315, %select_n3A_309 : vector<16xi1>, vector<16xi32>
    %get3A_319 = arith.constant 5 : i32
    %get3A_320 = arith.index_cast %get3A_319 : i32 to index
    %get3A_321 = arith.constant 48 : index
    %get3A_322 = tpu.vector_load %arg9[%get3A_320, %get3A_321] {strides = array<i32>} : memref<8x64xf32, #tpu.memory_space<vmem>>, vector<16xf32>,
    %broadcast_in_dim3A_323 = arith.constant 62499 : i32
    %broadcast_in_dim3A_324 = vector.broadcast %broadcast_in_dim3A_323 : i32 to vector<16xi32>
    %gt3A_325 = arith.cmpf ogt, %get3A_322, %select_n3A_317 : vector<16xf32>
    %select_n3A_326 = arith.select %gt3A_325, %get3A_322, %select_n3A_317 : vector<16xi1>, vector<16xf32>
    %select_n3A_327 = arith.select %gt3A_325, %broadcast_in_dim3A_324, %select_n3A_318 : vector<16xi1>, vector<16xi32>
    %get3A_328 = arith.constant 6 : i32
    %get3A_329 = arith.index_cast %get3A_328 : i32 to index
    %get3A_330 = arith.constant 0 : index
    %get3A_331 = tpu.vector_load %arg9[%get3A_329, %get3A_330] {strides = array<i32>} : memref<8x64xf32, #tpu.memory_space<vmem>>, vector<16xf32>,
    %broadcast_in_dim3A_332 = arith.constant 62496 : i32
    %broadcast_in_dim3A_333 = vector.broadcast %broadcast_in_dim3A_332 : i32 to vector<16xi32>
    %gt3A_334 = arith.cmpf ogt, %get3A_331, %parallel_loop3A_109#12 : vector<16xf32>
    %select_n3A_335 = arith.select %gt3A_334, %get3A_331, %parallel_loop3A_109#12 : vector<16xi1>, vector<16xf32>
    %select_n3A_336 = arith.select %gt3A_334, %broadcast_in_dim3A_333, %parallel_loop3A_109#13 : vector<16xi1>, vector<16xi32>
    %get3A_337 = arith.constant 6 : i32
    %get3A_338 = arith.index_cast %get3A_337 : i32 to index
    %get3A_339 = arith.constant 16 : index
    %get3A_340 = tpu.vector_load %arg9[%get3A_338, %get3A_339] {strides = array<i32>} : memref<8x64xf32, #tpu.memory_space<vmem>>, vector<16xf32>,
    %broadcast_in_dim3A_341 = arith.constant 62497 : i32
    %broadcast_in_dim3A_342 = vector.broadcast %broadcast_in_dim3A_341 : i32 to vector<16xi32>
    %gt3A_343 = arith.cmpf ogt, %get3A_340, %select_n3A_335 : vector<16xf32>
    %select_n3A_344 = arith.select %gt3A_343, %get3A_340, %select_n3A_335 : vector<16xi1>, vector<16xf32>
    %select_n3A_345 = arith.select %gt3A_343, %broadcast_in_dim3A_342, %select_n3A_336 : vector<16xi1>, vector<16xi32>
    %get3A_346 = arith.constant 6 : i32
    %get3A_347 = arith.index_cast %get3A_346 : i32 to index
    %get3A_348 = arith.constant 32 : index
    %get3A_349 = tpu.vector_load %arg9[%get3A_347, %get3A_348] {strides = array<i32>} : memref<8x64xf32, #tpu.memory_space<vmem>>, vector<16xf32>,
    %broadcast_in_dim3A_350 = arith.constant 62498 : i32
    %broadcast_in_dim3A_351 = vector.broadcast %broadcast_in_dim3A_350 : i32 to vector<16xi32>
    %gt3A_352 = arith.cmpf ogt, %get3A_349, %select_n3A_344 : vector<16xf32>
    %select_n3A_353 = arith.select %gt3A_352, %get3A_349, %select_n3A_344 : vector<16xi1>, vector<16xf32>
    %select_n3A_354 = arith.select %gt3A_352, %broadcast_in_dim3A_351, %select_n3A_345 : vector<16xi1>, vector<16xi32>
    %get3A_355 = arith.constant 6 : i32
    %get3A_356 = arith.index_cast %get3A_355 : i32 to index
    %get3A_357 = arith.constant 48 : index
    %get3A_358 = tpu.vector_load %arg9[%get3A_356, %get3A_357] {strides = array<i32>} : memref<8x64xf32, #tpu.memory_space<vmem>>, vector<16xf32>,
    %broadcast_in_dim3A_359 = arith.constant 62499 : i32
    %broadcast_in_dim3A_360 = vector.broadcast %broadcast_in_dim3A_359 : i32 to vector<16xi32>
    %gt3A_361 = arith.cmpf ogt, %get3A_358, %select_n3A_353 : vector<16xf32>
    %select_n3A_362 = arith.select %gt3A_361, %get3A_358, %select_n3A_353 : vector<16xi1>, vector<16xf32>
    %select_n3A_363 = arith.select %gt3A_361, %broadcast_in_dim3A_360, %select_n3A_354 : vector<16xi1>, vector<16xi32>
    %get3A_364 = arith.constant 7 : i32
    %get3A_365 = arith.index_cast %get3A_364 : i32 to index
    %get3A_366 = arith.constant 0 : index
    %get3A_367 = tpu.vector_load %arg9[%get3A_365, %get3A_366] {strides = array<i32>} : memref<8x64xf32, #tpu.memory_space<vmem>>, vector<16xf32>,
    %broadcast_in_dim3A_368 = arith.constant 62496 : i32
    %broadcast_in_dim3A_369 = vector.broadcast %broadcast_in_dim3A_368 : i32 to vector<16xi32>
    %gt3A_370 = arith.cmpf ogt, %get3A_367, %parallel_loop3A_109#14 : vector<16xf32>
    %select_n3A_371 = arith.select %gt3A_370, %get3A_367, %parallel_loop3A_109#14 : vector<16xi1>, vector<16xf32>
    %select_n3A_372 = arith.select %gt3A_370, %broadcast_in_dim3A_369, %parallel_loop3A_109#15 : vector<16xi1>, vector<16xi32>
    %get3A_373 = arith.constant 7 : i32
    %get3A_374 = arith.index_cast %get3A_373 : i32 to index
    %get3A_375 = arith.constant 16 : index
    %get3A_376 = tpu.vector_load %arg9[%get3A_374, %get3A_375] {strides = array<i32>} : memref<8x64xf32, #tpu.memory_space<vmem>>, vector<16xf32>,
    %broadcast_in_dim3A_377 = arith.constant 62497 : i32
    %broadcast_in_dim3A_378 = vector.broadcast %broadcast_in_dim3A_377 : i32 to vector<16xi32>
    %gt3A_379 = arith.cmpf ogt, %get3A_376, %select_n3A_371 : vector<16xf32>
    %select_n3A_380 = arith.select %gt3A_379, %get3A_376, %select_n3A_371 : vector<16xi1>, vector<16xf32>
    %select_n3A_381 = arith.select %gt3A_379, %broadcast_in_dim3A_378, %select_n3A_372 : vector<16xi1>, vector<16xi32>
    %get3A_382 = arith.constant 7 : i32
    %get3A_383 = arith.index_cast %get3A_382 : i32 to index
    %get3A_384 = arith.constant 32 : index
    %get3A_385 = tpu.vector_load %arg9[%get3A_383, %get3A_384] {strides = array<i32>} : memref<8x64xf32, #tpu.memory_space<vmem>>, vector<16xf32>,
    %broadcast_in_dim3A_386 = arith.constant 62498 : i32
    %broadcast_in_dim3A_387 = vector.broadcast %broadcast_in_dim3A_386 : i32 to vector<16xi32>
    %gt3A_388 = arith.cmpf ogt, %get3A_385, %select_n3A_380 : vector<16xf32>
    %select_n3A_389 = arith.select %gt3A_388, %get3A_385, %select_n3A_380 : vector<16xi1>, vector<16xf32>
    %select_n3A_390 = arith.select %gt3A_388, %broadcast_in_dim3A_387, %select_n3A_381 : vector<16xi1>, vector<16xi32>
    %get3A_391 = arith.constant 7 : i32
    %get3A_392 = arith.index_cast %get3A_391 : i32 to index
    %get3A_393 = arith.constant 48 : index
    %get3A_394 = tpu.vector_load %arg9[%get3A_392, %get3A_393] {strides = array<i32>} : memref<8x64xf32, #tpu.memory_space<vmem>>, vector<16xf32>,
    %broadcast_in_dim3A_395 = arith.constant 62499 : i32
    %broadcast_in_dim3A_396 = vector.broadcast %broadcast_in_dim3A_395 : i32 to vector<16xi32>
    %gt3A_397 = arith.cmpf ogt, %get3A_394, %select_n3A_389 : vector<16xf32>
    %select_n3A_398 = arith.select %gt3A_397, %get3A_394, %select_n3A_389 : vector<16xi1>, vector<16xf32>
    %select_n3A_399 = arith.select %gt3A_397, %broadcast_in_dim3A_396, %select_n3A_390 : vector<16xi1>, vector<16xi32>
    %broadcast_in_dim3A_400 = arith.constant 0xFF800000 : f32
    %broadcast_in_dim3A_401 = vector.broadcast %broadcast_in_dim3A_400 : f32 to vector<16xf32>
    %broadcast_in_dim3A_402 = arith.constant 0 : i32
    %broadcast_in_dim3A_403 = vector.broadcast %broadcast_in_dim3A_402 : i32 to vector<16xi32>
    %shift_left3A = arith.constant 4 : i32
    %shift_left3A_404 = vector.broadcast %shift_left3A : i32 to vector<16xi32>
    %shift_left3A_405 = arith.shli %select_n3A_147, %shift_left3A_404 : vector<16xi32>
    %add3A_406 = arith.addi %shift_left3A_405, %iota3A : vector<16xi32>
    %reduce_max3A = arith.constant true
    %reduce_max3A_407 = vector.broadcast %reduce_max3A : i1 to vector<16xi1>
    %reduce_max3A_408 = tpu.scan <max>, %select_n3A_146 masked %reduce_max3A_407 : vector<16xf32>, vector<16xi1> -> vector<16xf32>
    %reduce_max3A_409 = vector.extract %reduce_max3A_408[15] : f32 from vector<16xf32>
    %eq3A_410 = vector.broadcast %reduce_max3A_409 : f32 to vector<16xf32>
    %eq3A_411 = arith.cmpf oeq, %select_n3A_146, %eq3A_410 : vector<16xf32>
    %jit3A_412 = arith.constant 2147483647 : i32
    %broadcast_in_dim3A_413 = vector.broadcast %jit3A_412 : i32 to vector<16xi32>
    %select_n3A_414 = arith.select %eq3A_411, %add3A_406, %broadcast_in_dim3A_413 : vector<16xi1>, vector<16xi32>
    %reduce_min3A = arith.constant true
    %reduce_min3A_415 = vector.broadcast %reduce_min3A : i1 to vector<16xi1>
    %reduce_min3A_416 = arith.constant -2147483648 : i32
    %reduce_min3A_417 = vector.broadcast %reduce_min3A_416 : i32 to vector<16xi32>
    %reduce_min3A_418 = arith.xori %select_n3A_414, %reduce_min3A_417 : vector<16xi32>
    %reduce_min3A_419 = tpu.scan <min>, %reduce_min3A_418 masked %reduce_min3A_415 : vector<16xi32>, vector<16xi1> -> vector<16xi32>
    %reduce_min3A_420 = arith.xori %reduce_min3A_419, %reduce_min3A_417 : vector<16xi32>
    %reduce_min3A_421 = vector.extract %reduce_min3A_420[15] : i32 from vector<16xi32>
    %eq3A_422 = arith.constant 0 : i32
    %eq3A_423 = vector.broadcast %eq3A_422 : i32 to vector<16xi32>
    %eq3A_424 = arith.cmpi eq, %iota3A, %eq3A_423 : vector<16xi32>
    %broadcast_in_dim3A_425 = vector.broadcast %reduce_max3A_409 : f32 to vector<16xf32>
    %select_n3A_426 = arith.select %eq3A_424, %broadcast_in_dim3A_425, %broadcast_in_dim3A_401 : vector<16xi1>, vector<16xf32>
    %eq3A_427 = arith.constant 0 : i32
    %eq3A_428 = vector.broadcast %eq3A_427 : i32 to vector<16xi32>
    %eq3A_429 = arith.cmpi eq, %iota3A, %eq3A_428 : vector<16xi32>
    %broadcast_in_dim3A_430 = vector.broadcast %reduce_min3A_421 : i32 to vector<16xi32>
    %select_n3A_431 = arith.select %eq3A_429, %broadcast_in_dim3A_430, %broadcast_in_dim3A_403 : vector<16xi1>, vector<16xi32>
    %shift_left3A_432 = arith.constant 4 : i32
    %shift_left3A_433 = vector.broadcast %shift_left3A_432 : i32 to vector<16xi32>
    %shift_left3A_434 = arith.shli %select_n3A_183, %shift_left3A_433 : vector<16xi32>
    %add3A_435 = arith.addi %shift_left3A_434, %iota3A : vector<16xi32>
    %reduce_max3A_436 = arith.constant true
    %reduce_max3A_437 = vector.broadcast %reduce_max3A_436 : i1 to vector<16xi1>
    %reduce_max3A_438 = tpu.scan <max>, %select_n3A_182 masked %reduce_max3A_437 : vector<16xf32>, vector<16xi1> -> vector<16xf32>
    %reduce_max3A_439 = vector.extract %reduce_max3A_438[15] : f32 from vector<16xf32>
    %eq3A_440 = vector.broadcast %reduce_max3A_439 : f32 to vector<16xf32>
    %eq3A_441 = arith.cmpf oeq, %select_n3A_182, %eq3A_440 : vector<16xf32>
    %jit3A_442 = arith.constant 2147483647 : i32
    %broadcast_in_dim3A_443 = vector.broadcast %jit3A_442 : i32 to vector<16xi32>
    %select_n3A_444 = arith.select %eq3A_441, %add3A_435, %broadcast_in_dim3A_443 : vector<16xi1>, vector<16xi32>
    %reduce_min3A_445 = arith.constant true
    %reduce_min3A_446 = vector.broadcast %reduce_min3A_445 : i1 to vector<16xi1>
    %reduce_min3A_447 = arith.constant -2147483648 : i32
    %reduce_min3A_448 = vector.broadcast %reduce_min3A_447 : i32 to vector<16xi32>
    %reduce_min3A_449 = arith.xori %select_n3A_444, %reduce_min3A_448 : vector<16xi32>
    %reduce_min3A_450 = tpu.scan <min>, %reduce_min3A_449 masked %reduce_min3A_446 : vector<16xi32>, vector<16xi1> -> vector<16xi32>
    %reduce_min3A_451 = arith.xori %reduce_min3A_450, %reduce_min3A_448 : vector<16xi32>
    %reduce_min3A_452 = vector.extract %reduce_min3A_451[15] : i32 from vector<16xi32>
    %eq3A_453 = arith.constant 1 : i32
    %eq3A_454 = vector.broadcast %eq3A_453 : i32 to vector<16xi32>
    %eq3A_455 = arith.cmpi eq, %iota3A, %eq3A_454 : vector<16xi32>
    %broadcast_in_dim3A_456 = vector.broadcast %reduce_max3A_439 : f32 to vector<16xf32>
    %select_n3A_457 = arith.select %eq3A_455, %broadcast_in_dim3A_456, %select_n3A_426 : vector<16xi1>, vector<16xf32>
    %eq3A_458 = arith.constant 1 : i32
    %eq3A_459 = vector.broadcast %eq3A_458 : i32 to vector<16xi32>
    %eq3A_460 = arith.cmpi eq, %iota3A, %eq3A_459 : vector<16xi32>
    %broadcast_in_dim3A_461 = vector.broadcast %reduce_min3A_452 : i32 to vector<16xi32>
    %select_n3A_462 = arith.select %eq3A_460, %broadcast_in_dim3A_461, %select_n3A_431 : vector<16xi1>, vector<16xi32>
    %shift_left3A_463 = arith.constant 4 : i32
    %shift_left3A_464 = vector.broadcast %shift_left3A_463 : i32 to vector<16xi32>
    %shift_left3A_465 = arith.shli %select_n3A_219, %shift_left3A_464 : vector<16xi32>
    %add3A_466 = arith.addi %shift_left3A_465, %iota3A : vector<16xi32>
    %reduce_max3A_467 = arith.constant true
    %reduce_max3A_468 = vector.broadcast %reduce_max3A_467 : i1 to vector<16xi1>
    %reduce_max3A_469 = tpu.scan <max>, %select_n3A_218 masked %reduce_max3A_468 : vector<16xf32>, vector<16xi1> -> vector<16xf32>
    %reduce_max3A_470 = vector.extract %reduce_max3A_469[15] : f32 from vector<16xf32>
    %eq3A_471 = vector.broadcast %reduce_max3A_470 : f32 to vector<16xf32>
    %eq3A_472 = arith.cmpf oeq, %select_n3A_218, %eq3A_471 : vector<16xf32>
    %jit3A_473 = arith.constant 2147483647 : i32
    %broadcast_in_dim3A_474 = vector.broadcast %jit3A_473 : i32 to vector<16xi32>
    %select_n3A_475 = arith.select %eq3A_472, %add3A_466, %broadcast_in_dim3A_474 : vector<16xi1>, vector<16xi32>
    %reduce_min3A_476 = arith.constant true
    %reduce_min3A_477 = vector.broadcast %reduce_min3A_476 : i1 to vector<16xi1>
    %reduce_min3A_478 = arith.constant -2147483648 : i32
    %reduce_min3A_479 = vector.broadcast %reduce_min3A_478 : i32 to vector<16xi32>
    %reduce_min3A_480 = arith.xori %select_n3A_475, %reduce_min3A_479 : vector<16xi32>
    %reduce_min3A_481 = tpu.scan <min>, %reduce_min3A_480 masked %reduce_min3A_477 : vector<16xi32>, vector<16xi1> -> vector<16xi32>
    %reduce_min3A_482 = arith.xori %reduce_min3A_481, %reduce_min3A_479 : vector<16xi32>
    %reduce_min3A_483 = vector.extract %reduce_min3A_482[15] : i32 from vector<16xi32>
    %eq3A_484 = arith.constant 2 : i32
    %eq3A_485 = vector.broadcast %eq3A_484 : i32 to vector<16xi32>
    %eq3A_486 = arith.cmpi eq, %iota3A, %eq3A_485 : vector<16xi32>
    %broadcast_in_dim3A_487 = vector.broadcast %reduce_max3A_470 : f32 to vector<16xf32>
    %select_n3A_488 = arith.select %eq3A_486, %broadcast_in_dim3A_487, %select_n3A_457 : vector<16xi1>, vector<16xf32>
    %eq3A_489 = arith.constant 2 : i32
    %eq3A_490 = vector.broadcast %eq3A_489 : i32 to vector<16xi32>
    %eq3A_491 = arith.cmpi eq, %iota3A, %eq3A_490 : vector<16xi32>
    %broadcast_in_dim3A_492 = vector.broadcast %reduce_min3A_483 : i32 to vector<16xi32>
    %select_n3A_493 = arith.select %eq3A_491, %broadcast_in_dim3A_492, %select_n3A_462 : vector<16xi1>, vector<16xi32>
    %shift_left3A_494 = arith.constant 4 : i32
    %shift_left3A_495 = vector.broadcast %shift_left3A_494 : i32 to vector<16xi32>
    %shift_left3A_496 = arith.shli %select_n3A_255, %shift_left3A_495 : vector<16xi32>
    %add3A_497 = arith.addi %shift_left3A_496, %iota3A : vector<16xi32>
    %reduce_max3A_498 = arith.constant true
    %reduce_max3A_499 = vector.broadcast %reduce_max3A_498 : i1 to vector<16xi1>
    %reduce_max3A_500 = tpu.scan <max>, %select_n3A_254 masked %reduce_max3A_499 : vector<16xf32>, vector<16xi1> -> vector<16xf32>
    %reduce_max3A_501 = vector.extract %reduce_max3A_500[15] : f32 from vector<16xf32>
    %eq3A_502 = vector.broadcast %reduce_max3A_501 : f32 to vector<16xf32>
    %eq3A_503 = arith.cmpf oeq, %select_n3A_254, %eq3A_502 : vector<16xf32>
    %jit3A_504 = arith.constant 2147483647 : i32
    %broadcast_in_dim3A_505 = vector.broadcast %jit3A_504 : i32 to vector<16xi32>
    %select_n3A_506 = arith.select %eq3A_503, %add3A_497, %broadcast_in_dim3A_505 : vector<16xi1>, vector<16xi32>
    %reduce_min3A_507 = arith.constant true
    %reduce_min3A_508 = vector.broadcast %reduce_min3A_507 : i1 to vector<16xi1>
    %reduce_min3A_509 = arith.constant -2147483648 : i32
    %reduce_min3A_510 = vector.broadcast %reduce_min3A_509 : i32 to vector<16xi32>
    %reduce_min3A_511 = arith.xori %select_n3A_506, %reduce_min3A_510 : vector<16xi32>
    %reduce_min3A_512 = tpu.scan <min>, %reduce_min3A_511 masked %reduce_min3A_508 : vector<16xi32>, vector<16xi1> -> vector<16xi32>
    %reduce_min3A_513 = arith.xori %reduce_min3A_512, %reduce_min3A_510 : vector<16xi32>
    %reduce_min3A_514 = vector.extract %reduce_min3A_513[15] : i32 from vector<16xi32>
    %eq3A_515 = arith.constant 3 : i32
    %eq3A_516 = vector.broadcast %eq3A_515 : i32 to vector<16xi32>
    %eq3A_517 = arith.cmpi eq, %iota3A, %eq3A_516 : vector<16xi32>
    %broadcast_in_dim3A_518 = vector.broadcast %reduce_max3A_501 : f32 to vector<16xf32>
    %select_n3A_519 = arith.select %eq3A_517, %broadcast_in_dim3A_518, %select_n3A_488 : vector<16xi1>, vector<16xf32>
    %eq3A_520 = arith.constant 3 : i32
    %eq3A_521 = vector.broadcast %eq3A_520 : i32 to vector<16xi32>
    %eq3A_522 = arith.cmpi eq, %iota3A, %eq3A_521 : vector<16xi32>
    %broadcast_in_dim3A_523 = vector.broadcast %reduce_min3A_514 : i32 to vector<16xi32>
    %select_n3A_524 = arith.select %eq3A_522, %broadcast_in_dim3A_523, %select_n3A_493 : vector<16xi1>, vector<16xi32>
    %shift_left3A_525 = arith.constant 4 : i32
    %shift_left3A_526 = vector.broadcast %shift_left3A_525 : i32 to vector<16xi32>
    %shift_left3A_527 = arith.shli %select_n3A_291, %shift_left3A_526 : vector<16xi32>
    %add3A_528 = arith.addi %shift_left3A_527, %iota3A : vector<16xi32>
    %reduce_max3A_529 = arith.constant true
    %reduce_max3A_530 = vector.broadcast %reduce_max3A_529 : i1 to vector<16xi1>
    %reduce_max3A_531 = tpu.scan <max>, %select_n3A_290 masked %reduce_max3A_530 : vector<16xf32>, vector<16xi1> -> vector<16xf32>
    %reduce_max3A_532 = vector.extract %reduce_max3A_531[15] : f32 from vector<16xf32>
    %eq3A_533 = vector.broadcast %reduce_max3A_532 : f32 to vector<16xf32>
    %eq3A_534 = arith.cmpf oeq, %select_n3A_290, %eq3A_533 : vector<16xf32>
    %jit3A_535 = arith.constant 2147483647 : i32
    %broadcast_in_dim3A_536 = vector.broadcast %jit3A_535 : i32 to vector<16xi32>
    %select_n3A_537 = arith.select %eq3A_534, %add3A_528, %broadcast_in_dim3A_536 : vector<16xi1>, vector<16xi32>
    %reduce_min3A_538 = arith.constant true
    %reduce_min3A_539 = vector.broadcast %reduce_min3A_538 : i1 to vector<16xi1>
    %reduce_min3A_540 = arith.constant -2147483648 : i32
    %reduce_min3A_541 = vector.broadcast %reduce_min3A_540 : i32 to vector<16xi32>
    %reduce_min3A_542 = arith.xori %select_n3A_537, %reduce_min3A_541 : vector<16xi32>
    %reduce_min3A_543 = tpu.scan <min>, %reduce_min3A_542 masked %reduce_min3A_539 : vector<16xi32>, vector<16xi1> -> vector<16xi32>
    %reduce_min3A_544 = arith.xori %reduce_min3A_543, %reduce_min3A_541 : vector<16xi32>
    %reduce_min3A_545 = vector.extract %reduce_min3A_544[15] : i32 from vector<16xi32>
    %eq3A_546 = arith.constant 4 : i32
    %eq3A_547 = vector.broadcast %eq3A_546 : i32 to vector<16xi32>
    %eq3A_548 = arith.cmpi eq, %iota3A, %eq3A_547 : vector<16xi32>
    %broadcast_in_dim3A_549 = vector.broadcast %reduce_max3A_532 : f32 to vector<16xf32>
    %select_n3A_550 = arith.select %eq3A_548, %broadcast_in_dim3A_549, %select_n3A_519 : vector<16xi1>, vector<16xf32>
    %eq3A_551 = arith.constant 4 : i32
    %eq3A_552 = vector.broadcast %eq3A_551 : i32 to vector<16xi32>
    %eq3A_553 = arith.cmpi eq, %iota3A, %eq3A_552 : vector<16xi32>
    %broadcast_in_dim3A_554 = vector.broadcast %reduce_min3A_545 : i32 to vector<16xi32>
    %select_n3A_555 = arith.select %eq3A_553, %broadcast_in_dim3A_554, %select_n3A_524 : vector<16xi1>, vector<16xi32>
    %shift_left3A_556 = arith.constant 4 : i32
    %shift_left3A_557 = vector.broadcast %shift_left3A_556 : i32 to vector<16xi32>
    %shift_left3A_558 = arith.shli %select_n3A_327, %shift_left3A_557 : vector<16xi32>
    %add3A_559 = arith.addi %shift_left3A_558, %iota3A : vector<16xi32>
    %reduce_max3A_560 = arith.constant true
    %reduce_max3A_561 = vector.broadcast %reduce_max3A_560 : i1 to vector<16xi1>
    %reduce_max3A_562 = tpu.scan <max>, %select_n3A_326 masked %reduce_max3A_561 : vector<16xf32>, vector<16xi1> -> vector<16xf32>
    %reduce_max3A_563 = vector.extract %reduce_max3A_562[15] : f32 from vector<16xf32>
    %eq3A_564 = vector.broadcast %reduce_max3A_563 : f32 to vector<16xf32>
    %eq3A_565 = arith.cmpf oeq, %select_n3A_326, %eq3A_564 : vector<16xf32>
    %jit3A_566 = arith.constant 2147483647 : i32
    %broadcast_in_dim3A_567 = vector.broadcast %jit3A_566 : i32 to vector<16xi32>
    %select_n3A_568 = arith.select %eq3A_565, %add3A_559, %broadcast_in_dim3A_567 : vector<16xi1>, vector<16xi32>
    %reduce_min3A_569 = arith.constant true
    %reduce_min3A_570 = vector.broadcast %reduce_min3A_569 : i1 to vector<16xi1>
    %reduce_min3A_571 = arith.constant -2147483648 : i32
    %reduce_min3A_572 = vector.broadcast %reduce_min3A_571 : i32 to vector<16xi32>
    %reduce_min3A_573 = arith.xori %select_n3A_568, %reduce_min3A_572 : vector<16xi32>
    %reduce_min3A_574 = tpu.scan <min>, %reduce_min3A_573 masked %reduce_min3A_570 : vector<16xi32>, vector<16xi1> -> vector<16xi32>
    %reduce_min3A_575 = arith.xori %reduce_min3A_574, %reduce_min3A_572 : vector<16xi32>
    %reduce_min3A_576 = vector.extract %reduce_min3A_575[15] : i32 from vector<16xi32>
    %eq3A_577 = arith.constant 5 : i32
    %eq3A_578 = vector.broadcast %eq3A_577 : i32 to vector<16xi32>
    %eq3A_579 = arith.cmpi eq, %iota3A, %eq3A_578 : vector<16xi32>
    %broadcast_in_dim3A_580 = vector.broadcast %reduce_max3A_563 : f32 to vector<16xf32>
    %select_n3A_581 = arith.select %eq3A_579, %broadcast_in_dim3A_580, %select_n3A_550 : vector<16xi1>, vector<16xf32>
    %eq3A_582 = arith.constant 5 : i32
    %eq3A_583 = vector.broadcast %eq3A_582 : i32 to vector<16xi32>
    %eq3A_584 = arith.cmpi eq, %iota3A, %eq3A_583 : vector<16xi32>
    %broadcast_in_dim3A_585 = vector.broadcast %reduce_min3A_576 : i32 to vector<16xi32>
    %select_n3A_586 = arith.select %eq3A_584, %broadcast_in_dim3A_585, %select_n3A_555 : vector<16xi1>, vector<16xi32>
    %shift_left3A_587 = arith.constant 4 : i32
    %shift_left3A_588 = vector.broadcast %shift_left3A_587 : i32 to vector<16xi32>
    %shift_left3A_589 = arith.shli %select_n3A_363, %shift_left3A_588 : vector<16xi32>
    %add3A_590 = arith.addi %shift_left3A_589, %iota3A : vector<16xi32>
    %reduce_max3A_591 = arith.constant true
    %reduce_max3A_592 = vector.broadcast %reduce_max3A_591 : i1 to vector<16xi1>
    %reduce_max3A_593 = tpu.scan <max>, %select_n3A_362 masked %reduce_max3A_592 : vector<16xf32>, vector<16xi1> -> vector<16xf32>
    %reduce_max3A_594 = vector.extract %reduce_max3A_593[15] : f32 from vector<16xf32>
    %eq3A_595 = vector.broadcast %reduce_max3A_594 : f32 to vector<16xf32>
    %eq3A_596 = arith.cmpf oeq, %select_n3A_362, %eq3A_595 : vector<16xf32>
    %jit3A_597 = arith.constant 2147483647 : i32
    %broadcast_in_dim3A_598 = vector.broadcast %jit3A_597 : i32 to vector<16xi32>
    %select_n3A_599 = arith.select %eq3A_596, %add3A_590, %broadcast_in_dim3A_598 : vector<16xi1>, vector<16xi32>
    %reduce_min3A_600 = arith.constant true
    %reduce_min3A_601 = vector.broadcast %reduce_min3A_600 : i1 to vector<16xi1>
    %reduce_min3A_602 = arith.constant -2147483648 : i32
    %reduce_min3A_603 = vector.broadcast %reduce_min3A_602 : i32 to vector<16xi32>
    %reduce_min3A_604 = arith.xori %select_n3A_599, %reduce_min3A_603 : vector<16xi32>
    %reduce_min3A_605 = tpu.scan <min>, %reduce_min3A_604 masked %reduce_min3A_601 : vector<16xi32>, vector<16xi1> -> vector<16xi32>
    %reduce_min3A_606 = arith.xori %reduce_min3A_605, %reduce_min3A_603 : vector<16xi32>
    %reduce_min3A_607 = vector.extract %reduce_min3A_606[15] : i32 from vector<16xi32>
    %eq3A_608 = arith.constant 6 : i32
    %eq3A_609 = vector.broadcast %eq3A_608 : i32 to vector<16xi32>
    %eq3A_610 = arith.cmpi eq, %iota3A, %eq3A_609 : vector<16xi32>
    %broadcast_in_dim3A_611 = vector.broadcast %reduce_max3A_594 : f32 to vector<16xf32>
    %select_n3A_612 = arith.select %eq3A_610, %broadcast_in_dim3A_611, %select_n3A_581 : vector<16xi1>, vector<16xf32>
    %eq3A_613 = arith.constant 6 : i32
    %eq3A_614 = vector.broadcast %eq3A_613 : i32 to vector<16xi32>
    %eq3A_615 = arith.cmpi eq, %iota3A, %eq3A_614 : vector<16xi32>
    %broadcast_in_dim3A_616 = vector.broadcast %reduce_min3A_607 : i32 to vector<16xi32>
    %select_n3A_617 = arith.select %eq3A_615, %broadcast_in_dim3A_616, %select_n3A_586 : vector<16xi1>, vector<16xi32>
    %shift_left3A_618 = arith.constant 4 : i32
    %shift_left3A_619 = vector.broadcast %shift_left3A_618 : i32 to vector<16xi32>
    %shift_left3A_620 = arith.shli %select_n3A_399, %shift_left3A_619 : vector<16xi32>
    %add3A_621 = arith.addi %shift_left3A_620, %iota3A : vector<16xi32>
    %reduce_max3A_622 = arith.constant true
    %reduce_max3A_623 = vector.broadcast %reduce_max3A_622 : i1 to vector<16xi1>
    %reduce_max3A_624 = tpu.scan <max>, %select_n3A_398 masked %reduce_max3A_623 : vector<16xf32>, vector<16xi1> -> vector<16xf32>
    %reduce_max3A_625 = vector.extract %reduce_max3A_624[15] : f32 from vector<16xf32>
    %eq3A_626 = vector.broadcast %reduce_max3A_625 : f32 to vector<16xf32>
    %eq3A_627 = arith.cmpf oeq, %select_n3A_398, %eq3A_626 : vector<16xf32>
    %jit3A_628 = arith.constant 2147483647 : i32
    %broadcast_in_dim3A_629 = vector.broadcast %jit3A_628 : i32 to vector<16xi32>
    %select_n3A_630 = arith.select %eq3A_627, %add3A_621, %broadcast_in_dim3A_629 : vector<16xi1>, vector<16xi32>
    %reduce_min3A_631 = arith.constant true
    %reduce_min3A_632 = vector.broadcast %reduce_min3A_631 : i1 to vector<16xi1>
    %reduce_min3A_633 = arith.constant -2147483648 : i32
    %reduce_min3A_634 = vector.broadcast %reduce_min3A_633 : i32 to vector<16xi32>
    %reduce_min3A_635 = arith.xori %select_n3A_630, %reduce_min3A_634 : vector<16xi32>
    %reduce_min3A_636 = tpu.scan <min>, %reduce_min3A_635 masked %reduce_min3A_632 : vector<16xi32>, vector<16xi1> -> vector<16xi32>
    %reduce_min3A_637 = arith.xori %reduce_min3A_636, %reduce_min3A_634 : vector<16xi32>
    %reduce_min3A_638 = vector.extract %reduce_min3A_637[15] : i32 from vector<16xi32>
    %eq3A_639 = arith.constant 7 : i32
    %eq3A_640 = vector.broadcast %eq3A_639 : i32 to vector<16xi32>
    %eq3A_641 = arith.cmpi eq, %iota3A, %eq3A_640 : vector<16xi32>
    %broadcast_in_dim3A_642 = vector.broadcast %reduce_max3A_625 : f32 to vector<16xf32>
    %select_n3A_643 = arith.select %eq3A_641, %broadcast_in_dim3A_642, %select_n3A_612 : vector<16xi1>, vector<16xf32>
    %eq3A_644 = arith.constant 7 : i32
    %eq3A_645 = vector.broadcast %eq3A_644 : i32 to vector<16xi32>
    %eq3A_646 = arith.cmpi eq, %iota3A, %eq3A_645 : vector<16xi32>
    %broadcast_in_dim3A_647 = vector.broadcast %reduce_min3A_638 : i32 to vector<16xi32>
    %select_n3A_648 = arith.select %eq3A_646, %broadcast_in_dim3A_647, %select_n3A_617 : vector<16xi1>, vector<16xi32>
    %swap3A = arith.constant 0 : index
    %swap3A_649 = tpu.vector_load %arg10[%swap3A] {strides = array<i32>} : memref<16xf32, #tpu.memory_space<vmem>>, vector<16xf32>,
    tpu.vector_store %arg10[%swap3A], %select_n3A_643 {strides = array<i32>} : memref<16xf32, #tpu.memory_space<vmem>>, vector<16xf32>,
    %swap3A_650 = arith.constant 0 : index
    %swap3A_651 = tpu.vector_load %arg11[%swap3A_650] {strides = array<i32>} : memref<16xi32, #tpu.memory_space<vmem>>, vector<16xi32>,
    tpu.vector_store %arg11[%swap3A_650], %select_n3A_648 {strides = array<i32>} : memref<16xi32, #tpu.memory_space<vmem>>, vector<16xi32>,
    "tpu.region"() ({
      %run_scoped3A = tpu.sem_alloc : memref<!tpu.dma_semaphore, #tpu.memory_space<semaphore_mem>>
      %dma_start3A_652 = arith.constant 0 : i32
      %dma_start3A_653 = tpu.memref_slice %arg3[%add3A, %dma_start3A_652] : memref<32x16xf32, #tpu.memory_space<hbm>> -> memref<1x16xf32, #tpu.memory_space<hbm>>
      %dma_start3A_654 = tpu.memref_squeeze %dma_start3A_653 : memref<1x16xf32, #tpu.memory_space<hbm>> -> memref<16xf32, #tpu.memory_space<hbm>>
      %dma_start3A_655 = arith.constant 0 : i32
      %dma_start3A_656 = tpu.memref_slice %arg3[%add3A, %dma_start3A_655] : memref<32x16xf32, #tpu.memory_space<hbm>> -> memref<1x16xf32, #tpu.memory_space<hbm>>
      %dma_start3A_657 = tpu.memref_squeeze %dma_start3A_656 : memref<1x16xf32, #tpu.memory_space<hbm>> -> memref<16xf32, #tpu.memory_space<hbm>>
      tpu.enqueue_dma source(%arg10 : memref<16xf32, #tpu.memory_space<vmem>>) target(%dma_start3A_657 : memref<16xf32, #tpu.memory_space<hbm>>) target_semaphore(%run_scoped3A : memref<!tpu.dma_semaphore, #tpu.memory_space<semaphore_mem>>)
      %dma_wait3A_658 = arith.constant 0 : i32
      %dma_wait3A_659 = tpu.memref_slice %arg3[%add3A, %dma_wait3A_658] : memref<32x16xf32, #tpu.memory_space<hbm>> -> memref<1x16xf32, #tpu.memory_space<hbm>>
      %dma_wait3A_660 = tpu.memref_squeeze %dma_wait3A_659 : memref<1x16xf32, #tpu.memory_space<hbm>> -> memref<16xf32, #tpu.memory_space<hbm>>
      %dma_wait3A_661 = arith.constant 0 : i32
      %dma_wait3A_662 = tpu.memref_slice %arg3[%add3A, %dma_wait3A_661] : memref<32x16xf32, #tpu.memory_space<hbm>> -> memref<1x16xf32, #tpu.memory_space<hbm>>
      %dma_wait3A_663 = tpu.memref_squeeze %dma_wait3A_662 : memref<1x16xf32, #tpu.memory_space<hbm>> -> memref<16xf32, #tpu.memory_space<hbm>>
      tpu.wait_dma2 semaphore(%run_scoped3A : memref<!tpu.dma_semaphore, #tpu.memory_space<semaphore_mem>>) src(%arg10 : memref<16xf32, #tpu.memory_space<vmem>>) dst(%dma_wait3A_663 : memref<16xf32, #tpu.memory_space<hbm>>)
      tpu.yield
    }) : () -> ()
    "tpu.region"() ({
      %run_scoped3A = tpu.sem_alloc : memref<!tpu.dma_semaphore, #tpu.memory_space<semaphore_mem>>
      %dma_start3A_652 = arith.constant 0 : i32
      %dma_start3A_653 = tpu.memref_slice %arg4[%add3A, %dma_start3A_652] : memref<32x16xi32, #tpu.memory_space<hbm>> -> memref<1x16xi32, #tpu.memory_space<hbm>>
      %dma_start3A_654 = tpu.memref_squeeze %dma_start3A_653 : memref<1x16xi32, #tpu.memory_space<hbm>> -> memref<16xi32, #tpu.memory_space<hbm>>
      %dma_start3A_655 = arith.constant 0 : i32
      %dma_start3A_656 = tpu.memref_slice %arg4[%add3A, %dma_start3A_655] : memref<32x16xi32, #tpu.memory_space<hbm>> -> memref<1x16xi32, #tpu.memory_space<hbm>>
      %dma_start3A_657 = tpu.memref_squeeze %dma_start3A_656 : memref<1x16xi32, #tpu.memory_space<hbm>> -> memref<16xi32, #tpu.memory_space<hbm>>
      tpu.enqueue_dma source(%arg11 : memref<16xi32, #tpu.memory_space<vmem>>) target(%dma_start3A_657 : memref<16xi32, #tpu.memory_space<hbm>>) target_semaphore(%run_scoped3A : memref<!tpu.dma_semaphore, #tpu.memory_space<semaphore_mem>>)
      %dma_wait3A_658 = arith.constant 0 : i32
      %dma_wait3A_659 = tpu.memref_slice %arg4[%add3A, %dma_wait3A_658] : memref<32x16xi32, #tpu.memory_space<hbm>> -> memref<1x16xi32, #tpu.memory_space<hbm>>
      %dma_wait3A_660 = tpu.memref_squeeze %dma_wait3A_659 : memref<1x16xi32, #tpu.memory_space<hbm>> -> memref<16xi32, #tpu.memory_space<hbm>>
      %dma_wait3A_661 = arith.constant 0 : i32
      %dma_wait3A_662 = tpu.memref_slice %arg4[%add3A, %dma_wait3A_661] : memref<32x16xi32, #tpu.memory_space<hbm>> -> memref<1x16xi32, #tpu.memory_space<hbm>>
      %dma_wait3A_663 = tpu.memref_squeeze %dma_wait3A_662 : memref<1x16xi32, #tpu.memory_space<hbm>> -> memref<16xi32, #tpu.memory_space<hbm>>
      tpu.wait_dma2 semaphore(%run_scoped3A : memref<!tpu.dma_semaphore, #tpu.memory_space<semaphore_mem>>) src(%arg11 : memref<16xi32, #tpu.memory_space<vmem>>) dst(%dma_wait3A_663 : memref<16xi32, #tpu.memory_space<hbm>>)
      tpu.yield
    }) : () -> ()
    return
  }
}

module attributes {stable_mosaic.version = 14 : i64} {
  func.func @_merge_body(%arg0: memref<32x16xf32, #tpu.memory_space<vmem>>, %arg1: memref<32x16xi32, #tpu.memory_space<vmem>>, %arg2: memref<8x16xi32, #tpu.memory_space<vmem>>) attributes {dimension_semantics = [], scalar_prefetch = 0 : i64, scratch_operands = 0 : i64, tpu.core_type = #tpu.core_type<tc>} {
    %get3A = arith.constant 0 : index
    %get3A_0 = arith.constant 0 : index
    %get3A_1 = vector.load %arg0[%get3A, %get3A_0] : memref<32x16xf32, #tpu.memory_space<vmem>>, vector<1x16xf32>
    %get3A_2 = vector.shape_cast %get3A_1 : vector<1x16xf32> to vector<16xf32>
    %get3A_3 = arith.constant 0 : index
    %get3A_4 = arith.constant 0 : index
    %get3A_5 = vector.load %arg1[%get3A_3, %get3A_4] : memref<32x16xi32, #tpu.memory_space<vmem>>, vector<1x16xi32>
    %get3A_6 = vector.shape_cast %get3A_5 : vector<1x16xi32> to vector<16xi32>
    %get3A_7 = arith.constant 1 : index
    %get3A_8 = arith.constant 0 : index
    %get3A_9 = vector.load %arg0[%get3A_7, %get3A_8] : memref<32x16xf32, #tpu.memory_space<vmem>>, vector<1x16xf32>
    %get3A_10 = vector.shape_cast %get3A_9 : vector<1x16xf32> to vector<16xf32>
    %get3A_11 = arith.constant 1 : index
    %get3A_12 = arith.constant 0 : index
    %get3A_13 = vector.load %arg1[%get3A_11, %get3A_12] : memref<32x16xi32, #tpu.memory_space<vmem>>, vector<1x16xi32>
    %get3A_14 = vector.shape_cast %get3A_13 : vector<1x16xi32> to vector<16xi32>
    %gt3A = arith.cmpf ogt, %get3A_10, %get3A_2 : vector<16xf32>
    %eq3A = arith.cmpf oeq, %get3A_10, %get3A_2 : vector<16xf32>
    %lt3A = arith.cmpi slt, %get3A_14, %get3A_6 : vector<16xi32>
    %and3A = arith.andi %eq3A, %lt3A : vector<16xi1>
    %or3A = arith.ori %gt3A, %and3A : vector<16xi1>
    %select_n3A = arith.select %or3A, %get3A_10, %get3A_2 : vector<16xi1>, vector<16xf32>
    %select_n3A_15 = arith.select %or3A, %get3A_14, %get3A_6 : vector<16xi1>, vector<16xi32>
    %get3A_16 = arith.constant 2 : index
    %get3A_17 = arith.constant 0 : index
    %get3A_18 = vector.load %arg0[%get3A_16, %get3A_17] : memref<32x16xf32, #tpu.memory_space<vmem>>, vector<1x16xf32>
    %get3A_19 = vector.shape_cast %get3A_18 : vector<1x16xf32> to vector<16xf32>
    %get3A_20 = arith.constant 2 : index
    %get3A_21 = arith.constant 0 : index
    %get3A_22 = vector.load %arg1[%get3A_20, %get3A_21] : memref<32x16xi32, #tpu.memory_space<vmem>>, vector<1x16xi32>
    %get3A_23 = vector.shape_cast %get3A_22 : vector<1x16xi32> to vector<16xi32>
    %gt3A_24 = arith.cmpf ogt, %get3A_19, %select_n3A : vector<16xf32>
    %eq3A_25 = arith.cmpf oeq, %get3A_19, %select_n3A : vector<16xf32>
    %lt3A_26 = arith.cmpi slt, %get3A_23, %select_n3A_15 : vector<16xi32>
    %and3A_27 = arith.andi %eq3A_25, %lt3A_26 : vector<16xi1>
    %or3A_28 = arith.ori %gt3A_24, %and3A_27 : vector<16xi1>
    %select_n3A_29 = arith.select %or3A_28, %get3A_19, %select_n3A : vector<16xi1>, vector<16xf32>
    %select_n3A_30 = arith.select %or3A_28, %get3A_23, %select_n3A_15 : vector<16xi1>, vector<16xi32>
    %get3A_31 = arith.constant 3 : index
    %get3A_32 = arith.constant 0 : index
    %get3A_33 = vector.load %arg0[%get3A_31, %get3A_32] : memref<32x16xf32, #tpu.memory_space<vmem>>, vector<1x16xf32>
    %get3A_34 = vector.shape_cast %get3A_33 : vector<1x16xf32> to vector<16xf32>
    %get3A_35 = arith.constant 3 : index
    %get3A_36 = arith.constant 0 : index
    %get3A_37 = vector.load %arg1[%get3A_35, %get3A_36] : memref<32x16xi32, #tpu.memory_space<vmem>>, vector<1x16xi32>
    %get3A_38 = vector.shape_cast %get3A_37 : vector<1x16xi32> to vector<16xi32>
    %gt3A_39 = arith.cmpf ogt, %get3A_34, %select_n3A_29 : vector<16xf32>
    %eq3A_40 = arith.cmpf oeq, %get3A_34, %select_n3A_29 : vector<16xf32>
    %lt3A_41 = arith.cmpi slt, %get3A_38, %select_n3A_30 : vector<16xi32>
    %and3A_42 = arith.andi %eq3A_40, %lt3A_41 : vector<16xi1>
    %or3A_43 = arith.ori %gt3A_39, %and3A_42 : vector<16xi1>
    %select_n3A_44 = arith.select %or3A_43, %get3A_38, %select_n3A_30 : vector<16xi1>, vector<16xi32>
    %swap3A = arith.constant 0 : index
    %swap3A_45 = arith.constant 0 : index
    %swap3A_46 = vector.load %arg2[%swap3A, %swap3A_45] : memref<8x16xi32, #tpu.memory_space<vmem>>, vector<1x16xi32>
    %swap3A_47 = vector.shape_cast %swap3A_46 : vector<1x16xi32> to vector<16xi32>
    %swap3A_48 = vector.shape_cast %select_n3A_44 : vector<16xi32> to vector<1x16xi32>
    tpu.vector_store %arg2[%swap3A, %swap3A_45], %swap3A_48 {strides = array<i32>} : memref<8x16xi32, #tpu.memory_space<vmem>>, vector<1x16xi32>,
    %get3A_49 = arith.constant 4 : index
    %get3A_50 = arith.constant 0 : index
    %get3A_51 = vector.load %arg0[%get3A_49, %get3A_50] : memref<32x16xf32, #tpu.memory_space<vmem>>, vector<1x16xf32>
    %get3A_52 = vector.shape_cast %get3A_51 : vector<1x16xf32> to vector<16xf32>
    %get3A_53 = arith.constant 4 : index
    %get3A_54 = arith.constant 0 : index
    %get3A_55 = vector.load %arg1[%get3A_53, %get3A_54] : memref<32x16xi32, #tpu.memory_space<vmem>>, vector<1x16xi32>
    %get3A_56 = vector.shape_cast %get3A_55 : vector<1x16xi32> to vector<16xi32>
    %get3A_57 = arith.constant 5 : index
    %get3A_58 = arith.constant 0 : index
    %get3A_59 = vector.load %arg0[%get3A_57, %get3A_58] : memref<32x16xf32, #tpu.memory_space<vmem>>, vector<1x16xf32>
    %get3A_60 = vector.shape_cast %get3A_59 : vector<1x16xf32> to vector<16xf32>
    %get3A_61 = arith.constant 5 : index
    %get3A_62 = arith.constant 0 : index
    %get3A_63 = vector.load %arg1[%get3A_61, %get3A_62] : memref<32x16xi32, #tpu.memory_space<vmem>>, vector<1x16xi32>
    %get3A_64 = vector.shape_cast %get3A_63 : vector<1x16xi32> to vector<16xi32>
    %gt3A_65 = arith.cmpf ogt, %get3A_60, %get3A_52 : vector<16xf32>
    %eq3A_66 = arith.cmpf oeq, %get3A_60, %get3A_52 : vector<16xf32>
    %lt3A_67 = arith.cmpi slt, %get3A_64, %get3A_56 : vector<16xi32>
    %and3A_68 = arith.andi %eq3A_66, %lt3A_67 : vector<16xi1>
    %or3A_69 = arith.ori %gt3A_65, %and3A_68 : vector<16xi1>
    %select_n3A_70 = arith.select %or3A_69, %get3A_60, %get3A_52 : vector<16xi1>, vector<16xf32>
    %select_n3A_71 = arith.select %or3A_69, %get3A_64, %get3A_56 : vector<16xi1>, vector<16xi32>
    %get3A_72 = arith.constant 6 : index
    %get3A_73 = arith.constant 0 : index
    %get3A_74 = vector.load %arg0[%get3A_72, %get3A_73] : memref<32x16xf32, #tpu.memory_space<vmem>>, vector<1x16xf32>
    %get3A_75 = vector.shape_cast %get3A_74 : vector<1x16xf32> to vector<16xf32>
    %get3A_76 = arith.constant 6 : index
    %get3A_77 = arith.constant 0 : index
    %get3A_78 = vector.load %arg1[%get3A_76, %get3A_77] : memref<32x16xi32, #tpu.memory_space<vmem>>, vector<1x16xi32>
    %get3A_79 = vector.shape_cast %get3A_78 : vector<1x16xi32> to vector<16xi32>
    %gt3A_80 = arith.cmpf ogt, %get3A_75, %select_n3A_70 : vector<16xf32>
    %eq3A_81 = arith.cmpf oeq, %get3A_75, %select_n3A_70 : vector<16xf32>
    %lt3A_82 = arith.cmpi slt, %get3A_79, %select_n3A_71 : vector<16xi32>
    %and3A_83 = arith.andi %eq3A_81, %lt3A_82 : vector<16xi1>
    %or3A_84 = arith.ori %gt3A_80, %and3A_83 : vector<16xi1>
    %select_n3A_85 = arith.select %or3A_84, %get3A_75, %select_n3A_70 : vector<16xi1>, vector<16xf32>
    %select_n3A_86 = arith.select %or3A_84, %get3A_79, %select_n3A_71 : vector<16xi1>, vector<16xi32>
    %get3A_87 = arith.constant 7 : index
    %get3A_88 = arith.constant 0 : index
    %get3A_89 = vector.load %arg0[%get3A_87, %get3A_88] : memref<32x16xf32, #tpu.memory_space<vmem>>, vector<1x16xf32>
    %get3A_90 = vector.shape_cast %get3A_89 : vector<1x16xf32> to vector<16xf32>
    %get3A_91 = arith.constant 7 : index
    %get3A_92 = arith.constant 0 : index
    %get3A_93 = vector.load %arg1[%get3A_91, %get3A_92] : memref<32x16xi32, #tpu.memory_space<vmem>>, vector<1x16xi32>
    %get3A_94 = vector.shape_cast %get3A_93 : vector<1x16xi32> to vector<16xi32>
    %gt3A_95 = arith.cmpf ogt, %get3A_90, %select_n3A_85 : vector<16xf32>
    %eq3A_96 = arith.cmpf oeq, %get3A_90, %select_n3A_85 : vector<16xf32>
    %lt3A_97 = arith.cmpi slt, %get3A_94, %select_n3A_86 : vector<16xi32>
    %and3A_98 = arith.andi %eq3A_96, %lt3A_97 : vector<16xi1>
    %or3A_99 = arith.ori %gt3A_95, %and3A_98 : vector<16xi1>
    %select_n3A_100 = arith.select %or3A_99, %get3A_94, %select_n3A_86 : vector<16xi1>, vector<16xi32>
    %swap3A_101 = arith.constant 1 : index
    %swap3A_102 = arith.constant 0 : index
    %swap3A_103 = vector.load %arg2[%swap3A_101, %swap3A_102] : memref<8x16xi32, #tpu.memory_space<vmem>>, vector<1x16xi32>
    %swap3A_104 = vector.shape_cast %swap3A_103 : vector<1x16xi32> to vector<16xi32>
    %swap3A_105 = vector.shape_cast %select_n3A_100 : vector<16xi32> to vector<1x16xi32>
    tpu.vector_store %arg2[%swap3A_101, %swap3A_102], %swap3A_105 {strides = array<i32>} : memref<8x16xi32, #tpu.memory_space<vmem>>, vector<1x16xi32>,
    %get3A_106 = arith.constant 8 : index
    %get3A_107 = arith.constant 0 : index
    %get3A_108 = vector.load %arg0[%get3A_106, %get3A_107] : memref<32x16xf32, #tpu.memory_space<vmem>>, vector<1x16xf32>
    %get3A_109 = vector.shape_cast %get3A_108 : vector<1x16xf32> to vector<16xf32>
    %get3A_110 = arith.constant 8 : index
    %get3A_111 = arith.constant 0 : index
    %get3A_112 = vector.load %arg1[%get3A_110, %get3A_111] : memref<32x16xi32, #tpu.memory_space<vmem>>, vector<1x16xi32>
    %get3A_113 = vector.shape_cast %get3A_112 : vector<1x16xi32> to vector<16xi32>
    %get3A_114 = arith.constant 9 : index
    %get3A_115 = arith.constant 0 : index
    %get3A_116 = vector.load %arg0[%get3A_114, %get3A_115] : memref<32x16xf32, #tpu.memory_space<vmem>>, vector<1x16xf32>
    %get3A_117 = vector.shape_cast %get3A_116 : vector<1x16xf32> to vector<16xf32>
    %get3A_118 = arith.constant 9 : index
    %get3A_119 = arith.constant 0 : index
    %get3A_120 = vector.load %arg1[%get3A_118, %get3A_119] : memref<32x16xi32, #tpu.memory_space<vmem>>, vector<1x16xi32>
    %get3A_121 = vector.shape_cast %get3A_120 : vector<1x16xi32> to vector<16xi32>
    %gt3A_122 = arith.cmpf ogt, %get3A_117, %get3A_109 : vector<16xf32>
    %eq3A_123 = arith.cmpf oeq, %get3A_117, %get3A_109 : vector<16xf32>
    %lt3A_124 = arith.cmpi slt, %get3A_121, %get3A_113 : vector<16xi32>
    %and3A_125 = arith.andi %eq3A_123, %lt3A_124 : vector<16xi1>
    %or3A_126 = arith.ori %gt3A_122, %and3A_125 : vector<16xi1>
    %select_n3A_127 = arith.select %or3A_126, %get3A_117, %get3A_109 : vector<16xi1>, vector<16xf32>
    %select_n3A_128 = arith.select %or3A_126, %get3A_121, %get3A_113 : vector<16xi1>, vector<16xi32>
    %get3A_129 = arith.constant 10 : index
    %get3A_130 = arith.constant 0 : index
    %get3A_131 = vector.load %arg0[%get3A_129, %get3A_130] : memref<32x16xf32, #tpu.memory_space<vmem>>, vector<1x16xf32>
    %get3A_132 = vector.shape_cast %get3A_131 : vector<1x16xf32> to vector<16xf32>
    %get3A_133 = arith.constant 10 : index
    %get3A_134 = arith.constant 0 : index
    %get3A_135 = vector.load %arg1[%get3A_133, %get3A_134] : memref<32x16xi32, #tpu.memory_space<vmem>>, vector<1x16xi32>
    %get3A_136 = vector.shape_cast %get3A_135 : vector<1x16xi32> to vector<16xi32>
    %gt3A_137 = arith.cmpf ogt, %get3A_132, %select_n3A_127 : vector<16xf32>
    %eq3A_138 = arith.cmpf oeq, %get3A_132, %select_n3A_127 : vector<16xf32>
    %lt3A_139 = arith.cmpi slt, %get3A_136, %select_n3A_128 : vector<16xi32>
    %and3A_140 = arith.andi %eq3A_138, %lt3A_139 : vector<16xi1>
    %or3A_141 = arith.ori %gt3A_137, %and3A_140 : vector<16xi1>
    %select_n3A_142 = arith.select %or3A_141, %get3A_132, %select_n3A_127 : vector<16xi1>, vector<16xf32>
    %select_n3A_143 = arith.select %or3A_141, %get3A_136, %select_n3A_128 : vector<16xi1>, vector<16xi32>
    %get3A_144 = arith.constant 11 : index
    %get3A_145 = arith.constant 0 : index
    %get3A_146 = vector.load %arg0[%get3A_144, %get3A_145] : memref<32x16xf32, #tpu.memory_space<vmem>>, vector<1x16xf32>
    %get3A_147 = vector.shape_cast %get3A_146 : vector<1x16xf32> to vector<16xf32>
    %get3A_148 = arith.constant 11 : index
    %get3A_149 = arith.constant 0 : index
    %get3A_150 = vector.load %arg1[%get3A_148, %get3A_149] : memref<32x16xi32, #tpu.memory_space<vmem>>, vector<1x16xi32>
    %get3A_151 = vector.shape_cast %get3A_150 : vector<1x16xi32> to vector<16xi32>
    %gt3A_152 = arith.cmpf ogt, %get3A_147, %select_n3A_142 : vector<16xf32>
    %eq3A_153 = arith.cmpf oeq, %get3A_147, %select_n3A_142 : vector<16xf32>
    %lt3A_154 = arith.cmpi slt, %get3A_151, %select_n3A_143 : vector<16xi32>
    %and3A_155 = arith.andi %eq3A_153, %lt3A_154 : vector<16xi1>
    %or3A_156 = arith.ori %gt3A_152, %and3A_155 : vector<16xi1>
    %select_n3A_157 = arith.select %or3A_156, %get3A_151, %select_n3A_143 : vector<16xi1>, vector<16xi32>
    %swap3A_158 = arith.constant 2 : index
    %swap3A_159 = arith.constant 0 : index
    %swap3A_160 = vector.load %arg2[%swap3A_158, %swap3A_159] : memref<8x16xi32, #tpu.memory_space<vmem>>, vector<1x16xi32>
    %swap3A_161 = vector.shape_cast %swap3A_160 : vector<1x16xi32> to vector<16xi32>
    %swap3A_162 = vector.shape_cast %select_n3A_157 : vector<16xi32> to vector<1x16xi32>
    tpu.vector_store %arg2[%swap3A_158, %swap3A_159], %swap3A_162 {strides = array<i32>} : memref<8x16xi32, #tpu.memory_space<vmem>>, vector<1x16xi32>,
    %get3A_163 = arith.constant 12 : index
    %get3A_164 = arith.constant 0 : index
    %get3A_165 = vector.load %arg0[%get3A_163, %get3A_164] : memref<32x16xf32, #tpu.memory_space<vmem>>, vector<1x16xf32>
    %get3A_166 = vector.shape_cast %get3A_165 : vector<1x16xf32> to vector<16xf32>
    %get3A_167 = arith.constant 12 : index
    %get3A_168 = arith.constant 0 : index
    %get3A_169 = vector.load %arg1[%get3A_167, %get3A_168] : memref<32x16xi32, #tpu.memory_space<vmem>>, vector<1x16xi32>
    %get3A_170 = vector.shape_cast %get3A_169 : vector<1x16xi32> to vector<16xi32>
    %get3A_171 = arith.constant 13 : index
    %get3A_172 = arith.constant 0 : index
    %get3A_173 = vector.load %arg0[%get3A_171, %get3A_172] : memref<32x16xf32, #tpu.memory_space<vmem>>, vector<1x16xf32>
    %get3A_174 = vector.shape_cast %get3A_173 : vector<1x16xf32> to vector<16xf32>
    %get3A_175 = arith.constant 13 : index
    %get3A_176 = arith.constant 0 : index
    %get3A_177 = vector.load %arg1[%get3A_175, %get3A_176] : memref<32x16xi32, #tpu.memory_space<vmem>>, vector<1x16xi32>
    %get3A_178 = vector.shape_cast %get3A_177 : vector<1x16xi32> to vector<16xi32>
    %gt3A_179 = arith.cmpf ogt, %get3A_174, %get3A_166 : vector<16xf32>
    %eq3A_180 = arith.cmpf oeq, %get3A_174, %get3A_166 : vector<16xf32>
    %lt3A_181 = arith.cmpi slt, %get3A_178, %get3A_170 : vector<16xi32>
    %and3A_182 = arith.andi %eq3A_180, %lt3A_181 : vector<16xi1>
    %or3A_183 = arith.ori %gt3A_179, %and3A_182 : vector<16xi1>
    %select_n3A_184 = arith.select %or3A_183, %get3A_174, %get3A_166 : vector<16xi1>, vector<16xf32>
    %select_n3A_185 = arith.select %or3A_183, %get3A_178, %get3A_170 : vector<16xi1>, vector<16xi32>
    %get3A_186 = arith.constant 14 : index
    %get3A_187 = arith.constant 0 : index
    %get3A_188 = vector.load %arg0[%get3A_186, %get3A_187] : memref<32x16xf32, #tpu.memory_space<vmem>>, vector<1x16xf32>
    %get3A_189 = vector.shape_cast %get3A_188 : vector<1x16xf32> to vector<16xf32>
    %get3A_190 = arith.constant 14 : index
    %get3A_191 = arith.constant 0 : index
    %get3A_192 = vector.load %arg1[%get3A_190, %get3A_191] : memref<32x16xi32, #tpu.memory_space<vmem>>, vector<1x16xi32>
    %get3A_193 = vector.shape_cast %get3A_192 : vector<1x16xi32> to vector<16xi32>
    %gt3A_194 = arith.cmpf ogt, %get3A_189, %select_n3A_184 : vector<16xf32>
    %eq3A_195 = arith.cmpf oeq, %get3A_189, %select_n3A_184 : vector<16xf32>
    %lt3A_196 = arith.cmpi slt, %get3A_193, %select_n3A_185 : vector<16xi32>
    %and3A_197 = arith.andi %eq3A_195, %lt3A_196 : vector<16xi1>
    %or3A_198 = arith.ori %gt3A_194, %and3A_197 : vector<16xi1>
    %select_n3A_199 = arith.select %or3A_198, %get3A_189, %select_n3A_184 : vector<16xi1>, vector<16xf32>
    %select_n3A_200 = arith.select %or3A_198, %get3A_193, %select_n3A_185 : vector<16xi1>, vector<16xi32>
    %get3A_201 = arith.constant 15 : index
    %get3A_202 = arith.constant 0 : index
    %get3A_203 = vector.load %arg0[%get3A_201, %get3A_202] : memref<32x16xf32, #tpu.memory_space<vmem>>, vector<1x16xf32>
    %get3A_204 = vector.shape_cast %get3A_203 : vector<1x16xf32> to vector<16xf32>
    %get3A_205 = arith.constant 15 : index
    %get3A_206 = arith.constant 0 : index
    %get3A_207 = vector.load %arg1[%get3A_205, %get3A_206] : memref<32x16xi32, #tpu.memory_space<vmem>>, vector<1x16xi32>
    %get3A_208 = vector.shape_cast %get3A_207 : vector<1x16xi32> to vector<16xi32>
    %gt3A_209 = arith.cmpf ogt, %get3A_204, %select_n3A_199 : vector<16xf32>
    %eq3A_210 = arith.cmpf oeq, %get3A_204, %select_n3A_199 : vector<16xf32>
    %lt3A_211 = arith.cmpi slt, %get3A_208, %select_n3A_200 : vector<16xi32>
    %and3A_212 = arith.andi %eq3A_210, %lt3A_211 : vector<16xi1>
    %or3A_213 = arith.ori %gt3A_209, %and3A_212 : vector<16xi1>
    %select_n3A_214 = arith.select %or3A_213, %get3A_208, %select_n3A_200 : vector<16xi1>, vector<16xi32>
    %swap3A_215 = arith.constant 3 : index
    %swap3A_216 = arith.constant 0 : index
    %swap3A_217 = vector.load %arg2[%swap3A_215, %swap3A_216] : memref<8x16xi32, #tpu.memory_space<vmem>>, vector<1x16xi32>
    %swap3A_218 = vector.shape_cast %swap3A_217 : vector<1x16xi32> to vector<16xi32>
    %swap3A_219 = vector.shape_cast %select_n3A_214 : vector<16xi32> to vector<1x16xi32>
    tpu.vector_store %arg2[%swap3A_215, %swap3A_216], %swap3A_219 {strides = array<i32>} : memref<8x16xi32, #tpu.memory_space<vmem>>, vector<1x16xi32>,
    %get3A_220 = arith.constant 16 : index
    %get3A_221 = arith.constant 0 : index
    %get3A_222 = vector.load %arg0[%get3A_220, %get3A_221] : memref<32x16xf32, #tpu.memory_space<vmem>>, vector<1x16xf32>
    %get3A_223 = vector.shape_cast %get3A_222 : vector<1x16xf32> to vector<16xf32>
    %get3A_224 = arith.constant 16 : index
    %get3A_225 = arith.constant 0 : index
    %get3A_226 = vector.load %arg1[%get3A_224, %get3A_225] : memref<32x16xi32, #tpu.memory_space<vmem>>, vector<1x16xi32>
    %get3A_227 = vector.shape_cast %get3A_226 : vector<1x16xi32> to vector<16xi32>
    %get3A_228 = arith.constant 17 : index
    %get3A_229 = arith.constant 0 : index
    %get3A_230 = vector.load %arg0[%get3A_228, %get3A_229] : memref<32x16xf32, #tpu.memory_space<vmem>>, vector<1x16xf32>
    %get3A_231 = vector.shape_cast %get3A_230 : vector<1x16xf32> to vector<16xf32>
    %get3A_232 = arith.constant 17 : index
    %get3A_233 = arith.constant 0 : index
    %get3A_234 = vector.load %arg1[%get3A_232, %get3A_233] : memref<32x16xi32, #tpu.memory_space<vmem>>, vector<1x16xi32>
    %get3A_235 = vector.shape_cast %get3A_234 : vector<1x16xi32> to vector<16xi32>
    %gt3A_236 = arith.cmpf ogt, %get3A_231, %get3A_223 : vector<16xf32>
    %eq3A_237 = arith.cmpf oeq, %get3A_231, %get3A_223 : vector<16xf32>
    %lt3A_238 = arith.cmpi slt, %get3A_235, %get3A_227 : vector<16xi32>
    %and3A_239 = arith.andi %eq3A_237, %lt3A_238 : vector<16xi1>
    %or3A_240 = arith.ori %gt3A_236, %and3A_239 : vector<16xi1>
    %select_n3A_241 = arith.select %or3A_240, %get3A_231, %get3A_223 : vector<16xi1>, vector<16xf32>
    %select_n3A_242 = arith.select %or3A_240, %get3A_235, %get3A_227 : vector<16xi1>, vector<16xi32>
    %get3A_243 = arith.constant 18 : index
    %get3A_244 = arith.constant 0 : index
    %get3A_245 = vector.load %arg0[%get3A_243, %get3A_244] : memref<32x16xf32, #tpu.memory_space<vmem>>, vector<1x16xf32>
    %get3A_246 = vector.shape_cast %get3A_245 : vector<1x16xf32> to vector<16xf32>
    %get3A_247 = arith.constant 18 : index
    %get3A_248 = arith.constant 0 : index
    %get3A_249 = vector.load %arg1[%get3A_247, %get3A_248] : memref<32x16xi32, #tpu.memory_space<vmem>>, vector<1x16xi32>
    %get3A_250 = vector.shape_cast %get3A_249 : vector<1x16xi32> to vector<16xi32>
    %gt3A_251 = arith.cmpf ogt, %get3A_246, %select_n3A_241 : vector<16xf32>
    %eq3A_252 = arith.cmpf oeq, %get3A_246, %select_n3A_241 : vector<16xf32>
    %lt3A_253 = arith.cmpi slt, %get3A_250, %select_n3A_242 : vector<16xi32>
    %and3A_254 = arith.andi %eq3A_252, %lt3A_253 : vector<16xi1>
    %or3A_255 = arith.ori %gt3A_251, %and3A_254 : vector<16xi1>
    %select_n3A_256 = arith.select %or3A_255, %get3A_246, %select_n3A_241 : vector<16xi1>, vector<16xf32>
    %select_n3A_257 = arith.select %or3A_255, %get3A_250, %select_n3A_242 : vector<16xi1>, vector<16xi32>
    %get3A_258 = arith.constant 19 : index
    %get3A_259 = arith.constant 0 : index
    %get3A_260 = vector.load %arg0[%get3A_258, %get3A_259] : memref<32x16xf32, #tpu.memory_space<vmem>>, vector<1x16xf32>
    %get3A_261 = vector.shape_cast %get3A_260 : vector<1x16xf32> to vector<16xf32>
    %get3A_262 = arith.constant 19 : index
    %get3A_263 = arith.constant 0 : index
    %get3A_264 = vector.load %arg1[%get3A_262, %get3A_263] : memref<32x16xi32, #tpu.memory_space<vmem>>, vector<1x16xi32>
    %get3A_265 = vector.shape_cast %get3A_264 : vector<1x16xi32> to vector<16xi32>
    %gt3A_266 = arith.cmpf ogt, %get3A_261, %select_n3A_256 : vector<16xf32>
    %eq3A_267 = arith.cmpf oeq, %get3A_261, %select_n3A_256 : vector<16xf32>
    %lt3A_268 = arith.cmpi slt, %get3A_265, %select_n3A_257 : vector<16xi32>
    %and3A_269 = arith.andi %eq3A_267, %lt3A_268 : vector<16xi1>
    %or3A_270 = arith.ori %gt3A_266, %and3A_269 : vector<16xi1>
    %select_n3A_271 = arith.select %or3A_270, %get3A_265, %select_n3A_257 : vector<16xi1>, vector<16xi32>
    %swap3A_272 = arith.constant 4 : index
    %swap3A_273 = arith.constant 0 : index
    %swap3A_274 = vector.load %arg2[%swap3A_272, %swap3A_273] : memref<8x16xi32, #tpu.memory_space<vmem>>, vector<1x16xi32>
    %swap3A_275 = vector.shape_cast %swap3A_274 : vector<1x16xi32> to vector<16xi32>
    %swap3A_276 = vector.shape_cast %select_n3A_271 : vector<16xi32> to vector<1x16xi32>
    tpu.vector_store %arg2[%swap3A_272, %swap3A_273], %swap3A_276 {strides = array<i32>} : memref<8x16xi32, #tpu.memory_space<vmem>>, vector<1x16xi32>,
    %get3A_277 = arith.constant 20 : index
    %get3A_278 = arith.constant 0 : index
    %get3A_279 = vector.load %arg0[%get3A_277, %get3A_278] : memref<32x16xf32, #tpu.memory_space<vmem>>, vector<1x16xf32>
    %get3A_280 = vector.shape_cast %get3A_279 : vector<1x16xf32> to vector<16xf32>
    %get3A_281 = arith.constant 20 : index
    %get3A_282 = arith.constant 0 : index
    %get3A_283 = vector.load %arg1[%get3A_281, %get3A_282] : memref<32x16xi32, #tpu.memory_space<vmem>>, vector<1x16xi32>
    %get3A_284 = vector.shape_cast %get3A_283 : vector<1x16xi32> to vector<16xi32>
    %get3A_285 = arith.constant 21 : index
    %get3A_286 = arith.constant 0 : index
    %get3A_287 = vector.load %arg0[%get3A_285, %get3A_286] : memref<32x16xf32, #tpu.memory_space<vmem>>, vector<1x16xf32>
    %get3A_288 = vector.shape_cast %get3A_287 : vector<1x16xf32> to vector<16xf32>
    %get3A_289 = arith.constant 21 : index
    %get3A_290 = arith.constant 0 : index
    %get3A_291 = vector.load %arg1[%get3A_289, %get3A_290] : memref<32x16xi32, #tpu.memory_space<vmem>>, vector<1x16xi32>
    %get3A_292 = vector.shape_cast %get3A_291 : vector<1x16xi32> to vector<16xi32>
    %gt3A_293 = arith.cmpf ogt, %get3A_288, %get3A_280 : vector<16xf32>
    %eq3A_294 = arith.cmpf oeq, %get3A_288, %get3A_280 : vector<16xf32>
    %lt3A_295 = arith.cmpi slt, %get3A_292, %get3A_284 : vector<16xi32>
    %and3A_296 = arith.andi %eq3A_294, %lt3A_295 : vector<16xi1>
    %or3A_297 = arith.ori %gt3A_293, %and3A_296 : vector<16xi1>
    %select_n3A_298 = arith.select %or3A_297, %get3A_288, %get3A_280 : vector<16xi1>, vector<16xf32>
    %select_n3A_299 = arith.select %or3A_297, %get3A_292, %get3A_284 : vector<16xi1>, vector<16xi32>
    %get3A_300 = arith.constant 22 : index
    %get3A_301 = arith.constant 0 : index
    %get3A_302 = vector.load %arg0[%get3A_300, %get3A_301] : memref<32x16xf32, #tpu.memory_space<vmem>>, vector<1x16xf32>
    %get3A_303 = vector.shape_cast %get3A_302 : vector<1x16xf32> to vector<16xf32>
    %get3A_304 = arith.constant 22 : index
    %get3A_305 = arith.constant 0 : index
    %get3A_306 = vector.load %arg1[%get3A_304, %get3A_305] : memref<32x16xi32, #tpu.memory_space<vmem>>, vector<1x16xi32>
    %get3A_307 = vector.shape_cast %get3A_306 : vector<1x16xi32> to vector<16xi32>
    %gt3A_308 = arith.cmpf ogt, %get3A_303, %select_n3A_298 : vector<16xf32>
    %eq3A_309 = arith.cmpf oeq, %get3A_303, %select_n3A_298 : vector<16xf32>
    %lt3A_310 = arith.cmpi slt, %get3A_307, %select_n3A_299 : vector<16xi32>
    %and3A_311 = arith.andi %eq3A_309, %lt3A_310 : vector<16xi1>
    %or3A_312 = arith.ori %gt3A_308, %and3A_311 : vector<16xi1>
    %select_n3A_313 = arith.select %or3A_312, %get3A_303, %select_n3A_298 : vector<16xi1>, vector<16xf32>
    %select_n3A_314 = arith.select %or3A_312, %get3A_307, %select_n3A_299 : vector<16xi1>, vector<16xi32>
    %get3A_315 = arith.constant 23 : index
    %get3A_316 = arith.constant 0 : index
    %get3A_317 = vector.load %arg0[%get3A_315, %get3A_316] : memref<32x16xf32, #tpu.memory_space<vmem>>, vector<1x16xf32>
    %get3A_318 = vector.shape_cast %get3A_317 : vector<1x16xf32> to vector<16xf32>
    %get3A_319 = arith.constant 23 : index
    %get3A_320 = arith.constant 0 : index
    %get3A_321 = vector.load %arg1[%get3A_319, %get3A_320] : memref<32x16xi32, #tpu.memory_space<vmem>>, vector<1x16xi32>
    %get3A_322 = vector.shape_cast %get3A_321 : vector<1x16xi32> to vector<16xi32>
    %gt3A_323 = arith.cmpf ogt, %get3A_318, %select_n3A_313 : vector<16xf32>
    %eq3A_324 = arith.cmpf oeq, %get3A_318, %select_n3A_313 : vector<16xf32>
    %lt3A_325 = arith.cmpi slt, %get3A_322, %select_n3A_314 : vector<16xi32>
    %and3A_326 = arith.andi %eq3A_324, %lt3A_325 : vector<16xi1>
    %or3A_327 = arith.ori %gt3A_323, %and3A_326 : vector<16xi1>
    %select_n3A_328 = arith.select %or3A_327, %get3A_322, %select_n3A_314 : vector<16xi1>, vector<16xi32>
    %swap3A_329 = arith.constant 5 : index
    %swap3A_330 = arith.constant 0 : index
    %swap3A_331 = vector.load %arg2[%swap3A_329, %swap3A_330] : memref<8x16xi32, #tpu.memory_space<vmem>>, vector<1x16xi32>
    %swap3A_332 = vector.shape_cast %swap3A_331 : vector<1x16xi32> to vector<16xi32>
    %swap3A_333 = vector.shape_cast %select_n3A_328 : vector<16xi32> to vector<1x16xi32>
    tpu.vector_store %arg2[%swap3A_329, %swap3A_330], %swap3A_333 {strides = array<i32>} : memref<8x16xi32, #tpu.memory_space<vmem>>, vector<1x16xi32>,
    %get3A_334 = arith.constant 24 : index
    %get3A_335 = arith.constant 0 : index
    %get3A_336 = vector.load %arg0[%get3A_334, %get3A_335] : memref<32x16xf32, #tpu.memory_space<vmem>>, vector<1x16xf32>
    %get3A_337 = vector.shape_cast %get3A_336 : vector<1x16xf32> to vector<16xf32>
    %get3A_338 = arith.constant 24 : index
    %get3A_339 = arith.constant 0 : index
    %get3A_340 = vector.load %arg1[%get3A_338, %get3A_339] : memref<32x16xi32, #tpu.memory_space<vmem>>, vector<1x16xi32>
    %get3A_341 = vector.shape_cast %get3A_340 : vector<1x16xi32> to vector<16xi32>
    %get3A_342 = arith.constant 25 : index
    %get3A_343 = arith.constant 0 : index
    %get3A_344 = vector.load %arg0[%get3A_342, %get3A_343] : memref<32x16xf32, #tpu.memory_space<vmem>>, vector<1x16xf32>
    %get3A_345 = vector.shape_cast %get3A_344 : vector<1x16xf32> to vector<16xf32>
    %get3A_346 = arith.constant 25 : index
    %get3A_347 = arith.constant 0 : index
    %get3A_348 = vector.load %arg1[%get3A_346, %get3A_347] : memref<32x16xi32, #tpu.memory_space<vmem>>, vector<1x16xi32>
    %get3A_349 = vector.shape_cast %get3A_348 : vector<1x16xi32> to vector<16xi32>
    %gt3A_350 = arith.cmpf ogt, %get3A_345, %get3A_337 : vector<16xf32>
    %eq3A_351 = arith.cmpf oeq, %get3A_345, %get3A_337 : vector<16xf32>
    %lt3A_352 = arith.cmpi slt, %get3A_349, %get3A_341 : vector<16xi32>
    %and3A_353 = arith.andi %eq3A_351, %lt3A_352 : vector<16xi1>
    %or3A_354 = arith.ori %gt3A_350, %and3A_353 : vector<16xi1>
    %select_n3A_355 = arith.select %or3A_354, %get3A_345, %get3A_337 : vector<16xi1>, vector<16xf32>
    %select_n3A_356 = arith.select %or3A_354, %get3A_349, %get3A_341 : vector<16xi1>, vector<16xi32>
    %get3A_357 = arith.constant 26 : index
    %get3A_358 = arith.constant 0 : index
    %get3A_359 = vector.load %arg0[%get3A_357, %get3A_358] : memref<32x16xf32, #tpu.memory_space<vmem>>, vector<1x16xf32>
    %get3A_360 = vector.shape_cast %get3A_359 : vector<1x16xf32> to vector<16xf32>
    %get3A_361 = arith.constant 26 : index
    %get3A_362 = arith.constant 0 : index
    %get3A_363 = vector.load %arg1[%get3A_361, %get3A_362] : memref<32x16xi32, #tpu.memory_space<vmem>>, vector<1x16xi32>
    %get3A_364 = vector.shape_cast %get3A_363 : vector<1x16xi32> to vector<16xi32>
    %gt3A_365 = arith.cmpf ogt, %get3A_360, %select_n3A_355 : vector<16xf32>
    %eq3A_366 = arith.cmpf oeq, %get3A_360, %select_n3A_355 : vector<16xf32>
    %lt3A_367 = arith.cmpi slt, %get3A_364, %select_n3A_356 : vector<16xi32>
    %and3A_368 = arith.andi %eq3A_366, %lt3A_367 : vector<16xi1>
    %or3A_369 = arith.ori %gt3A_365, %and3A_368 : vector<16xi1>
    %select_n3A_370 = arith.select %or3A_369, %get3A_360, %select_n3A_355 : vector<16xi1>, vector<16xf32>
    %select_n3A_371 = arith.select %or3A_369, %get3A_364, %select_n3A_356 : vector<16xi1>, vector<16xi32>
    %get3A_372 = arith.constant 27 : index
    %get3A_373 = arith.constant 0 : index
    %get3A_374 = vector.load %arg0[%get3A_372, %get3A_373] : memref<32x16xf32, #tpu.memory_space<vmem>>, vector<1x16xf32>
    %get3A_375 = vector.shape_cast %get3A_374 : vector<1x16xf32> to vector<16xf32>
    %get3A_376 = arith.constant 27 : index
    %get3A_377 = arith.constant 0 : index
    %get3A_378 = vector.load %arg1[%get3A_376, %get3A_377] : memref<32x16xi32, #tpu.memory_space<vmem>>, vector<1x16xi32>
    %get3A_379 = vector.shape_cast %get3A_378 : vector<1x16xi32> to vector<16xi32>
    %gt3A_380 = arith.cmpf ogt, %get3A_375, %select_n3A_370 : vector<16xf32>
    %eq3A_381 = arith.cmpf oeq, %get3A_375, %select_n3A_370 : vector<16xf32>
    %lt3A_382 = arith.cmpi slt, %get3A_379, %select_n3A_371 : vector<16xi32>
    %and3A_383 = arith.andi %eq3A_381, %lt3A_382 : vector<16xi1>
    %or3A_384 = arith.ori %gt3A_380, %and3A_383 : vector<16xi1>
    %select_n3A_385 = arith.select %or3A_384, %get3A_379, %select_n3A_371 : vector<16xi1>, vector<16xi32>
    %swap3A_386 = arith.constant 6 : index
    %swap3A_387 = arith.constant 0 : index
    %swap3A_388 = vector.load %arg2[%swap3A_386, %swap3A_387] : memref<8x16xi32, #tpu.memory_space<vmem>>, vector<1x16xi32>
    %swap3A_389 = vector.shape_cast %swap3A_388 : vector<1x16xi32> to vector<16xi32>
    %swap3A_390 = vector.shape_cast %select_n3A_385 : vector<16xi32> to vector<1x16xi32>
    tpu.vector_store %arg2[%swap3A_386, %swap3A_387], %swap3A_390 {strides = array<i32>} : memref<8x16xi32, #tpu.memory_space<vmem>>, vector<1x16xi32>,
    %get3A_391 = arith.constant 28 : index
    %get3A_392 = arith.constant 0 : index
    %get3A_393 = vector.load %arg0[%get3A_391, %get3A_392] : memref<32x16xf32, #tpu.memory_space<vmem>>, vector<1x16xf32>
    %get3A_394 = vector.shape_cast %get3A_393 : vector<1x16xf32> to vector<16xf32>
    %get3A_395 = arith.constant 28 : index
    %get3A_396 = arith.constant 0 : index
    %get3A_397 = vector.load %arg1[%get3A_395, %get3A_396] : memref<32x16xi32, #tpu.memory_space<vmem>>, vector<1x16xi32>
    %get3A_398 = vector.shape_cast %get3A_397 : vector<1x16xi32> to vector<16xi32>
    %get3A_399 = arith.constant 29 : index
    %get3A_400 = arith.constant 0 : index
    %get3A_401 = vector.load %arg0[%get3A_399, %get3A_400] : memref<32x16xf32, #tpu.memory_space<vmem>>, vector<1x16xf32>
    %get3A_402 = vector.shape_cast %get3A_401 : vector<1x16xf32> to vector<16xf32>
    %get3A_403 = arith.constant 29 : index
    %get3A_404 = arith.constant 0 : index
    %get3A_405 = vector.load %arg1[%get3A_403, %get3A_404] : memref<32x16xi32, #tpu.memory_space<vmem>>, vector<1x16xi32>
    %get3A_406 = vector.shape_cast %get3A_405 : vector<1x16xi32> to vector<16xi32>
    %gt3A_407 = arith.cmpf ogt, %get3A_402, %get3A_394 : vector<16xf32>
    %eq3A_408 = arith.cmpf oeq, %get3A_402, %get3A_394 : vector<16xf32>
    %lt3A_409 = arith.cmpi slt, %get3A_406, %get3A_398 : vector<16xi32>
    %and3A_410 = arith.andi %eq3A_408, %lt3A_409 : vector<16xi1>
    %or3A_411 = arith.ori %gt3A_407, %and3A_410 : vector<16xi1>
    %select_n3A_412 = arith.select %or3A_411, %get3A_402, %get3A_394 : vector<16xi1>, vector<16xf32>
    %select_n3A_413 = arith.select %or3A_411, %get3A_406, %get3A_398 : vector<16xi1>, vector<16xi32>
    %get3A_414 = arith.constant 30 : index
    %get3A_415 = arith.constant 0 : index
    %get3A_416 = vector.load %arg0[%get3A_414, %get3A_415] : memref<32x16xf32, #tpu.memory_space<vmem>>, vector<1x16xf32>
    %get3A_417 = vector.shape_cast %get3A_416 : vector<1x16xf32> to vector<16xf32>
    %get3A_418 = arith.constant 30 : index
    %get3A_419 = arith.constant 0 : index
    %get3A_420 = vector.load %arg1[%get3A_418, %get3A_419] : memref<32x16xi32, #tpu.memory_space<vmem>>, vector<1x16xi32>
    %get3A_421 = vector.shape_cast %get3A_420 : vector<1x16xi32> to vector<16xi32>
    %gt3A_422 = arith.cmpf ogt, %get3A_417, %select_n3A_412 : vector<16xf32>
    %eq3A_423 = arith.cmpf oeq, %get3A_417, %select_n3A_412 : vector<16xf32>
    %lt3A_424 = arith.cmpi slt, %get3A_421, %select_n3A_413 : vector<16xi32>
    %and3A_425 = arith.andi %eq3A_423, %lt3A_424 : vector<16xi1>
    %or3A_426 = arith.ori %gt3A_422, %and3A_425 : vector<16xi1>
    %select_n3A_427 = arith.select %or3A_426, %get3A_417, %select_n3A_412 : vector<16xi1>, vector<16xf32>
    %select_n3A_428 = arith.select %or3A_426, %get3A_421, %select_n3A_413 : vector<16xi1>, vector<16xi32>
    %get3A_429 = arith.constant 31 : index
    %get3A_430 = arith.constant 0 : index
    %get3A_431 = vector.load %arg0[%get3A_429, %get3A_430] : memref<32x16xf32, #tpu.memory_space<vmem>>, vector<1x16xf32>
    %get3A_432 = vector.shape_cast %get3A_431 : vector<1x16xf32> to vector<16xf32>
    %get3A_433 = arith.constant 31 : index
    %get3A_434 = arith.constant 0 : index
    %get3A_435 = vector.load %arg1[%get3A_433, %get3A_434] : memref<32x16xi32, #tpu.memory_space<vmem>>, vector<1x16xi32>
    %get3A_436 = vector.shape_cast %get3A_435 : vector<1x16xi32> to vector<16xi32>
    %gt3A_437 = arith.cmpf ogt, %get3A_432, %select_n3A_427 : vector<16xf32>
    %eq3A_438 = arith.cmpf oeq, %get3A_432, %select_n3A_427 : vector<16xf32>
    %lt3A_439 = arith.cmpi slt, %get3A_436, %select_n3A_428 : vector<16xi32>
    %and3A_440 = arith.andi %eq3A_438, %lt3A_439 : vector<16xi1>
    %or3A_441 = arith.ori %gt3A_437, %and3A_440 : vector<16xi1>
    %select_n3A_442 = arith.select %or3A_441, %get3A_436, %select_n3A_428 : vector<16xi1>, vector<16xi32>
    %swap3A_443 = arith.constant 7 : index
    %swap3A_444 = arith.constant 0 : index
    %swap3A_445 = vector.load %arg2[%swap3A_443, %swap3A_444] : memref<8x16xi32, #tpu.memory_space<vmem>>, vector<1x16xi32>
    %swap3A_446 = vector.shape_cast %swap3A_445 : vector<1x16xi32> to vector<16xi32>
    %swap3A_447 = vector.shape_cast %select_n3A_442 : vector<16xi32> to vector<1x16xi32>
    tpu.vector_store %arg2[%swap3A_443, %swap3A_444], %swap3A_447 {strides = array<i32>} : memref<8x16xi32, #tpu.memory_space<vmem>>, vector<1x16xi32>,
    return
  }
}

</mosaic_0001>

<sc_bundles>
// kernel: kernel.4.cloned.1.call-start
scs
__scs_entry_jumppad:
0x0: {  	(pc) =	sbr.rel $0x88, $3  }
0x1: {  	(tag) =	ssettag $0x0;
	lr =	simm.s32 $0x1  }
0x2: {  	[smem:$0x3FA0] =	sst lr;
	_ =	strace $0xD0000000  }
0x3: {  	_ = 	snop  }
0x4: {  	_ = 	snop  }
0x5: {  	_ = 	snop  }
0x6: {  	_ = 	snop  }
0x7: {  	_ = 	snop  }
__scs_overlays_trampoline_lowered:
0x8: {  	[smem:$0x3FAF] =	sst s0  }
0x9: {  	[smem:$0x3FB0] =	sst s1  }
0xa: {  	[smem:$0x3FB1] =	sst s2  }
0xb: {  	[smem:$0x3FB2] =	sst s3  }
0xc: {  	[smem:$0x3FB3] =	sst s4  }
0xd: {  	[smem:$0x3FB4] =	sst s5  }
0xe: {  	[smem:$0x3FB5] =	sst s6  }
0xf: {  	[smem:$0x3FB6] =	sst s7  }
0x10: {  	[smem:$0x3FB7] =	sst s8  }
0x11: {  	[smem:$0x3FB8] =	sst s9;
	s0 =	simm.s32 @!p0 $0x0  }
0x12: {  	s1 =	sld [smem:$0x3F9E];
	s0 =	simm.s32 @p0 $0x1  }
0x13: {  	[smem:$0x3FB9] =	sst s0;
	s0 =	simm.s32 @!p1 $0x0  }
0x14: {  	s2 =	sld [smem:$0x3F9D];
	s0 =	simm.s32 @p1 $0x1  }
0x15: {  	[smem:$0x3FBA] =	sst s0;
	s0 =	simm.s32 @!p2 $0x0  }
0x16: {  	s3 =	sld [smem:$0x3FDB];
	s0 =	simm.s32 @p2 $0x1  }
0x17: {  	s4 =	simm.s32 $0x1BF5;
	[smem:$0x3FBC] =	sst s0  }
0x18: {  	s0 =	sld [smem:$0x3F9F];
	_ =	swait.ge [sflag:s4], $0x0  }
0x19: {  	s7 =	sld [smem:$0x3FA0]  }
0x1a: {  	s8 =	sadd.s32 $0xFFFFE003, lr  }
0x1b: {  	s9 =	sadd.s32 $0xFFFFFEF7, lr;
	s5 =	simm.s32 $0xFFFFFFFF;
	p2 =	slt.u32 s8, $0xFFFFF086  }
0x1c: {  	p1 =	slt.u32 s9, $0xF7A;
	s5 =	simm.s32 @!p2 $0x0  }
0x1d: {  	s5 =	simm.s32 @p1 $0x1;
	p0 =	seq.s32 s7, s2  }
0x1e: {  	s7 =	smul.u32 @!p0 $0xF7A, s2;
	p2 =	seq.s32 @!p0 s5, $0x0  }
0x1f: {  	s9 =	smul.u32 $0xF7A, s1;
	s8 =	simm.s32 @!p0 $0x1BF5;
	p2 =	por !p2, p0  }
0x20: {  	[sflag:s8] =	ssyncset.s32 @!p0 $0xFFFFF086;
	s6 =	sadd.s32 @!p0 s3, s7;
	s7 =	simm.s32 @!p0 $0x108  }
0x21: {  	s3 =	sadd.s32 s3, s9;
	s6 =	sadd.s32 @!p0 $0x88, s6;
	s7 =	simm.s32 @p2 $0x1082  }
0x22: {  	[simem:s7], [sflag:s8] =	dma.local @!p0 [hbm:s6], $0xF7A  }
0x23: {  	s9 =	sor.u32 $0xD0000000, s2;
	s6 =	simm.s32 $0x108;
	_ =	swait.ge @!p0 [sflag:s8], $0x0  }
0x24: {  	s3 =	sadd.s32 $0x88, s3;
	s6 =	simm.s32 @!p1 $0x1082;
	[sflag:s4] =	ssyncset.s32 $0xFFFFF086  }
0x25: {  	[simem:s6], [sflag:s4] =	dma.local [hbm:s3], $0xF7A  }
0x26: {  	[smem:$0x3FA0] =	sst s1;
	(tag) =	ssettag s2;
	_ =	strace s9  }
0x27: {  	s1 =	sld [smem:$0x3FB0]  }
0x28: {  	s2 =	sld [smem:$0x3FB1]  }
0x29: {  	s4 =	sld [smem:$0x3FB3]  }
0x2a: {  	p0 =	seq.s32 s5, $0x0;
	s5 =	sld [smem:$0x3FB4]  }
0x2b: {  	s6 =	sld [smem:$0x3FB5]  }
0x2c: {  	s7 =	sld [smem:$0x3FB6]  }
0x2d: {  	s3 =	simm.s32 $0x108;
	s8 =	sld [smem:$0x3FB7]  }
0x2e: {  	s3 =	simm.s32 @!p0 $0x1082;
	s9 =	sld [smem:$0x3FB8]  }
0x2f: {  	lr =	sadd.s32 s0, s3;
	s0 =	sld [smem:$0x3FAF]  }
0x30: {  	s3 =	sld [smem:$0x3FB2]  }
0x31: {  	[smem:$0x3FBB] =	sst s10  }
0x32: {  	s10 =	sld [smem:$0x3FB9];
	_ =	sdelay $0x3  }
0x33: {  	p0 =	seq.s32 s10, $0x1;
	s10 =	sld [smem:$0x3FBB];
	_ =	sdelay $0x3  }
0x34: {  	[smem:$0x3FBB] =	sst s10  }
0x35: {  	s10 =	sld [smem:$0x3FBA];
	_ =	sdelay $0x3  }
0x36: {  	p1 =	seq.s32 s10, $0x1;
	s10 =	sld [smem:$0x3FBB];
	_ =	sdelay $0x3  }
0x37: {  	[smem:$0x3FBB] =	sst s10  }
0x38: {  	s10 =	sld [smem:$0x3FBC]  }
0x39: {  	_ = 	snop;
	(pc) =	sbr.ind lr, $3  }
0x3a: {  	_ = 	snop  }
0x3b: {  	_ = 	snop  }
0x3c: {  	p2 =	seq.s32 s10, $0x1;
	s10 =	sld [smem:$0x3FBB]  }
0x3d: {  	_ =	shalt  }
0x3e: {  	_ =	shalt  }
0x3f: {  	_ =	shalt  }
0x40: {  	_ =	shalt  }
0x41: {  	_ =	shalt  }
0x42: {  	_ =	shalt  }
0x43: {  	_ =	shalt  }
0x44: {  	_ =	shalt  }
0x45: {  	_ =	shalt  }
0x46: {  	_ =	shalt  }
0x47: {  	_ =	shalt  }
0x48: {  	_ =	shalt  }
0x49: {  	_ =	shalt  }
0x4a: {  	_ =	shalt  }
0x4b: {  	_ =	shalt  }
0x4c: {  	_ =	shalt  }
0x4d: {  	_ =	shalt  }
0x4e: {  	_ =	shalt  }
0x4f: {  	_ =	shalt  }
0x50: {  	_ =	shalt  }
0x51: {  	_ =	shalt  }
0x52: {  	_ =	shalt  }
0x53: {  	_ =	shalt  }
0x54: {  	_ =	shalt  }
0x55: {  	_ =	shalt  }
0x56: {  	_ =	shalt  }
0x57: {  	_ =	shalt  }
0x58: {  	_ =	shalt  }
0x59: {  	_ =	shalt  }
0x5a: {  	_ =	shalt  }
0x5b: {  	_ =	shalt  }
0x5c: {  	_ =	shalt  }
0x5d: {  	_ =	shalt  }
0x5e: {  	_ =	shalt  }
0x5f: {  	_ =	shalt  }
0x60: {  	_ =	shalt  }
0x61: {  	_ =	shalt  }
0x62: {  	_ =	shalt  }
0x63: {  	_ =	shalt  }
0x64: {  	_ =	shalt  }
0x65: {  	_ =	shalt  }
0x66: {  	_ =	shalt  }
0x67: {  	_ =	shalt  }
0x68: {  	_ =	shalt  }
0x69: {  	_ =	shalt  }
0x6a: {  	_ =	shalt  }
0x6b: {  	_ =	shalt  }
0x6c: {  	_ =	shalt  }
0x6d: {  	_ =	shalt  }
0x6e: {  	_ =	shalt  }
0x6f: {  	_ =	shalt  }
0x70: {  	_ =	shalt  }
0x71: {  	_ =	shalt  }
0x72: {  	_ =	shalt  }
0x73: {  	_ =	shalt  }
0x74: {  	_ =	shalt  }
0x75: {  	_ =	shalt  }
0x76: {  	_ =	shalt  }
0x77: {  	_ =	shalt  }
0x78: {  	_ =	shalt  }
0x79: {  	_ =	shalt  }
0x7a: {  	_ =	shalt  }
0x7b: {  	_ =	shalt  }
0x7c: {  	_ =	shalt  }
0x7d: {  	_ =	shalt  }
0x7e: {  	_ =	shalt  }
0x7f: {  	_ =	shalt  }
0x80: {  	_ =	shalt  }
0x81: {  	_ =	shalt  }
0x82: {  	_ =	shalt  }
0x83: {  	_ =	shalt  }
0x84: {  	_ =	shalt  }
0x85: {  	_ =	shalt  }
0x86: {  	_ =	shalt  }
0x87: {  	_ =	shalt  }
.Lfunc_end0:
.L_simem_size_0:
called_computation_lowered:
.L_overlay_start_0:
0x88: {  	s2 =	sld [smem:$0x3FD9]  }
0x89: {  	s3 =	sld [smem:$0x3FFE];
	_ =	sdelay $0x1  }
0x8a: {  	s1 =	srdreg.scid  }
0x8b: {  	s0 =	sand.u32 $0x1, s1  }
0x8c: {  	s17 =	sshll.u32 s0, $0xA;
	s2 =	sadd.s32 s3, s2  }
0x8d: {  	s2 =	sadd.s32 s2, s17  }
0x8e: {  	[smem:$0x3FC7] =	sst s2  }
0x8f: {  	_ = 	snop  }
0x90: {  	s2 =	sld [smem:$0x3FC9];
	(tm) =	ssettm $0x1  }
0x91: {  	s18 =	sld [smem:$0x3FFB];
	_ =	sdelay $0x3  }
0x92: {  	_ =	strace s18  }
0x93: {  	s3 =	sld [smem:$0x3FFC];
	_ =	sdelay $0x3  }
0x94: {  	_ =	strace s3  }
0x95: {  	s3 =	sld [smem:$0x3FFD];
	_ =	sdelay $0x3  }
0x96: {  	_ =	strace s3  }
0x97: {  	_ =	strace $0x8FFFFFFF  }
0x98: {  	s19 =	sld [smem:$0x3FDB];
	_ =	sdelay $0x1  }
0x99: {  	s4 =	simm.s32 $_scs_section_size  }
0x9a: {  	s5 =	simm.s32 $_size__tile_overlayer_lowered;
	s6 =	simm.s32 $_tile_overlayer_lowered  }
0x9b: {  	s22 =	simm.s32 $0x1BFF;
	s21 =	sshll.u32 s6, $0x1;
	s3 =	sadd.s32 s4, s19  }
0x9c: {  	s7 =	simm.s32 $0x0;
	s20 =	sshll.u32 s5, $0x1;
	s5 =	sadd.s32 s21, s3  }
0x9d: {  	[timem:s7], [sflag:s22] =	dma.local [hbm:s5], s20  }
0x9e: {  	_ =	swait.ge [sflag:s22], s20  }
0x9f: {  	s4 =	ssub.s32 $0x0, s20;
	[sflag:s22] =	ssyncset.done $0x0  }
0xa0: {  	[sflag:s22] =	ssyncadd.s32 s4;
	_ =	sdelay $0x1  }
0xa1: {  	s23 =	simm.s32 $0x1B8B  }
0xa2: {  	_ =	swait.ge [sflag:s23], $0x1  }
0xa3: {  	[sflag:s23] =	ssyncset.done $0x0  }
0xa4: {  	s25 =	simm.s32 $0x1B8E;
	s24 =	sld [smem:$0x3FFE];
	[sflag:s23] =	ssyncadd.s32 $0xFFFFFFFF  }
0xa5: {  	s26 =	simm.s32 $execute0_lowered;
	[smem:$0x3FD2] =	sst s25  }
0xa6: {  	s5 =	sshll.u32 s26, $0x1;
	_ =	strace $0x80000046;
	[dreg:$0x1] =	wrdreg $0xFFFFFFFF  }
0xa7: {  	s28 =	simm.s32 $_size_execute0_lowered;
	s3 =	sadd.s32 s3, s5;
	[dreg:$0x0] =	wrdreg $0x0  }
0xa8: {  	s5 =	sshll.u32 s28, $0x1;
	[dreg:$0x2] =	wrdreg s3  }
0xa9: {  	[dreg:$0x3] =	wrdreg s5  }
0xaa: {  	[dreg:$0x4] =	wrdreg $0xC0  }
0xab: {  	_ =	task [dreg:s7], $0x5FFFF  }
0xac: {  	[dreg:$0x1] =	wrdreg $0xFFFFFFFF  }
0xad: {  	[dreg:$0x0] =	wrdreg $0x60  }
0xae: {  	[dreg:$0x2] =	wrdreg s2  }
0xaf: {  	[dreg:$0x3] =	wrdreg s24  }
0xb0: {  	[dreg:$0x4] =	wrdreg $0x9  }
0xb1: {  	_ =	task.clear_ibuf [dreg:s7], $0x5FFFF;
	_ =	strace $0x90000046  }
0xb2: {  	s29 =	simm.s32 $0x9;
	_ =	strace $0x80000048  }
0xb3: {  	_ =	swait.ge [sflag:s29], $0x1  }
0xb4: {  	[sflag:s29] =	ssyncadd.s32 $0xFFFFFFFF  }
0xb5: {  	_ =	strace $0x90000048  }
0xb6: {  	_ =	sfence  }
0xb7: {  	s30 =	sld [smem:$0x0];
	_ =	sdelay $0x2  }
0xb8: {  	s31 =	sshll.u32 s1, $0xD;
	s1 =	sshrl.u32 s1, $0x2  }
0xb9: {  	s3 =	sand.u32 $0x4000, s31;
	s1 =	sadd.s32 s1, s30  }
0xba: {  	s0 =	sor.u32 s3, s0;
	s1 =	sshll.u32 s1, $0x11  }
0xbb: {  	s0 =	sor.u32 s1, s0  }
0xbc: {  	s0 =	sadd.s32 $0x8F2B, s0  }
0xbd: {  	[sflag:s0] =	ssyncadd.remote.s32 $0x1  }
0xbe: {  	_ =	sfence.sel $0xFFFF  }
0xbf: {  	[dreg:$0x0] =	wrdreg $0xFFFFFFFF;
	(pc) =	sbr.abs _section_cstart, $3  }
0xc0: {  	[dreg:$0x1] =	wrdreg $0xFFFFFFFF  }
0xc1: {  	_ =	task.clear_ibuf [dreg:s7], $0x2FFFF;
	_ =	strace $0x9FFFFFFF  }
0xc2: {  	(tm) =	ssettm $0x7FFFFFFF  }
0xc3: {  	_ =	shalt  }
tec
execute0_lowered:
.L_overlay_start_1:
0x0: {  	(tag) =	ssettag $0x1  }
0x1: {  	s1 =	rddreg [dreg:$0x0]  }
0x2: {  	s0 =	rddreg [dreg:$0x1];
	s3 =	simm.s32 $0x0;
	s4 =	srdreg.scid  }
0x3: {  	s2 =	stileid.u32;
	[smem:$0x7FF] =	sst s3;
	s5 =	sand.u32 $0x1, s4  }
0x4: {  	s18 =	sshrl.u32 s2, $0x2;
	s8 =	sshll.u32 s2, $0x4;
	s20 =	sand.u32 $0x3, s2  }
0x5: {  	s31 =	sor.u32 $0xC, s2;
	_ =	strace $0x80000047;
	s6 =	sshll.u32 s5, $0x2  }
0x6: {  	s7 =	sshll.u32 s5, $0x8;
	s5 =	ssub.s32 $0x2, s5;
	s21 =	smul.u32 $0x7000, s20  }
0x7: {  	s10 =	smul.u32 $0xE00, s20;
	s28 =	sor.u32 $0x114, s20;
	s11 =	sor.u32 $0x14, s20  }
0x8: {  	s12 =	sor.u32 $0x18, s20;
	s4 =	sor.u32 s18, s6;
	s18 =	smul.u32 $0xE0, s20  }
0x9: {  	s19 =	sor.u32 s8, s7;
	s22 =	sshrl.u32 s5, $0x1;
	s4 =	smul.u32 $0x7A1400, s4  }
0xa: {  	s0 =	sadd.s32 s19, s0;
	s5 =	ssub.s32 s5, s22;
	s19 =	simm.s32 $0x7000  }
0xb: {  	s22 =	simm.s32 $0x1;
	s29 =	sadd.s32 $0xC00, s0;
	s0 =	sadd.s32 $0xE00, s0  }
0xc: {  	s5 =	smax.u32 s5, $0x1;
	s9 =	sshrl.u32 s4, $0x3;
	[dreg:$0x9] =	wrdreg s29  }
0xd: {  	s6 =	sadd.s32 s21, s4;
	[dreg:$0xb] =	wrdreg s5;
	s5 =	smul.u32 $0xE0, s31  }
0xe: {  	[dreg:$0xa] =	wrdreg s0;
	s21 =	simm.s32 $0x15000;
	s23 =	sadd.s32 s1, s9  }
0xf: {  	s6 =	sshrl.u32 s6, $0x3;
	s9 =	sadd.s32 $0xF4200, s23;
	[dreg:$0xc] =	wrdreg s5  }
0x10: {  	s8 =	sadd.s32 s23, s10;
	s6 =	sadd.s32 s1, s6;
	[dreg:$0x4] =	wrdreg s9  }
0x11: {  	s10 =	sor.u32 $0x10, s20;
	[dreg:$0x5] =	wrdreg s6;
	s24 =	sadd.s32 $0x3800, s8  }
0x12: {  	s25 =	sadd.s32 $0x7000, s8;
	s6 =	smin.u32 s28, $0x116;
	[dreg:$0x6] =	wrdreg s24  }
0x13: {  	s26 =	sadd.s32 $0xA800, s8;
	[dreg:$0x7] =	wrdreg s25;
	s30 =	smul.u32 $0xE0, s6  }
0x14: {  	v0 =	vlaneseq.u32;
	s23 =	simm.s32 $0x2;
	[dreg:$0x8] =	wrdreg s26;
	s24 =	simm.s32 $0x3  }
0x15: {  	vm12 =	vcmask $0x1714;
	vm13 =	vcmask $0x1B18;
	vm14 =	vcmask $0x1F1C;
	s25 =	simm.s32 $0x4;
	s6 =	simm.s32 $0x0;
	[dreg:$0x3] =	wrdreg s30  }
.LBB2_1:
0x16: {  	[dreg:$0xd] =	wrdreg s6  }
0x17: {  	s0 =	rddreg [dreg:$0x4]  }
0x18: {  	s5 =	simm.s32 $0x1C000;
	s26 =	rddreg [dreg:$0x5]  }
0x19: {  	[tilespmem:s5], [sflag:$0x5] =	stream.linear.gather [hbm4b:s0+s3], $0x400, $0x38;
	[tilespmem:$0x1C500] =	vst v63  }
0x1a: {  	s28 =	rddreg [dreg:$0x6]  }
0x1b: {  	[tilespmem:s3], [sflag:$0x1] =	stream.linear.gather [hbm4b:s26+s3], $0x7000, $0x38;
	[tilespmem:$0x1C500] =	vst v63  }
0x1c: {  	v7 =	vimm.f32 $-Inf;
	s29 =	rddreg [dreg:$0x7]  }
0x1d: {  	v1 =	vimm.s32 $0x0;
	v3 =	vimm.s32 $0x0;
	v8 =	vimm.f32 $-Inf;
	[tilespmem:s19], [sflag:$0x2] =	stream.linear.gather [hbm4b:s28+s3], $0x7000, $0x38;
	[tilespmem:$0x1C500] =	vst v63  }
0x1e: {  	s30 =	simm.s32 $0xE000;
	v5 =	vimm.s32 $0x0;
	v9 =	vimm.f32 $-Inf;
	v2 =	vimm.s32 $0x0;
	s31 =	rddreg [dreg:$0x8]  }
0x1f: {  	v10 =	vimm.f32 $-Inf;
	v4 =	vimm.s32 $0x0;
	v11 =	vimm.f32 $-Inf;
	[tilespmem:s30], [sflag:$0x3] =	stream.linear.gather [hbm4b:s29+s3], $0x7000, $0x38;
	[tilespmem:$0x1C500] =	vst v63  }
0x20: {  	v6 =	vimm.s32 $0x0;
	v12 =	vimm.f32 $-Inf;
	v20 =	vimm.s32 $0x0;
	s17 =	rddreg [dreg:$0xc];
	s16 =	smov.u32 s18;
	s20 =	simm.s32 $0x0  }
0x21: {  	v23 =	vimm.f32 $-Inf;
	v19 =	vimm.s32 $0x0;
	v24 =	vimm.f32 $-Inf;
	[tilespmem:s21], [sflag:$0x4] =	stream.linear.gather [hbm4b:s31+s3], $0x7000, $0x38;
	[tilespmem:$0x1C500] =	vst v63  }
.LBB2_2:
0x22: {  	_ =	swait.ge [sflag:s22], $0x7000;
	s5 =	simm.s32 $0x10;
	s6 =	simm.s32 $0x0  }
0x23: {  	[sflag:s22] =	ssyncset.done $0x0;
	s0 =	sand.u32 $0x7C00, s6;
	s7 =	sand.u32 $0x70, s5  }
0x24: {  	[sflag:s22] =	ssyncadd.s32 $0xFFFF9000;
	s7 =	sor.u32 s7, s0  }
0x25: {  	v18 =	vld [tilespmem:s7+$0x0]  }
0x26: {  	s8 =	simm.s32 $0x0;
	v28 =	vld [tilespmem:s7+$0x80]  }
0x27: {  	s8 =	sand.u32 $0x60, s8;
	v13 =	vld [tilespmem:s7+$0x100]  }
0x28: {  	s0 =	sor.u32 s8, s0;
	v14 =	vld [tilespmem:s7+$0x180]  }
0x29: {  	v17 =	vld [tilespmem:s0+$0x0]  }
0x2a: {  	v25 =	vld [tilespmem:s0+$0x80]  }
0x2b: {  	v15 =	vld [tilespmem:s7+$0x200]  }
0x2c: {  	s15 =	sand.u32 $0x3, s6;
	v16 =	vld [tilespmem:s0+$0x100]  }
0x2d: {  	s8 =	sshll.u32 s15, $0x5;
	v21 =	vld [tilespmem:s0+$0x180]  }
0x2e: {  	s28 =	sshll.u32 s20, $0x4;
	s9 =	sadd.s32 $0xFFFFFFFE, s16;
	v26 =	vld [tilespmem:s0+$0x200];
	s14 =	sadd.s32 $0x0, s8  }
0x2f: {  	s13 =	sand.u32 $0x7, s6;
	s30 =	sadd.s32 $0x2, s9;
	v22 =	vld [tilespmem:s7+$0x280];
	s31 =	sor.u32 $0x380, s14;
	vm0 =	vgt.f32 v17, v24;
	vm1 =	vgt.f32 v25, v23  }
0x30: {  	s26 =	sshll.u32 s13, $0x4;
	s13 =	simm.s32 $0x100;
	s8 =	simm.s32 $0x0;
	v27 =	vld [tilespmem:s31+$0x0];
	v29 =	vsel vm0, v17, v24;
	v23 =	vsel vm1, v25, v23;
	v20 =	vsel vm1, s30, v20  }
0x31: {  	s15 =	sadd.s32 $0x10, s26;
	s7 =	sadd.s32 $0x3, s9;
	s29 =	sor.u32 $0x300, s14;
	v24 =	vld [tilespmem:s0+$0x280];
	v17 =	vsel vm0, s30, v19;
	vm15 =	vgt.f32 v18, v29;
	vm11 =	vgt.f32 v28, v23  }
0x32: {  	s9 =	simm.s32 $0x30;
	s14 =	simm.s32 $0x0;
	v25 =	vld [tilespmem:s29+$0x0];
	s0 =	sor.u32 $0x300, s15;
	v18 =	vsel vm15, v18, v29;
	v19 =	vsel vm11, v28, v23;
	v20 =	vsel vm11, s7, v20  }
.LBB2_3:
0x33: {  	s26 =	sand.u32 $0x7C00, s13;
	s29 =	sand.u32 $0x70, s9;
	vm0 =	vgt.f32 v16, v12;
	vm1 =	vgt.f32 v21, v11;
	vm2 =	vgt.f32 v26, v10;
	v23 =	vld [tilespmem:s0+$0x0];
	s0 =	sor.u32 $0x380, s15  }
0x34: {  	s15 =	sor.u32 s29, s26;
	v12 =	vsel vm0, v16, v12;
	v11 =	vsel vm1, v21, v11;
	v10 =	vsel vm2, v26, v10;
	v16 =	vld [tilespmem:s0+$0x0]  }
0x35: {  	v28 =	vld [tilespmem:s15+$0x0];
	vm3 =	vgt.f32 v13, v12;
	vm4 =	vgt.f32 v14, v11;
	vm5 =	vgt.f32 v15, v10  }
0x36: {  	s0 =	sadd.s32 $0xFFFFFFF0, s9;
	v29 =	vld [tilespmem:s15+$0x80];
	v12 =	vsel vm3, v13, v12;
	v11 =	vsel vm4, v14, v11;
	v10 =	vsel vm5, v15, v10  }
0x37: {  	s0 =	sand.u32 $0x60, s0;
	vm6 =	vgt.f32 v24, v9;
	vm7 =	vgt.f32 v25, v8;
	v13 =	vld [tilespmem:s15+$0x100];
	vm8 =	vgt.f32 v27, v7  }
0x38: {  	s0 =	sor.u32 s0, s26;
	v9 =	vsel vm6, v24, v9;
	v8 =	vsel vm7, v25, v8;
	v14 =	vld [tilespmem:s15+$0x180];
	v7 =	vsel vm8, v27, v7  }
0x39: {  	vm9 =	vgt.f32 v22, v9;
	vm10 =	vgt.f32 v23, v8;
	v24 =	vld [tilespmem:s0+$0x0];
	vm11 =	vgt.f32 v16, v7  }
0x3a: {  	v9 =	vsel vm9, v22, v9;
	v8 =	vsel vm10, v23, v8;
	v25 =	vld [tilespmem:s0+$0x80];
	v7 =	vsel vm11, v16, v7  }
0x3b: {  	v5 =	vsel vm6, s30, v5;
	v3 =	vsel vm7, s30, v3;
	v1 =	vsel vm8, s30, v1;
	v15 =	vld [tilespmem:s15+$0x200]  }
0x3c: {  	s6 =	sadd.s32 $0x1, s6;
	s29 =	sadd.s32 s8, s16;
	s8 =	sadd.s32 $0x2, s8;
	v5 =	vsel vm9, s7, v5;
	v3 =	vsel vm10, s7, v3;
	v1 =	vsel vm11, s7, v1;
	v16 =	vld [tilespmem:s0+$0x100]  }
0x3d: {  	s14 =	sadd.s32 $0x2, s14;
	v6 =	vsel vm0, s30, v6;
	v4 =	vsel vm1, s30, v4;
	v2 =	vsel vm2, s30, v2;
	p0 =	slt.u32 s8, $0xDE;
	s26 =	sand.u32 $0x3, s6;
	v21 =	vld [tilespmem:s0+$0x180]  }
.Ltmp0:
0x3e: {  	v6 =	vsel vm3, s7, v6;
	v4 =	vsel vm4, s7, v4;
	v2 =	vsel vm5, s7, v2;
	s26 =	sshll.u32 s26, $0x5;
	s30 =	sadd.s32 $0x2, s29;
	v26 =	vld [tilespmem:s0+$0x200];
	(pc) =	sbr.rel @p0 .LBB2_3-.Ltmp0, $4  }
0x3f: {  	v17 =	vsel vm15, s7, v17;
	s31 =	sand.u32 $0x7, s14;
	s26 =	sadd.s32 s26, s13;
	vm0 =	vgt.f32 v24, v18;
	vm1 =	vgt.f32 v25, v19;
	v22 =	vld [tilespmem:s15+$0x280]  }
0x40: {  	s5 =	sadd.s32 $0x100, s5;
	s7 =	sshll.u32 s31, $0x4;
	v18 =	vsel vm0, v24, v18;
	v19 =	vsel vm1, v25, v19;
	v20 =	vsel vm1, s30, v20;
	v24 =	vld [tilespmem:s0+$0x280];
	s0 =	sor.u32 $0x300, s26  }
0x41: {  	s15 =	sadd.s32 s7, s5;
	v17 =	vsel vm0, s30, v17;
	s7 =	sadd.s32 $0x3, s29;
	vm15 =	vgt.f32 v28, v18;
	v25 =	vld [tilespmem:s0+$0x0];
	s0 =	sor.u32 $0x380, s26;
	vm0 =	vgt.f32 v29, v19  }
0x42: {  	s9 =	sadd.s32 $0x20, s9;
	s13 =	sadd.s32 $0x100, s13;
	v18 =	vsel vm15, v28, v18;
	v27 =	vld [tilespmem:s0+$0x0];
	v19 =	vsel vm0, v29, v19;
	v20 =	vsel vm0, s7, v20;
	s0 =	sor.u32 $0x300, s15  }
0x43: {  	s5 =	sadd.s32 s10, s28  }
0x44: {  	s5 =	smul.u32 $0x7000, s5;
	_ =	sdelay $0x1  }
0x45: {  	s5 =	sadd.s32 s4, s5  }
0x46: {  	s5 =	sshrl.u32 s5, $0x3  }
0x47: {  	v28 =	vld [tilespmem:s0+$0x0];
	s9 =	sor.u32 $0x380, s15;
	s13 =	sadd.s32 s1, s5;
	s5 =	simm.s32 $0x0  }
0x48: {  	v29 =	vld [tilespmem:s9+$0x0];
	[tilespmem:s5], [sflag:$0x1] =	stream.linear.gather [hbm4b:s13+s5], $0x7000, $0x38  }
0x49: {  	s6 =	simm.s32 $0x10;
	s14 =	sand.u32 $0x7C00, s5;
	_ =	swait.ge [sflag:s23], $0x7000  }
0x4a: {  	vm0 =	vgt.f32 v16, v12;
	vm1 =	vgt.f32 v21, v11;
	vm2 =	vgt.f32 v26, v10;
	s8 =	sand.u32 $0x70, s6;
	s0 =	sadd.s32 $0x7000, s14;
	[sflag:s23] =	ssyncset.done $0x0  }
0x4b: {  	v17 =	vsel vm15, s7, v17;
	v12 =	vsel vm0, v16, v12;
	v11 =	vsel vm1, v21, v11;
	s9 =	sor.u32 s8, s0;
	[sflag:s23] =	ssyncadd.s32 $0xFFFF9000  }
0x4c: {  	v10 =	vsel vm2, v26, v10;
	v6 =	vsel vm0, s30, v6;
	vm3 =	vgt.f32 v13, v12;
	v21 =	vld [tilespmem:s9+$0x0]  }
0x4d: {  	s15 =	simm.s32 $0x0;
	vm4 =	vgt.f32 v14, v11;
	vm5 =	vgt.f32 v15, v10;
	vm6 =	vgt.f32 v24, v9;
	v23 =	vld [tilespmem:s9+$0x80]  }
0x4e: {  	v12 =	vsel vm3, v13, v12;
	v13 =	vsel vm4, v14, v11;
	v14 =	vsel vm5, v15, v10;
	s8 =	sand.u32 $0x60, s15;
	v10 =	vld [tilespmem:s9+$0x100]  }
0x4f: {  	v2 =	vsel vm2, s30, v2;
	vm7 =	vgt.f32 v25, v8;
	v9 =	vsel vm6, v24, v9;
	s0 =	sor.u32 s8, s0;
	v16 =	vld [tilespmem:s9+$0x180]  }
0x50: {  	v5 =	vsel vm6, s30, v5;
	v6 =	vsel vm3, s7, v6;
	vm8 =	vgt.f32 v27, v7;
	v26 =	vld [tilespmem:s0+$0x0]  }
0x51: {  	v8 =	vsel vm7, v25, v8;
	vm9 =	vgt.f32 v22, v9;
	v7 =	vsel vm8, v27, v7;
	v27 =	vld [tilespmem:s0+$0x80]  }
0x52: {  	v3 =	vsel vm7, s30, v3;
	v9 =	vsel vm9, v22, v9;
	vm11 =	vgt.f32 v29, v7;
	v22 =	vld [tilespmem:s9+$0x200]  }
0x53: {  	vm10 =	vgt.f32 v28, v8;
	v15 =	vsel vm11, v29, v7;
	v7 =	vsel vm8, s30, v1;
	v24 =	vld [tilespmem:s0+$0x100]  }
0x54: {  	s26 =	sand.u32 $0x3, s5;
	s13 =	sadd.s32 $0xFFFFFFFE, s16;
	v1 =	vsel vm9, s7, v5;
	s14 =	sand.u32 $0x7, s5;
	v5 =	vsel vm11, s7, v7;
	v7 =	vsel vm1, s30, v4;
	v4 =	vld [tilespmem:s0+$0x180]  }
0x55: {  	v11 =	vsel vm10, v28, v8;
	v3 =	vsel vm10, s7, v3;
	v8 =	vsel vm5, s7, v2;
	s30 =	sadd.s32 $0x382, s13;
	s29 =	sshll.u32 s14, $0x4;
	s8 =	sshll.u32 s26, $0x5;
	v25 =	vld [tilespmem:s0+$0x200]  }
0x56: {  	s14 =	simm.s32 $0x0;
	v7 =	vsel vm4, s7, v7;
	s15 =	sadd.s32 $0x10, s29;
	s26 =	sadd.s32 $0x0, s8;
	v2 =	vld [tilespmem:s9+$0x280];
	vm0 =	vgt.f32 v26, v18;
	vm1 =	vgt.f32 v27, v19  }
0x57: {  	s7 =	sadd.s32 $0x383, s13;
	s13 =	simm.s32 $0x10;
	s31 =	sor.u32 $0x300, s26;
	v18 =	vsel vm0, v26, v18;
	v19 =	vsel vm1, v27, v19;
	v27 =	vsel vm1, s30, v20;
	v20 =	vld [tilespmem:s0+$0x280]  }
0x58: {  	s8 =	simm.s32 $0x0;
	s9 =	simm.s32 $0x100;
	s0 =	sor.u32 $0x380, s26;
	v17 =	vsel vm0, s30, v17;
	v26 =	vld [tilespmem:s31+$0x7000];
	vm15 =	vgt.f32 v21, v18;
	vm0 =	vgt.f32 v23, v19  }
.LBB2_5:
0x59: {  	s26 =	sand.u32 $0x7C00, s9;
	v28 =	vld [tilespmem:s0+$0x7000];
	v18 =	vsel vm15, v21, v18;
	v19 =	vsel vm0, v23, v19;
	v27 =	vsel vm0, s7, v27;
	s0 =	sor.u32 $0x300, s15;
	s6 =	sadd.s32 $0x20, s6  }
0x5a: {  	vm0 =	vgt.f32 v24, v12;
	vm1 =	vgt.f32 v4, v13;
	s26 =	sadd.s32 $0x7000, s26;
	s29 =	sand.u32 $0x70, s6;
	vm2 =	vgt.f32 v25, v14;
	v29 =	vld [tilespmem:s0+$0x7000];
	s0 =	sor.u32 $0x380, s15  }
0x5b: {  	v12 =	vsel vm0, v24, v12;
	v4 =	vsel vm1, v4, v13;
	s15 =	sor.u32 s29, s26;
	v14 =	vsel vm2, v25, v14;
	v24 =	vld [tilespmem:s0+$0x7000]  }
0x5c: {  	vm3 =	vgt.f32 v10, v12;
	vm4 =	vgt.f32 v16, v4;
	v21 =	vld [tilespmem:s15+$0x0];
	vm5 =	vgt.f32 v22, v14  }
0x5d: {  	s0 =	sadd.s32 $0xFFFFFFF0, s6;
	v12 =	vsel vm3, v10, v12;
	v13 =	vsel vm4, v16, v4;
	v23 =	vld [tilespmem:s15+$0x80];
	v14 =	vsel vm5, v22, v14  }
0x5e: {  	s0 =	sand.u32 $0x60, s0;
	vm6 =	vgt.f32 v20, v9;
	vm7 =	vgt.f32 v26, v11;
	v10 =	vld [tilespmem:s15+$0x100];
	vm8 =	vgt.f32 v28, v15  }
0x5f: {  	s0 =	sor.u32 s0, s26;
	v4 =	vsel vm6, v20, v9;
	v11 =	vsel vm7, v26, v11;
	v16 =	vld [tilespmem:s15+$0x180];
	v15 =	vsel vm8, v28, v15  }
0x60: {  	vm9 =	vgt.f32 v2, v4;
	vm10 =	vgt.f32 v29, v11;
	v20 =	vld [tilespmem:s0+$0x0];
	vm11 =	vgt.f32 v24, v15  }
0x61: {  	v9 =	vsel vm9, v2, v4;
	v11 =	vsel vm10, v29, v11;
	v26 =	vld [tilespmem:s0+$0x80];
	v15 =	vsel vm11, v24, v15  }
0x62: {  	s29 =	sadd.s32 s8, s16;
	s8 =	sadd.s32 $0x2, s8;
	v1 =	vsel vm6, s30, v1;
	v2 =	vsel vm7, s30, v3;
	v4 =	vsel vm8, s30, v5;
	v22 =	vld [tilespmem:s15+$0x200]  }
0x63: {  	s13 =	sadd.s32 $0x100, s13;
	s5 =	sadd.s32 $0x1, s5;
	p0 =	slt.u32 s8, $0xDE;
	v1 =	vsel vm9, s7, v1;
	v3 =	vsel vm10, s7, v2;
	v5 =	vsel vm11, s7, v4;
	v24 =	vld [tilespmem:s0+$0x100]  }
.Ltmp1:
0x64: {  	s14 =	sadd.s32 $0x2, s14;
	v7 =	vsel vm1, s30, v7;
	v8 =	vsel vm2, s30, v8;
	s26 =	sand.u32 $0x3, s5;
	v2 =	vsel vm0, s30, v6;
	v4 =	vld [tilespmem:s0+$0x180];
	(pc) =	sbr.rel @p0 .LBB2_5-.Ltmp1, $4  }
0x65: {  	v7 =	vsel vm4, s7, v7;
	v8 =	vsel vm5, s7, v8;
	s26 =	sshll.u32 s26, $0x5;
	s30 =	sadd.s32 $0x382, s29;
	v6 =	vsel vm3, s7, v2;
	v25 =	vld [tilespmem:s0+$0x200]  }
0x66: {  	v17 =	vsel vm15, s7, v17;
	s31 =	sand.u32 $0x7, s14;
	s26 =	sadd.s32 s26, s9;
	vm0 =	vgt.f32 v20, v18;
	vm1 =	vgt.f32 v26, v19;
	v2 =	vld [tilespmem:s15+$0x280]  }
0x67: {  	s9 =	sadd.s32 $0x100, s9;
	s7 =	sshll.u32 s31, $0x4;
	v18 =	vsel vm0, v20, v18;
	v19 =	vsel vm1, v26, v19;
	v27 =	vsel vm1, s30, v27;
	v20 =	vld [tilespmem:s0+$0x280];
	s0 =	sor.u32 $0x300, s26  }
0x68: {  	s15 =	sadd.s32 s7, s13;
	v17 =	vsel vm0, s30, v17;
	s7 =	sadd.s32 $0x383, s29;
	vm15 =	vgt.f32 v21, v18;
	v26 =	vld [tilespmem:s0+$0x7000];
	s0 =	sor.u32 $0x380, s26;
	vm0 =	vgt.f32 v23, v19  }
0x69: {  	s5 =	sadd.s32 s11, s28  }
0x6a: {  	s5 =	smin.u32 s5, $0x116  }
0x6b: {  	s5 =	smul.u32 $0x7000, s5;
	_ =	sdelay $0x1  }
0x6c: {  	s5 =	sadd.s32 s4, s5  }
0x6d: {  	v28 =	vld [tilespmem:s0+$0x7000];
	s8 =	sor.u32 $0x300, s15;
	s5 =	sshrl.u32 s5, $0x3  }
0x6e: {  	s9 =	sor.u32 $0x380, s15;
	v29 =	vld [tilespmem:s8+$0x7000];
	s13 =	sadd.s32 s1, s5;
	s5 =	simm.s32 $0x0  }
0x6f: {  	v30 =	vld [tilespmem:s9+$0x7000];
	[tilespmem:s19], [sflag:$0x2] =	stream.linear.gather [hbm4b:s13+s5], $0x7000, $0x38  }
0x70: {  	v31 =	vsel vm15, v21, v18;
	v23 =	vsel vm0, v23, v19;
	v27 =	vsel vm0, s7, v27;
	s6 =	simm.s32 $0x10;
	s14 =	sand.u32 $0x7C00, s5;
	_ =	swait.ge [sflag:s24], $0x7000  }
0x71: {  	vm0 =	vgt.f32 v24, v12;
	vm1 =	vgt.f32 v4, v13;
	vm2 =	vgt.f32 v25, v14;
	s8 =	sand.u32 $0x70, s6;
	s0 =	sadd.s32 $0xE000, s14;
	[sflag:s24] =	ssyncset.done $0x0  }
0x72: {  	v12 =	vsel vm0, v24, v12;
	v4 =	vsel vm1, v4, v13;
	v14 =	vsel vm2, v25, v14;
	s9 =	sor.u32 s8, s0;
	[sflag:s24] =	ssyncadd.s32 $0xFFFF9000  }
0x73: {  	vm3 =	vgt.f32 v10, v12;
	vm4 =	vgt.f32 v16, v4;
	vm5 =	vgt.f32 v22, v14;
	v18 =	vld [tilespmem:s9+$0x0]  }
0x74: {  	s15 =	simm.s32 $0x0;
	v12 =	vsel vm3, v10, v12;
	v13 =	vsel vm4, v16, v4;
	vm6 =	vgt.f32 v20, v9;
	v19 =	vld [tilespmem:s9+$0x80]  }
0x75: {  	v14 =	vsel vm5, v22, v14;
	vm7 =	vgt.f32 v26, v11;
	vm8 =	vgt.f32 v28, v15;
	s8 =	sand.u32 $0x60, s15;
	v4 =	vld [tilespmem:s9+$0x100]  }
0x76: {  	v9 =	vsel vm6, v20, v9;
	v10 =	vsel vm7, v26, v11;
	v11 =	vsel vm8, v28, v15;
	s0 =	sor.u32 s8, s0;
	v15 =	vld [tilespmem:s9+$0x180]  }
0x77: {  	v1 =	vsel vm6, s30, v1;
	vm9 =	vgt.f32 v2, v9;
	vm10 =	vgt.f32 v29, v10;
	v24 =	vld [tilespmem:s0+$0x0]  }
0x78: {  	v9 =	vsel vm9, v2, v9;
	v2 =	vsel vm7, s30, v3;
	v3 =	vsel vm8, s30, v5;
	v26 =	vld [tilespmem:s0+$0x80]  }
0x79: {  	v1 =	vsel vm9, s7, v1;
	v5 =	vsel vm0, s30, v6;
	v6 =	vsel vm1, s30, v7;
	v16 =	vld [tilespmem:s9+$0x200]  }
0x7a: {  	v7 =	vsel vm2, s30, v8;
	v8 =	vsel vm15, s7, v17;
	vm11 =	vgt.f32 v30, v11;
	s13 =	sadd.s32 $0xFFFFFFFE, s16;
	v20 =	vld [tilespmem:s0+$0x100]  }
0x7b: {  	v10 =	vsel vm10, v29, v10;
	v2 =	vsel vm10, s7, v2;
	s26 =	sand.u32 $0x3, s5;
	v5 =	vsel vm3, s7, v5;
	s30 =	sadd.s32 $0x702, s13;
	v21 =	vld [tilespmem:s0+$0x180]  }
0x7c: {  	v6 =	vsel vm4, s7, v6;
	v7 =	vsel vm5, s7, v7;
	v3 =	vsel vm11, s7, v3;
	s14 =	sand.u32 $0x7, s5;
	s7 =	sadd.s32 $0x703, s13;
	s8 =	sshll.u32 s26, $0x5;
	v22 =	vld [tilespmem:s0+$0x200]  }
0x7d: {  	v11 =	vsel vm11, v30, v11;
	s13 =	simm.s32 $0x10;
	s29 =	sshll.u32 s14, $0x4;
	s26 =	sadd.s32 $0x0, s8;
	v17 =	vld [tilespmem:s9+$0x280];
	vm0 =	vgt.f32 v24, v31;
	vm1 =	vgt.f32 v26, v23  }
0x7e: {  	s14 =	simm.s32 $0x0;
	s15 =	sadd.s32 $0x10, s29;
	s31 =	sor.u32 $0x300, s26;
	v25 =	vsel vm0, v24, v31;
	v26 =	vsel vm1, v26, v23;
	v27 =	vsel vm1, s30, v27;
	v23 =	vld [tilespmem:s0+$0x280]  }
0x7f: {  	s8 =	simm.s32 $0x0;
	s9 =	simm.s32 $0x100;
	s0 =	sor.u32 $0x380, s26;
	v8 =	vsel vm0, s30, v8;
	v24 =	vld [tilespmem:s31+$0xE000];
	vm15 =	vgt.f32 v18, v25;
	vm0 =	vgt.f32 v19, v26  }
.LBB2_7:
0x80: {  	s26 =	sand.u32 $0x7C00, s9;
	v28 =	vld [tilespmem:s0+$0xE000];
	v25 =	vsel vm15, v18, v25;
	v26 =	vsel vm0, v19, v26;
	v27 =	vsel vm0, s7, v27;
	s0 =	sor.u32 $0x300, s15;
	s6 =	sadd.s32 $0x20, s6  }
0x81: {  	vm0 =	vgt.f32 v20, v12;
	vm1 =	vgt.f32 v21, v13;
	s26 =	sadd.s32 $0xE000, s26;
	s29 =	sand.u32 $0x70, s6;
	vm2 =	vgt.f32 v22, v14;
	v29 =	vld [tilespmem:s0+$0xE000];
	s0 =	sor.u32 $0x380, s15  }
0x82: {  	v12 =	vsel vm0, v20, v12;
	v13 =	vsel vm1, v21, v13;
	s15 =	sor.u32 s29, s26;
	v14 =	vsel vm2, v22, v14;
	v20 =	vld [tilespmem:s0+$0xE000]  }
0x83: {  	vm3 =	vgt.f32 v4, v12;
	vm4 =	vgt.f32 v15, v13;
	v18 =	vld [tilespmem:s15+$0x0];
	vm5 =	vgt.f32 v16, v14  }
0x84: {  	s0 =	sadd.s32 $0xFFFFFFF0, s6;
	v12 =	vsel vm3, v4, v12;
	v13 =	vsel vm4, v15, v13;
	v19 =	vld [tilespmem:s15+$0x80];
	v14 =	vsel vm5, v16, v14  }
0x85: {  	s0 =	sand.u32 $0x60, s0;
	vm6 =	vgt.f32 v23, v9;
	vm7 =	vgt.f32 v24, v10;
	v4 =	vld [tilespmem:s15+$0x100];
	vm8 =	vgt.f32 v28, v11  }
0x86: {  	s0 =	sor.u32 s0, s26;
	v9 =	vsel vm6, v23, v9;
	v10 =	vsel vm7, v24, v10;
	v15 =	vld [tilespmem:s15+$0x180];
	v11 =	vsel vm8, v28, v11  }
0x87: {  	vm9 =	vgt.f32 v17, v9;
	vm10 =	vgt.f32 v29, v10;
	v23 =	vld [tilespmem:s0+$0x0];
	vm11 =	vgt.f32 v20, v11  }
0x88: {  	v9 =	vsel vm9, v17, v9;
	v10 =	vsel vm10, v29, v10;
	v24 =	vld [tilespmem:s0+$0x80];
	v11 =	vsel vm11, v20, v11  }
0x89: {  	s29 =	sadd.s32 s8, s16;
	s8 =	sadd.s32 $0x2, s8;
	v1 =	vsel vm6, s30, v1;
	v2 =	vsel vm7, s30, v2;
	v3 =	vsel vm8, s30, v3;
	v16 =	vld [tilespmem:s15+$0x200]  }
0x8a: {  	s13 =	sadd.s32 $0x100, s13;
	s5 =	sadd.s32 $0x1, s5;
	p0 =	slt.u32 s8, $0xDE;
	v1 =	vsel vm9, s7, v1;
	v2 =	vsel vm10, s7, v2;
	v3 =	vsel vm11, s7, v3;
	v20 =	vld [tilespmem:s0+$0x100]  }
.Ltmp2:
0x8b: {  	s14 =	sadd.s32 $0x2, s14;
	v5 =	vsel vm0, s30, v5;
	v6 =	vsel vm1, s30, v6;
	v7 =	vsel vm2, s30, v7;
	s26 =	sand.u32 $0x3, s5;
	v21 =	vld [tilespmem:s0+$0x180];
	(pc) =	sbr.rel @p0 .LBB2_7-.Ltmp2, $4  }
0x8c: {  	v5 =	vsel vm3, s7, v5;
	v6 =	vsel vm4, s7, v6;
	v7 =	vsel vm5, s7, v7;
	s26 =	sshll.u32 s26, $0x5;
	s30 =	sadd.s32 $0x702, s29;
	v22 =	vld [tilespmem:s0+$0x200]  }
0x8d: {  	v8 =	vsel vm15, s7, v8;
	s31 =	sand.u32 $0x7, s14;
	s26 =	sadd.s32 s26, s9;
	vm0 =	vgt.f32 v23, v25;
	vm1 =	vgt.f32 v24, v26;
	v17 =	vld [tilespmem:s15+$0x280]  }
0x8e: {  	s9 =	sadd.s32 $0x100, s9;
	s7 =	sshll.u32 s31, $0x4;
	v25 =	vsel vm0, v23, v25;
	v26 =	vsel vm1, v24, v26;
	v27 =	vsel vm1, s30, v27;
	v23 =	vld [tilespmem:s0+$0x280];
	s0 =	sor.u32 $0x300, s26  }
0x8f: {  	s15 =	sadd.s32 s7, s13;
	v8 =	vsel vm0, s30, v8;
	s7 =	sadd.s32 $0x703, s29;
	vm15 =	vgt.f32 v18, v25;
	v24 =	vld [tilespmem:s0+$0xE000];
	s0 =	sor.u32 $0x380, s26;
	vm0 =	vgt.f32 v19, v26  }
0x90: {  	p0 =	seq.s32 s20, $0x10  }
0x91: {  	s5 =	sadd.s32 @!p0 s12, s28  }
0x92: {  	s5 =	smin.u32 @!p0 s5, $0x116  }
0x93: {  	s5 =	smul.u32 @!p0 $0x7000, s5;
	_ =	sdelay $0x1  }
0x94: {  	s5 =	sadd.s32 @!p0 s4, s5  }
0x95: {  	v28 =	vld [tilespmem:s0+$0xE000];
	s9 =	sor.u32 $0x300, s15;
	s13 =	sor.u32 $0x380, s15;
	s5 =	sshrl.u32 @!p0 s5, $0x3  }
0x96: {  	v29 =	vld [tilespmem:s9+$0xE000];
	s6 =	simm.s32 @!p0 $0xE000;
	s0 =	sadd.s32 @!p0 s1, s5;
	s5 =	simm.s32 @!p0 $0x0  }
0x97: {  	v30 =	vld [tilespmem:s13+$0xE000];
	[tilespmem:s6], [sflag:$0x3] =	stream.linear.gather @!p0 [hbm4b:s0+s5], $0x7000, $0x38  }
0x98: {  	v31 =	vsel vm15, v18, v25;
	s5 =	simm.s32 $0x0  }
0x99: {  	v26 =	vsel vm0, v19, v26;
	v27 =	vsel vm0, s7, v27;
	vm0 =	vgt.f32 v20, v12;
	s6 =	simm.s32 $0x10;
	_ =	swait.ge [sflag:s25], $0x7000;
	s14 =	sand.u32 $0x7C00, s5  }
0x9a: {  	vm1 =	vgt.f32 v21, v13;
	vm2 =	vgt.f32 v22, v14;
	v12 =	vsel vm0, v20, v12;
	s8 =	sand.u32 $0x70, s6;
	[sflag:s25] =	ssyncset.done $0x0;
	s0 =	sadd.s32 $0x15000, s14  }
0x9b: {  	v13 =	vsel vm1, v21, v13;
	v5 =	vsel vm0, s30, v5;
	v18 =	vsel vm1, s30, v6;
	[sflag:s25] =	ssyncadd.s32 $0xFFFF9000;
	s9 =	sor.u32 s8, s0  }
0x9c: {  	v14 =	vsel vm2, v22, v14;
	vm3 =	vgt.f32 v4, v12;
	vm4 =	vgt.f32 v15, v13;
	v20 =	vld [tilespmem:s9+$0x0]  }
0x9d: {  	s15 =	simm.s32 $0x0;
	v19 =	vsel vm2, s30, v7;
	vm5 =	vgt.f32 v16, v14;
	v12 =	vsel vm3, v4, v12;
	v22 =	vld [tilespmem:s9+$0x80]  }
0x9e: {  	v13 =	vsel vm4, v15, v13;
	vm6 =	vgt.f32 v23, v9;
	v6 =	vsel vm3, s7, v5;
	s8 =	sand.u32 $0x60, s15;
	v4 =	vld [tilespmem:s9+$0x100]  }
0x9f: {  	v18 =	vsel vm4, s7, v18;
	vm7 =	vgt.f32 v24, v10;
	v15 =	vsel vm6, v23, v9;
	s0 =	sor.u32 s8, s0;
	v9 =	vld [tilespmem:s9+$0x180]  }
0xa0: {  	v14 =	vsel vm5, v16, v14;
	vm8 =	vgt.f32 v28, v11;
	v10 =	vsel vm7, v24, v10;
	v21 =	vld [tilespmem:s0+$0x0]  }
0xa1: {  	v1 =	vsel vm6, s30, v1;
	v11 =	vsel vm8, v28, v11;
	vm10 =	vgt.f32 v29, v10;
	v23 =	vld [tilespmem:s0+$0x80]  }
0xa2: {  	vm9 =	vgt.f32 v17, v15;
	vm11 =	vgt.f32 v30, v11;
	v16 =	vsel vm10, v29, v10;
	v10 =	vld [tilespmem:s9+$0x200]  }
0xa3: {  	s13 =	sadd.s32 $0xFFFFFFFE, s17;
	v19 =	vsel vm5, s7, v19;
	v15 =	vsel vm9, v17, v15;
	v17 =	vsel vm11, v30, v11;
	v11 =	vld [tilespmem:s0+$0x100]  }
0xa4: {  	v2 =	vsel vm7, s30, v2;
	v3 =	vsel vm8, s30, v3;
	v1 =	vsel vm9, s7, v1;
	s30 =	sadd.s32 $0x2, s13;
	s26 =	sand.u32 $0x3, s5;
	v7 =	vld [tilespmem:s0+$0x180]  }
0xa5: {  	v28 =	vsel vm15, s7, v8;
	v2 =	vsel vm10, s7, v2;
	v3 =	vsel vm11, s7, v3;
	s7 =	sadd.s32 $0x3, s13;
	s14 =	sand.u32 $0x7, s5;
	s8 =	sshll.u32 s26, $0x5;
	v25 =	vld [tilespmem:s0+$0x200]  }
0xa6: {  	s13 =	simm.s32 $0x10;
	s29 =	sshll.u32 s14, $0x4;
	v5 =	vld [tilespmem:s9+$0x280];
	s26 =	sadd.s32 $0x0, s8;
	vm0 =	vgt.f32 v21, v31;
	vm1 =	vgt.f32 v23, v26  }
0xa7: {  	s14 =	simm.s32 $0x0;
	s9 =	simm.s32 $0x100;
	v8 =	vld [tilespmem:s0+$0x280];
	s31 =	sor.u32 $0x300, s26;
	v24 =	vsel vm0, v21, v31;
	v23 =	vsel vm1, v23, v26;
	v27 =	vsel vm1, s30, v27  }
0xa8: {  	s15 =	sadd.s32 $0x10, s29;
	s8 =	simm.s32 $0x0;
	s0 =	sor.u32 $0x380, s26;
	v21 =	vsel vm0, s30, v28;
	v26 =	vld [tilespmem:s31+$0x15000];
	vm15 =	vgt.f32 v20, v24;
	vm0 =	vgt.f32 v22, v23  }
.LBB2_9:
0xa9: {  	s26 =	sand.u32 $0x7C00, s9;
	v28 =	vld [tilespmem:s0+$0x15000];
	v24 =	vsel vm15, v20, v24;
	v23 =	vsel vm0, v22, v23;
	v27 =	vsel vm0, s7, v27;
	s0 =	sor.u32 $0x300, s15;
	s6 =	sadd.s32 $0x20, s6  }
0xaa: {  	vm0 =	vgt.f32 v11, v12;
	vm1 =	vgt.f32 v7, v13;
	s26 =	sadd.s32 $0x15000, s26;
	s29 =	sand.u32 $0x70, s6;
	vm2 =	vgt.f32 v25, v14;
	v29 =	vld [tilespmem:s0+$0x15000];
	s0 =	sor.u32 $0x380, s15  }
0xab: {  	v11 =	vsel vm0, v11, v12;
	v7 =	vsel vm1, v7, v13;
	s15 =	sor.u32 s29, s26;
	v14 =	vsel vm2, v25, v14;
	v25 =	vld [tilespmem:s0+$0x15000]  }
0xac: {  	vm3 =	vgt.f32 v4, v11;
	vm4 =	vgt.f32 v9, v7;
	v20 =	vld [tilespmem:s15+$0x0];
	vm5 =	vgt.f32 v10, v14  }
0xad: {  	s0 =	sadd.s32 $0xFFFFFFF0, s6;
	v12 =	vsel vm3, v4, v11;
	v13 =	vsel vm4, v9, v7;
	v22 =	vld [tilespmem:s15+$0x80];
	v14 =	vsel vm5, v10, v14  }
0xae: {  	s0 =	sand.u32 $0x60, s0;
	vm6 =	vgt.f32 v8, v15;
	vm7 =	vgt.f32 v26, v16;
	v4 =	vld [tilespmem:s15+$0x100];
	vm8 =	vgt.f32 v28, v17  }
0xaf: {  	s0 =	sor.u32 s0, s26;
	v7 =	vsel vm6, v8, v15;
	v8 =	vsel vm7, v26, v16;
	v9 =	vld [tilespmem:s15+$0x180];
	v10 =	vsel vm8, v28, v17  }
0xb0: {  	vm9 =	vgt.f32 v5, v7;
	vm10 =	vgt.f32 v29, v8;
	v26 =	vld [tilespmem:s0+$0x0];
	vm11 =	vgt.f32 v25, v10  }
0xb1: {  	v15 =	vsel vm9, v5, v7;
	v16 =	vsel vm10, v29, v8;
	v28 =	vld [tilespmem:s0+$0x80];
	v17 =	vsel vm11, v25, v10  }
0xb2: {  	s29 =	sadd.s32 s8, s17;
	s8 =	sadd.s32 $0x2, s8;
	v1 =	vsel vm6, s30, v1;
	v2 =	vsel vm7, s30, v2;
	v3 =	vsel vm8, s30, v3;
	v10 =	vld [tilespmem:s15+$0x200]  }
0xb3: {  	s13 =	sadd.s32 $0x100, s13;
	s5 =	sadd.s32 $0x1, s5;
	p1 =	slt.u32 s8, $0xDE;
	v1 =	vsel vm9, s7, v1;
	v2 =	vsel vm10, s7, v2;
	v3 =	vsel vm11, s7, v3;
	v11 =	vld [tilespmem:s0+$0x100]  }
.Ltmp3:
0xb4: {  	s14 =	sadd.s32 $0x2, s14;
	v19 =	vsel vm2, s30, v19;
	s26 =	sand.u32 $0x3, s5;
	v5 =	vsel vm0, s30, v6;
	v8 =	vsel vm1, s30, v18;
	v7 =	vld [tilespmem:s0+$0x180];
	(pc) =	sbr.rel @p1 .LBB2_9-.Ltmp3, $4  }
0xb5: {  	v19 =	vsel vm5, s7, v19;
	s26 =	sshll.u32 s26, $0x5;
	s30 =	sadd.s32 $0x2, s29;
	v6 =	vsel vm3, s7, v5;
	v18 =	vsel vm4, s7, v8;
	v25 =	vld [tilespmem:s0+$0x200]  }
0xb6: {  	v21 =	vsel vm15, s7, v21;
	s31 =	sand.u32 $0x7, s14;
	s26 =	sadd.s32 s26, s9;
	vm0 =	vgt.f32 v26, v24;
	vm1 =	vgt.f32 v28, v23;
	v5 =	vld [tilespmem:s15+$0x280]  }
0xb7: {  	s9 =	sadd.s32 $0x100, s9;
	s7 =	sshll.u32 s31, $0x4;
	v24 =	vsel vm0, v26, v24;
	v23 =	vsel vm1, v28, v23;
	v27 =	vsel vm1, s30, v27;
	v8 =	vld [tilespmem:s0+$0x280];
	s0 =	sor.u32 $0x300, s26  }
0xb8: {  	s15 =	sadd.s32 s7, s13;
	v21 =	vsel vm0, s30, v21;
	s7 =	sadd.s32 $0x3, s29;
	vm15 =	vgt.f32 v20, v24;
	v26 =	vld [tilespmem:s0+$0x15000];
	s0 =	sor.u32 $0x380, s26;
	vm0 =	vgt.f32 v22, v23  }
0xb9: {  	v24 =	vsel vm15, v20, v24  }
0xba: {  	v23 =	vsel vm0, v22, v23;
	v20 =	vsel vm0, s7, v27;
	vm0 =	vgt.f32 v11, v12  }
0xbb: {  	v28 =	vld [tilespmem:s0+$0x15000];
	s29 =	sor.u32 $0x300, s15;
	vm1 =	vgt.f32 v7, v13;
	vm2 =	vgt.f32 v25, v14;
	v11 =	vsel vm0, v11, v12  }
0xbc: {  	v22 =	vld [tilespmem:s29+$0x15000];
	v7 =	vsel vm1, v7, v13;
	v13 =	vsel vm2, v25, v14;
	vm3 =	vgt.f32 v4, v11  }
0xbd: {  	s31 =	sor.u32 $0x380, s15;
	vm4 =	vgt.f32 v9, v7;
	vm5 =	vgt.f32 v10, v13;
	v12 =	vsel vm3, v4, v11  }
0xbe: {  	v14 =	vld [tilespmem:s31+$0x15000];
	v11 =	vsel vm4, v9, v7;
	vm6 =	vgt.f32 v8, v15;
	v10 =	vsel vm5, v10, v13  }
0xbf: {  	vm7 =	vgt.f32 v26, v16;
	v4 =	vsel vm6, v8, v15;
	v1 =	vsel vm6, s30, v1  }
0xc0: {  	vm8 =	vgt.f32 v28, v17;
	v7 =	vsel vm7, v26, v16;
	vm9 =	vgt.f32 v5, v4  }
0xc1: {  	v2 =	vsel vm7, s30, v2;
	v13 =	vsel vm8, v28, v17;
	vm10 =	vgt.f32 v22, v7  }
.Ltmp4:
0xc2: {  	v9 =	vsel vm9, v5, v4;
	v4 =	vsel vm8, s30, v3;
	v5 =	vsel vm9, s7, v1;
	(pc) =	sbr.rel @p0 .LBB2_12-.Ltmp4, $4  }
0xc3: {  	vm11 =	vgt.f32 v14, v13;
	v8 =	vsel vm10, v22, v7;
	v3 =	vsel vm10, s7, v2  }
0xc4: {  	v2 =	vsel vm0, s30, v6;
	v7 =	vsel vm11, v14, v13;
	v1 =	vsel vm11, s7, v4  }
0xc5: {  	v4 =	vsel vm1, s30, v18;
	v13 =	vsel vm2, s30, v19;
	v6 =	vsel vm3, s7, v2  }
0xc6: {  	v19 =	vsel vm15, s7, v21;
	v4 =	vsel vm4, s7, v4;
	v2 =	vsel vm5, s7, v13  }
0xc7: {  	s0 =	sadd.s32 $0x1C, s28  }
0xc8: {  	s0 =	sor.u32 s2, s0  }
0xc9: {  	s0 =	smin.u32 s0, $0x116  }
0xca: {  	s0 =	smul.u32 $0x7000, s0  }
.Ltmp5:
0xcb: {  	_ = 	snop;
	(pc) =	sbr.rel .LBB2_2-.Ltmp5, $4  }
0xcc: {  	s0 =	sadd.s32 s4, s0  }
0xcd: {  	s20 =	sadd.s32 $0x1, s20;
	s0 =	sshrl.u32 s0, $0x3  }
0xce: {  	s16 =	sadd.s32 $0xE00, s16;
	s17 =	sadd.s32 $0xE00, s17;
	s0 =	sadd.s32 s1, s0  }
0xcf: {  	[tilespmem:s21], [sflag:$0x4] =	stream.linear.gather [hbm4b:s0+s3], $0x7000, $0x38;
	[tilespmem:$0x1C500] =	vst v63  }
.LBB2_12:
0xd0: {  	_ =	swait.ge [sflag:s22], $0x7000;
	s5 =	simm.s32 $0x10;
	s16 =	simm.s32 $0x0  }
0xd1: {  	[sflag:s22] =	ssyncset.done $0x0;
	s0 =	sand.u32 $0x7C00, s16;
	s6 =	sand.u32 $0x70, s5  }
0xd2: {  	[sflag:s22] =	ssyncadd.s32 $0xFFFF9000;
	s7 =	sor.u32 s6, s0  }
0xd3: {  	v15 =	vld [tilespmem:s7+$0x0]  }
0xd4: {  	s26 =	simm.s32 $0x0;
	v28 =	vld [tilespmem:s7+$0x80]  }
0xd5: {  	s6 =	sand.u32 $0x60, s26;
	v13 =	vld [tilespmem:s7+$0x100]  }
0xd6: {  	s0 =	sor.u32 s6, s0;
	v16 =	vld [tilespmem:s7+$0x180]  }
0xd7: {  	v14 =	vld [tilespmem:s0+$0x0]  }
0xd8: {  	v25 =	vld [tilespmem:s0+$0x80]  }
0xd9: {  	v18 =	vld [tilespmem:s7+$0x200]  }
0xda: {  	s28 =	sand.u32 $0x3, s16;
	v17 =	vld [tilespmem:s0+$0x100]  }
0xdb: {  	s8 =	sshll.u32 s28, $0x5;
	v21 =	vld [tilespmem:s0+$0x180]  }
0xdc: {  	s9 =	sadd.s32 $0xFFFFFFFE, s18;
	s14 =	sadd.s32 $0x0, s8;
	v26 =	vld [tilespmem:s0+$0x200]  }
0xdd: {  	s13 =	sand.u32 $0x7, s16;
	s6 =	sadd.s32 $0xEE02, s9;
	v22 =	vld [tilespmem:s7+$0x280];
	s31 =	sor.u32 $0x380, s14;
	vm0 =	vgt.f32 v14, v24;
	vm1 =	vgt.f32 v25, v23  }
0xde: {  	s29 =	sshll.u32 s13, $0x4;
	s13 =	simm.s32 $0x100;
	s8 =	simm.s32 $0x0;
	v27 =	vld [tilespmem:s31+$0x0];
	v24 =	vsel vm0, v14, v24;
	v29 =	vsel vm1, v25, v23;
	v20 =	vsel vm1, s6, v20  }
0xdf: {  	s15 =	sadd.s32 $0x10, s29;
	s7 =	sadd.s32 $0xEE03, s9;
	s30 =	sor.u32 $0x300, s14;
	v23 =	vld [tilespmem:s0+$0x280];
	v14 =	vsel vm0, s6, v19;
	vm15 =	vgt.f32 v15, v24;
	vm11 =	vgt.f32 v28, v29  }
0xe0: {  	s9 =	simm.s32 $0x30;
	s14 =	simm.s32 $0x0;
	v25 =	vld [tilespmem:s30+$0x0];
	s0 =	sor.u32 $0x300, s15;
	v15 =	vsel vm15, v15, v24;
	v19 =	vsel vm11, v28, v29;
	v20 =	vsel vm11, s7, v20  }
.LBB2_13:
0xe1: {  	s17 =	sand.u32 $0x7C00, s13;
	s20 =	sand.u32 $0x70, s9;
	vm0 =	vgt.f32 v17, v12;
	vm1 =	vgt.f32 v21, v11;
	vm2 =	vgt.f32 v26, v10;
	v24 =	vld [tilespmem:s0+$0x0];
	s0 =	sor.u32 $0x380, s15  }
0xe2: {  	s15 =	sor.u32 s20, s17;
	v12 =	vsel vm0, v17, v12;
	v11 =	vsel vm1, v21, v11;
	v10 =	vsel vm2, v26, v10;
	v17 =	vld [tilespmem:s0+$0x0]  }
0xe3: {  	v28 =	vld [tilespmem:s15+$0x0];
	vm3 =	vgt.f32 v13, v12;
	vm4 =	vgt.f32 v16, v11;
	vm5 =	vgt.f32 v18, v10  }
0xe4: {  	s0 =	sadd.s32 $0xFFFFFFF0, s9;
	v29 =	vld [tilespmem:s15+$0x80];
	v12 =	vsel vm3, v13, v12;
	v11 =	vsel vm4, v16, v11;
	v10 =	vsel vm5, v18, v10  }
0xe5: {  	s0 =	sand.u32 $0x60, s0;
	vm6 =	vgt.f32 v23, v9;
	vm7 =	vgt.f32 v25, v8;
	v13 =	vld [tilespmem:s15+$0x100];
	vm8 =	vgt.f32 v27, v7  }
0xe6: {  	s0 =	sor.u32 s0, s17;
	v9 =	vsel vm6, v23, v9;
	v8 =	vsel vm7, v25, v8;
	v16 =	vld [tilespmem:s15+$0x180];
	v7 =	vsel vm8, v27, v7  }
0xe7: {  	vm9 =	vgt.f32 v22, v9;
	vm10 =	vgt.f32 v24, v8;
	v23 =	vld [tilespmem:s0+$0x0];
	vm11 =	vgt.f32 v17, v7  }
0xe8: {  	v9 =	vsel vm9, v22, v9;
	v8 =	vsel vm10, v24, v8;
	v25 =	vld [tilespmem:s0+$0x80];
	v7 =	vsel vm11, v17, v7  }
0xe9: {  	v5 =	vsel vm6, s6, v5;
	v3 =	vsel vm7, s6, v3;
	v1 =	vsel vm8, s6, v1;
	v18 =	vld [tilespmem:s15+$0x200]  }
0xea: {  	s16 =	sadd.s32 $0x1, s16;
	s20 =	sadd.s32 s8, s18;
	s8 =	sadd.s32 $0x2, s8;
	v5 =	vsel vm9, s7, v5;
	v3 =	vsel vm10, s7, v3;
	v1 =	vsel vm11, s7, v1;
	v17 =	vld [tilespmem:s0+$0x100]  }
0xeb: {  	s14 =	sadd.s32 $0x2, s14;
	v6 =	vsel vm0, s6, v6;
	v4 =	vsel vm1, s6, v4;
	v2 =	vsel vm2, s6, v2;
	p0 =	slt.u32 s8, $0xDE;
	s17 =	sand.u32 $0x3, s16;
	v21 =	vld [tilespmem:s0+$0x180]  }
.Ltmp6:
0xec: {  	v6 =	vsel vm3, s7, v6;
	v4 =	vsel vm4, s7, v4;
	v2 =	vsel vm5, s7, v2;
	s17 =	sshll.u32 s17, $0x5;
	s6 =	sadd.s32 $0xEE02, s20;
	v26 =	vld [tilespmem:s0+$0x200];
	(pc) =	sbr.rel @p0 .LBB2_13-.Ltmp6, $4  }
0xed: {  	v14 =	vsel vm15, s7, v14;
	s26 =	sand.u32 $0x7, s14;
	s17 =	sadd.s32 s17, s13;
	vm0 =	vgt.f32 v23, v15;
	vm1 =	vgt.f32 v25, v19;
	v22 =	vld [tilespmem:s15+$0x280]  }
0xee: {  	s5 =	sadd.s32 $0x100, s5;
	s7 =	sshll.u32 s26, $0x4;
	v15 =	vsel vm0, v23, v15;
	v19 =	vsel vm1, v25, v19;
	v20 =	vsel vm1, s6, v20;
	v23 =	vld [tilespmem:s0+$0x280];
	s0 =	sor.u32 $0x300, s17  }
0xef: {  	s15 =	sadd.s32 s7, s5;
	v14 =	vsel vm0, s6, v14;
	s7 =	sadd.s32 $0xEE03, s20;
	vm15 =	vgt.f32 v28, v15;
	v25 =	vld [tilespmem:s0+$0x0];
	s0 =	sor.u32 $0x380, s17;
	vm0 =	vgt.f32 v29, v19  }
0xf0: {  	s9 =	sadd.s32 $0x20, s9;
	s13 =	sadd.s32 $0x100, s13;
	v15 =	vsel vm15, v28, v15;
	v27 =	vld [tilespmem:s0+$0x0];
	v19 =	vsel vm0, v29, v19;
	v20 =	vsel vm0, s7, v20;
	s0 =	sor.u32 $0x300, s15  }
0xf1: {  	v28 =	vld [tilespmem:s0+$0x0];
	s20 =	sor.u32 $0x380, s15;
	s5 =	simm.s32 $0x0  }
0xf2: {  	v29 =	vld [tilespmem:s20+$0x0];
	_ =	swait.ge [sflag:s23], $0x7000;
	s20 =	simm.s32 $0x10;
	s26 =	sand.u32 $0x7C00, s5  }
0xf3: {  	vm0 =	vgt.f32 v17, v12;
	vm1 =	vgt.f32 v21, v11;
	vm2 =	vgt.f32 v26, v10;
	[sflag:s23] =	ssyncset.done $0x0;
	s0 =	sadd.s32 $0x7000, s26;
	s8 =	sand.u32 $0x70, s20  }
0xf4: {  	v14 =	vsel vm15, s7, v14;
	v12 =	vsel vm0, v17, v12;
	v11 =	vsel vm1, v21, v11;
	[sflag:s23] =	ssyncadd.s32 $0xFFFF9000;
	s8 =	sor.u32 s8, s0  }
0xf5: {  	v10 =	vsel vm2, v26, v10;
	v6 =	vsel vm0, s6, v6;
	v4 =	vsel vm1, s6, v4;
	v24 =	vld [tilespmem:s8+$0x0]  }
0xf6: {  	s9 =	simm.s32 $0x0;
	v2 =	vsel vm2, s6, v2;
	vm3 =	vgt.f32 v13, v12;
	vm4 =	vgt.f32 v16, v11;
	v21 =	vld [tilespmem:s8+$0x80]  }
0xf7: {  	s9 =	sand.u32 $0x60, s9;
	vm5 =	vgt.f32 v18, v10;
	vm6 =	vgt.f32 v23, v9;
	v11 =	vsel vm4, v16, v11;
	v16 =	vld [tilespmem:s8+$0x100]  }
0xf8: {  	v17 =	vsel vm3, v13, v12;
	v10 =	vsel vm5, v18, v10;
	v9 =	vsel vm6, v23, v9;
	s0 =	sor.u32 s9, s0;
	v13 =	vld [tilespmem:s8+$0x180]  }
0xf9: {  	vm7 =	vgt.f32 v25, v8;
	v5 =	vsel vm6, s6, v5;
	vm9 =	vgt.f32 v22, v9;
	v23 =	vld [tilespmem:s0+$0x0]  }
0xfa: {  	v18 =	vsel vm3, s7, v6;
	v4 =	vsel vm4, s7, v4;
	v9 =	vsel vm9, v22, v9;
	v22 =	vld [tilespmem:s0+$0x80]  }
0xfb: {  	v2 =	vsel vm5, s7, v2;
	vm8 =	vgt.f32 v27, v7;
	v8 =	vsel vm7, v25, v8;
	v12 =	vld [tilespmem:s8+$0x200]  }
0xfc: {  	s13 =	sand.u32 $0x3, s5;
	v3 =	vsel vm7, s6, v3;
	v30 =	vld [tilespmem:s0+$0x100];
	v7 =	vsel vm8, v27, v7;
	vm10 =	vgt.f32 v28, v8  }
0xfd: {  	s14 =	sand.u32 $0x7, s5;
	s28 =	rddreg [dreg:$0x3];
	s13 =	sshll.u32 s13, $0x5;
	v6 =	vld [tilespmem:s8+$0x280];
	v1 =	vsel vm8, s6, v1;
	v5 =	vsel vm9, s7, v5;
	vm11 =	vgt.f32 v29, v7  }
0xfe: {  	s30 =	sshll.u32 s14, $0x4;
	s9 =	sadd.s32 $0xFFFFFFFE, s28;
	s29 =	sadd.s32 $0x0, s13;
	v27 =	vld [tilespmem:s0+$0x200];
	v8 =	vsel vm10, v28, v8;
	v3 =	vsel vm10, s7, v3;
	v7 =	vsel vm11, v29, v7  }
0xff: {  	s13 =	sadd.s32 $0x10, s30;
	s16 =	sadd.s32 $0x2, s9;
	s31 =	sor.u32 $0x300, s29;
	v1 =	vsel vm11, s7, v1;
	v29 =	vld [tilespmem:s0+$0x180];
	vm0 =	vgt.f32 v23, v15;
	vm1 =	vgt.f32 v22, v19  }
0x100: {  	s17 =	sadd.s32 $0x3, s9;
	s8 =	simm.s32 $0x0;
	s9 =	simm.s32 $0x10;
	v26 =	vsel vm0, v23, v15;
	v15 =	vsel vm0, s16, v14;
	v14 =	vld [tilespmem:s31+$0x7000];
	v25 =	vsel vm1, v22, v19  }
0x101: {  	s6 =	simm.s32 $0x0;
	s7 =	simm.s32 $0x100;
	v31 =	vsel vm1, s16, v20;
	v19 =	vld [tilespmem:s0+$0x280];
	s0 =	sor.u32 $0x380, s29;
	vm15 =	vgt.f32 v24, v26;
	vm0 =	vgt.f32 v21, v25  }
.LBB2_15:
0x102: {  	_ = 	snop  }
0x103: {  	v20 =	vld [tilespmem:s0+$0x7000]  }
0x104: {  	s14 =	sand.u32 $0x7C00, s7;
	v22 =	vsel vm15, v24, v26;
	v23 =	vsel vm0, v21, v25;
	v28 =	vsel vm0, s17, v31;
	s28 =	sor.u32 $0x300, s13;
	s20 =	sadd.s32 $0x20, s20  }
0x105: {  	s29 =	sor.u32 $0x380, s13;
	v15 =	vsel vm15, s17, v15;
	s14 =	sadd.s32 $0x7000, s14;
	s15 =	sand.u32 $0x70, s20;
	v25 =	vld [tilespmem:s28+$0x7000];
	vm0 =	vgt.f32 v30, v17;
	vm1 =	vgt.f32 v29, v11  }
0x106: {  	v26 =	vld [tilespmem:s29+$0x7000];
	s31 =	sadd.s32 $0xFFFFFFF0, s20;
	s30 =	sor.u32 s15, s14;
	vm2 =	vgt.f32 v27, v10;
	vm6 =	vgt.f32 v19, v9;
	vm7 =	vgt.f32 v14, v8  }
0x107: {  	s0 =	sand.u32 $0x60, s31;
	v24 =	vld [tilespmem:s30+$0x0];
	v17 =	vsel vm0, v30, v17;
	v11 =	vsel vm1, v29, v11;
	v10 =	vsel vm2, v27, v10  }
0x108: {  	v21 =	vld [tilespmem:s30+$0x80];
	s0 =	sor.u32 s0, s14;
	vm8 =	vgt.f32 v20, v7;
	v9 =	vsel vm6, v19, v9;
	v8 =	vsel vm7, v14, v8  }
0x109: {  	v14 =	vld [tilespmem:s0+$0x0];
	v5 =	vsel vm6, s16, v5;
	v3 =	vsel vm7, s16, v3;
	v4 =	vsel vm1, s16, v4  }
0x10a: {  	v19 =	vld [tilespmem:s0+$0x80];
	v2 =	vsel vm2, s16, v2;
	vm3 =	vgt.f32 v16, v17;
	vm4 =	vgt.f32 v13, v11  }
0x10b: {  	v30 =	vld [tilespmem:s0+$0x100];
	vm5 =	vgt.f32 v12, v10;
	v7 =	vsel vm8, v20, v7;
	vm9 =	vgt.f32 v6, v9  }
0x10c: {  	s15 =	rddreg [dreg:$0x3];
	v29 =	vld [tilespmem:s0+$0x180];
	vm10 =	vgt.f32 v25, v8;
	v1 =	vsel vm8, s16, v1;
	v17 =	vsel vm3, v16, v17  }
0x10d: {  	s14 =	sadd.s32 s6, s15;
	s6 =	sadd.s32 $0x2, s6;
	v27 =	vld [tilespmem:s0+$0x200];
	v11 =	vsel vm4, v13, v11;
	v10 =	vsel vm5, v12, v10;
	vm11 =	vgt.f32 v26, v7  }
0x10e: {  	s8 =	sadd.s32 $0x1, s8;
	p0 =	slt.u32 s6, $0xDE;
	v16 =	vld [tilespmem:s30+$0x100];
	v9 =	vsel vm9, v6, v9;
	v8 =	vsel vm10, v25, v8;
	v5 =	vsel vm9, s17, v5  }
.Ltmp7:
0x10f: {  	s26 =	sand.u32 $0x3, s8;
	v13 =	vld [tilespmem:s30+$0x180];
	v3 =	vsel vm10, s17, v3;
	v6 =	vsel vm0, s16, v18;
	v4 =	vsel vm4, s17, v4;
	(pc) =	sbr.rel @p0 .LBB2_15-.Ltmp7, $4  }
0x110: {  	s5 =	sadd.s32 $0x2, s5;
	s9 =	sadd.s32 $0x100, s9;
	s29 =	sshll.u32 s26, $0x5;
	v12 =	vld [tilespmem:s30+$0x200];
	v2 =	vsel vm5, s17, v2;
	v7 =	vsel vm11, v26, v7;
	v1 =	vsel vm11, s17, v1  }
0x111: {  	s28 =	sand.u32 $0x7, s5;
	s26 =	sadd.s32 s29, s7;
	s16 =	sadd.s32 $0x2, s14;
	v18 =	vsel vm3, s17, v6;
	v6 =	vld [tilespmem:s30+$0x280];
	vm0 =	vgt.f32 v14, v22;
	vm1 =	vgt.f32 v19, v23  }
0x112: {  	s7 =	sadd.s32 $0x100, s7;
	s31 =	sor.u32 $0x300, s26;
	s30 =	sshll.u32 s28, $0x4;
	v26 =	vsel vm0, v14, v22;
	v25 =	vsel vm1, v19, v23;
	v31 =	vsel vm1, s16, v28;
	v19 =	vld [tilespmem:s0+$0x280]  }
0x113: {  	s17 =	sadd.s32 $0x3, s14;
	s13 =	sadd.s32 s30, s9;
	v15 =	vsel vm0, s16, v15;
	v14 =	vld [tilespmem:s31+$0x7000];
	s0 =	sor.u32 $0x380, s26;
	vm15 =	vgt.f32 v24, v26;
	vm0 =	vgt.f32 v21, v25  }
0x114: {  	v22 =	vld [tilespmem:s0+$0x7000];
	s30 =	sor.u32 $0x300, s13  }
0x115: {  	s31 =	sor.u32 $0x380, s13;
	s5 =	simm.s32 $0x5;
	v28 =	vld [tilespmem:s30+$0x7000]  }
0x116: {  	v23 =	vld [tilespmem:s31+$0x7000];
	_ =	swait.ge [sflag:s5], $0x400  }
0x117: {  	[sflag:s5] =	ssyncset.done $0x0  }
0x118: {  	[sflag:s5] =	ssyncadd.s32 $0xFFFFFC00  }
0x119: {  	v20 =	vld [tilespmem:$0x1C000];
	_ =	sdelay $0x1  }
0x11a: {  	v32 =	vld [tilespmem:$0x1C010];
	_ =	sdelay $0x1  }
0x11b: {  	v24 =	vsel vm15, v24, v26;
	v41 =	vld [tilespmem:$0x1C020]  }
0x11c: {  	vm3 =	vgt.f32 v20, v24  }
0x11d: {  	v42 =	vld [tilespmem:$0x1C030];
	v20 =	vsel vm3, v20, v24  }
0x11e: {  	vm4 =	vgt.f32 v32, v20  }
0x11f: {  	v20 =	vsel vm4, v32, v20  }
0x120: {  	vm5 =	vgt.f32 v41, v20  }
0x121: {  	v20 =	vsel vm5, v41, v20  }
0x122: {  	v43 =	vld [tilespmem:$0x1C080];
	vm6 =	vgt.f32 v42, v20  }
0x123: {  	v44 =	vsel vm6, v42, v20  }
0x124: {  	v45 =	vld [tilespmem:$0x1C090];
	(xrf0) =	vmax.scan.msk.f32 $0xffff, v44;
	_ =	sdelay $0x1  }
0x125: {  	v46 =	vsel vm0, v21, v25  }
0x126: {  	v15 =	vsel vm15, s17, v15;
	v33 =	vld [tilespmem:$0x1C0A0];
	vm1 =	vgt.f32 v43, v46  }
0x127: {  	v15 =	vshll.u32 v15, $0x4;
	v25 =	vsel vm1, v43, v46;
	v20 =	vor.u32 $0x80000000, v0  }
0x128: {  	v21 =	vor.u32 $0x800F4200, v0;
	v34 =	vld [tilespmem:$0x1C0B0];
	vm2 =	vgt.f32 v45, v25;
	v15 =	vxor.u32 v20, v15  }
0x129: {  	v24 =	vor.u32 $0x800F4210, v0;
	v35 =	vsel vm2, v45, v25;
	v48 =	vsel vm3, v21, v15;
	v47, _, _ =	vpop (xrf0)  }
0x12a: {  	v25 =	vor.u32 $0x800F4220, v0;
	v26 =	vsel vm4, v24, v48;
	v15 =	vbroadcast v47, $0xF  }
0x12b: {  	vm9 =	vgt.f32 v33, v35;
	v36 =	vsel vm5, v25, v26;
	v26 =	vor.u32 $0x800F4230, v0  }
0x12c: {  	v33 =	vsel vm9, v33, v35;
	v49 =	vsel vm6, v26, v36;
	vm10 =	veq.f32 v44, v15  }
0x12d: {  	vm11 =	vgt.f32 v34, v33;
	v32 =	vnsel vm10, $0xFFFFFFFF, v49  }
0x12e: {  	v50 =	vld [tilespmem:$0x1C100];
	v33 =	vsel vm11, v34, v33;
	(xrf0) =	vmin.scan.msk.u32 $0xffff, v32  }
0x12f: {  	vm5 =	vgt.f32 v30, v17;
	(xrf0) =	vmax.scan.msk.f32 $0xffff, v33  }
0x130: {  	v51 =	vld [tilespmem:$0x1C110];
	v17 =	vsel vm5, v30, v17  }
0x131: {  	vm15 =	vgt.f32 v16, v17  }
0x132: {  	v31 =	vsel vm0, s17, v31;
	v52 =	vld [tilespmem:$0x1C120];
	v16 =	vsel vm15, v16, v17  }
0x133: {  	v31 =	vshll.u32 v31, $0x4;
	vm0 =	vgt.f32 v50, v16  }
0x134: {  	v53 =	vld [tilespmem:$0x1C130];
	v31 =	vxor.u32 v20, v31;
	v16 =	vsel vm0, v50, v16;
	v17, _, _ =	vpop (xrf0)  }
0x135: {  	v31 =	vsel vm1, v21, v31;
	vm3 =	vgt.f32 v51, v16;
	v54, _, _ =	vpop (xrf0)  }
0x136: {  	v31 =	vsel vm2, v24, v31;
	v30 =	vsel vm3, v51, v16;
	v16 =	vbroadcast v54, $0xF  }
0x137: {  	v31 =	vsel vm9, v25, v31;
	vm7 =	vgt.f32 v52, v30  }
0x138: {  	v31 =	vsel vm11, v26, v31;
	v30 =	vsel vm7, v52, v30;
	vm4 =	veq.f32 v33, v16  }
0x139: {  	vm8 =	vgt.f32 v53, v30;
	v31 =	vnsel vm4, $0xFFFFFFFF, v31  }
0x13a: {  	v55 =	vld [tilespmem:$0x1C180];
	v30 =	vsel vm8, v53, v30;
	(xrf0) =	vmin.scan.msk.u32 $0xffff, v31  }
0x13b: {  	vm4 =	vgt.f32 v29, v11;
	(xrf0) =	vmax.scan.msk.f32 $0xffff, v30  }
0x13c: {  	v56 =	vld [tilespmem:$0x1C190];
	v11 =	vsel vm4, v29, v11  }
0x13d: {  	v18 =	vsel vm5, s16, v18;
	vm6 =	vgt.f32 v13, v11  }
0x13e: {  	v58 =	vld [tilespmem:$0x1C1A0];
	v57 =	vsel vm15, s17, v18;
	v11 =	vsel vm6, v13, v11  }
0x13f: {  	v59 =	vshll.u32 v57, $0x4;
	vm1 =	vgt.f32 v55, v11  }
0x140: {  	v60 =	vld [tilespmem:$0x1C1B0];
	v31 =	vxor.u32 v20, v59;
	v11 =	vsel vm1, v55, v11;
	v13, _, _ =	vpop (xrf0)  }
0x141: {  	v31 =	vsel vm0, v21, v31;
	vm2 =	vgt.f32 v56, v11;
	v61, _, _ =	vpop (xrf0)  }
0x142: {  	v31 =	vsel vm3, v24, v31;
	v29 =	vsel vm2, v56, v11;
	v11 =	vbroadcast v61, $0xF  }
0x143: {  	v31 =	vsel vm7, v25, v31;
	vm9 =	vgt.f32 v58, v29  }
0x144: {  	v62 =	vsel vm8, v26, v31;
	v18 =	vsel vm9, v58, v29;
	vm11 =	veq.f32 v30, v11  }
0x145: {  	vm7 =	vgt.f32 v60, v18;
	v29 =	vnsel vm11, $0xFFFFFFFF, v62  }
0x146: {  	v63 =	vld [tilespmem:$0x1C200];
	v18 =	vsel vm7, v60, v18;
	(xrf0) =	vmin.scan.msk.u32 $0xffff, v29  }
0x147: {  	vm5 =	vgt.f32 v27, v10;
	(xrf0) =	vmax.scan.msk.f32 $0xffff, v18  }
0x148: {  	v10 =	vsel vm5, v27, v10;
	v33 =	vld [tilespmem:$0x1C210]  }
0x149: {  	vm15 =	vgt.f32 v12, v10;
	v4 =	vsel vm4, s16, v4  }
0x14a: {  	v34 =	vld [tilespmem:$0x1C220];
	v10 =	vsel vm15, v12, v10;
	v4 =	vsel vm6, s17, v4  }
0x14b: {  	vm10 =	vgt.f32 v63, v10;
	v4 =	vshll.u32 v4, $0x4  }
0x14c: {  	v35 =	vld [tilespmem:$0x1C230];
	v10 =	vsel vm10, v63, v10;
	v4 =	vxor.u32 v20, v4;
	v36, _, _ =	vpop (xrf0)  }
0x14d: {  	v37 =	vsel vm1, v21, v4;
	vm11 =	vgt.f32 v33, v10;
	v38, _, _ =	vpop (xrf0)  }
0x14e: {  	v39 =	vsel vm2, v24, v37;
	v10 =	vsel vm11, v33, v10;
	v4 =	vbroadcast v38, $0xF  }
0x14f: {  	v27 =	vsel vm9, v25, v39;
	vm6 =	vgt.f32 v34, v10  }
0x150: {  	v40 =	vsel vm7, v26, v27;
	v10 =	vsel vm6, v34, v10;
	vm9 =	veq.f32 v18, v4  }
0x151: {  	vm7 =	vgt.f32 v35, v10;
	v12 =	vnsel vm9, $0xFFFFFFFF, v40  }
0x152: {  	v41 =	vld [tilespmem:$0x1C280];
	v10 =	vsel vm7, v35, v10;
	(xrf0) =	vmin.scan.msk.u32 $0xffff, v12  }
0x153: {  	vm4 =	vgt.f32 v19, v9;
	(xrf0) =	vmax.scan.msk.f32 $0xffff, v10  }
0x154: {  	v42 =	vld [tilespmem:$0x1C290];
	v9 =	vsel vm4, v19, v9  }
0x155: {  	v2 =	vsel vm5, s16, v2;
	vm5 =	vgt.f32 v6, v9  }
0x156: {  	v43 =	vld [tilespmem:$0x1C2A0];
	v2 =	vsel vm15, s17, v2;
	v6 =	vsel vm5, v6, v9  }
0x157: {  	v2 =	vshll.u32 v2, $0x4;
	vm1 =	vgt.f32 v41, v6  }
0x158: {  	v44 =	vld [tilespmem:$0x1C2B0];
	v2 =	vxor.u32 v20, v2;
	v6 =	vsel vm1, v41, v6;
	v45, _, _ =	vpop (xrf0)  }
0x159: {  	v2 =	vsel vm10, v21, v2;
	vm2 =	vgt.f32 v42, v6;
	v46, _, _ =	vpop (xrf0)  }
0x15a: {  	v6 =	vsel vm2, v42, v6;
	v2 =	vsel vm11, v24, v2;
	v47 =	vbroadcast v46, $0xF  }
0x15b: {  	vm8 =	vgt.f32 v43, v6;
	v2 =	vsel vm6, v25, v2  }
0x15c: {  	v6 =	vsel vm8, v43, v6;
	v2 =	vsel vm7, v26, v2;
	vm10 =	veq.f32 v10, v47  }
0x15d: {  	vm11 =	vgt.f32 v44, v6;
	v2 =	vnsel vm10, $0xFFFFFFFF, v2  }
0x15e: {  	v48 =	vld [tilespmem:$0x1C300];
	v6 =	vsel vm11, v44, v6;
	(xrf0) =	vmin.scan.msk.u32 $0xffff, v2  }
0x15f: {  	vm3 =	vgt.f32 v14, v8;
	(xrf0) =	vmax.scan.msk.f32 $0xffff, v6  }
0x160: {  	v49 =	vld [tilespmem:$0x1C310];
	v2 =	vsel vm3, v14, v8  }
0x161: {  	v5 =	vsel vm4, s16, v5;
	vm4 =	vgt.f32 v28, v2  }
0x162: {  	v50 =	vld [tilespmem:$0x1C320];
	v5 =	vsel vm5, s17, v5;
	v2 =	vsel vm4, v28, v2  }
0x163: {  	v5 =	vshll.u32 v5, $0x4;
	vm0 =	vgt.f32 v48, v2  }
0x164: {  	v51 =	vld [tilespmem:$0x1C330];
	v5 =	vxor.u32 v20, v5;
	v2 =	vsel vm0, v48, v2;
	v52, _, _ =	vpop (xrf0)  }
0x165: {  	v5 =	vsel vm1, v21, v5;
	vm1 =	vgt.f32 v49, v2;
	v53, _, _ =	vpop (xrf0)  }
0x166: {  	v5 =	vsel vm2, v24, v5;
	v2 =	vsel vm1, v49, v2;
	v54 =	vbroadcast v53, $0xF  }
0x167: {  	v5 =	vsel vm8, v25, v5;
	vm9 =	vgt.f32 v50, v2  }
0x168: {  	v5 =	vsel vm11, v26, v5;
	v2 =	vsel vm9, v50, v2;
	vm10 =	veq.f32 v6, v54  }
0x169: {  	vm11 =	vgt.f32 v51, v2;
	v5 =	vnsel vm10, $0xFFFFFFFF, v5  }
0x16a: {  	v55 =	vld [tilespmem:$0x1C380];
	v2 =	vsel vm11, v51, v2;
	(xrf0) =	vmin.scan.msk.u32 $0xffff, v5  }
0x16b: {  	vm5 =	vgt.f32 v22, v7;
	(xrf0) =	vmax.scan.msk.f32 $0xffff, v2  }
0x16c: {  	v57 =	vld [tilespmem:$0x1C390];
	v56 =	vsel vm5, v22, v7  }
0x16d: {  	v3 =	vsel vm3, s16, v3;
	vm3 =	vgt.f32 v23, v56  }
0x16e: {  	v58 =	vld [tilespmem:$0x1C3A0];
	v3 =	vsel vm4, s17, v3;
	v5 =	vsel vm3, v23, v56  }
0x16f: {  	v3 =	vshll.u32 v3, $0x4;
	vm4 =	vgt.f32 v55, v5  }
0x170: {  	v59 =	vld [tilespmem:$0x1C3B0];
	v3 =	vxor.u32 v20, v3;
	v5 =	vsel vm4, v55, v5;
	v60, _, _ =	vpop (xrf0)  }
0x171: {  	v3 =	vsel vm0, v21, v3;
	vm8 =	vgt.f32 v57, v5;
	v61, _, _ =	vpop (xrf0)  }
0x172: {  	v3 =	vsel vm1, v24, v3;
	v5 =	vsel vm8, v57, v5;
	v62 =	vbroadcast v61, $0xF  }
0x173: {  	v3 =	vsel vm9, v25, v3;
	vm9 =	vgt.f32 v58, v5  }
0x174: {  	v3 =	vsel vm11, v26, v3;
	v5 =	vsel vm9, v58, v5;
	vm10 =	veq.f32 v2, v62  }
0x175: {  	vm11 =	vgt.f32 v59, v5;
	v2 =	vnsel vm10, $0xFFFFFFFF, v3  }
0x176: {  	v3 =	vsel vm11, v59, v5;
	(xrf0) =	vmin.scan.msk.u32 $0xffff, v2  }
0x177: {  	(xrf0) =	vmax.scan.msk.f32 $0xffff, v3;
	_ =	sdelay $0x1  }
0x178: {  	v1 =	vsel vm5, s16, v1  }
0x179: {  	v1 =	vsel vm3, s17, v1  }
0x17a: {  	v1 =	vshll.u32 v1, $0x4  }
0x17b: {  	v1 =	vxor.u32 v20, v1;
	v2, _, _ =	vpop (xrf0)  }
0x17c: {  	v1 =	vsel vm4, v21, v1;
	v63, _, _ =	vpop (xrf0)  }
0x17d: {  	v1 =	vsel vm8, v24, v1;
	v5 =	vbroadcast v63, $0xF  }
0x17e: {  	v1 =	vsel vm9, v25, v1  }
0x17f: {  	(v2sf) =	vpush v17, $0xF;
	v1 =	vsel vm11, v26, v1;
	vm6 =	veq.f32 v3, v5  }
0x180: {  	v1 =	vnsel vm6, $0xFFFFFFFF, v1  }
0x181: {  	(v2sf) =	vpush v13, $0xF;
	(xrf0) =	vmin.scan.msk.u32 $0xffff, v1  }
0x182: {  	(v2sf) =	vpush v36, $0xF;
	_ =	sdelay $0x1  }
0x183: {  	(v2sf) =	vpush v45, $0xF  }
0x184: {  	(v2sf) =	vpush v52, $0xF  }
0x185: {  	(v2sf) =	vpush v60, $0xF  }
0x186: {  	(v2sf) =	vpush v2, $0xF;
	v1, _, _ =	vpop (xrf0)  }
0x187: {  	(v2sf) =	vpush v1, $0xF;
	_ =	sdelay $0x5  }
0x188: {  	s6 =	spop (v2sf)  }
0x189: {  	vm5 =	vcmask $0xB08;
	s0 =	sxor.u32 $0x80000000, s6;
	vm7 =	vmmov $0x1;
	vm4 =	vcmask $0xB20  }
0x18a: {  	s5 =	spop (v2sf);
	vm8 =	vcmask $0x320;
	vm9 =	vcmask $0x300;
	v2 =	vmov s0  }
0x18b: {  	s5 =	sxor.u32 $0x80000000, s5;
	s7 =	spop (v2sf);
	vm11 =	vcmask $0x704;
	v2 =	vnsel vm9, $0x0, v2;
	v1 =	vnsel vm7, $0xFF800000, v15  }
0x18c: {  	vm10 =	vcmask $0x720;
	s0 =	sxor.u32 $0x80000000, s7;
	v2 =	vsel vm11, s5, v2;
	v1 =	vsel vm8, v1, v16  }
0x18d: {  	s6 =	spop (v2sf);
	vm9 =	vcmask $0x1310;
	v2 =	vsel vm5, s0, v2;
	v1 =	vsel vm10, v1, v11  }
0x18e: {  	s6 =	sxor.u32 $0x80000000, s6;
	s8 =	spop (v2sf);
	vm6 =	vcmask $0xF20;
	vm7 =	vcmask $0xF0C;
	v1 =	vsel vm4, v1, v4  }
0x18f: {  	s5 =	sxor.u32 $0x80000000, s8;
	s9 =	spop (v2sf);
	v2 =	vsel vm7, s6, v2;
	vm8 =	vcmask $0x1320;
	v1 =	vsel vm6, v1, v47  }
0x190: {  	s0 =	sxor.u32 $0x80000000, s9;
	v2 =	vsel vm9, s5, v2;
	vm10 =	vcmask $0x1720;
	s13 =	spop (v2sf);
	v1 =	vsel vm8, v1, v54  }
0x191: {  	vm11 =	vcmask $0x1B20;
	v2 =	vsel vm12, s0, v2;
	s14 =	sxor.u32 $0x80000000, s13;
	v1 =	vsel vm10, v1, v62;
	s15 =	spop (v2sf)  }
0x192: {  	v2 =	vsel vm13, s14, v2;
	v1 =	vsel vm11, v1, v5;
	s16 =	sxor.u32 $0x80000000, s15  }
0x193: {  	[tilespmem:$0x1C400] =	vst v1;
	v2 =	vsel vm14, s16, v2  }
0x194: {  	s20 =	simm.s32 $0x1C400;
	s26 =	simm.s32 $0x6;
	s17 =	rddreg [dreg:$0x9];
	[tilespmem:$0x1C480] =	vst v2  }
0x195: {  	[hbm4b:s17+s3] =	stream.linear.scatter [tilespmem:s20], [sflag:$0x6], $0x80, $0x38;
	[tilespmem:$0x1C500] =	vst v63  }
0x196: {  	_ =	swait.ge [sflag:s26], $0x80  }
0x197: {  	[sflag:s26] =	ssyncset.done $0x0  }
0x198: {  	s29 =	simm.s32 $0x1C480;
	s28 =	rddreg [dreg:$0xa];
	[sflag:s26] =	ssyncadd.s32 $0xFFFFFF80  }
0x199: {  	[hbm4b:s28+s3] =	stream.linear.scatter [tilespmem:s29], [sflag:$0x6], $0x80, $0x38;
	[tilespmem:$0x1C500] =	vst v63  }
0x19a: {  	_ =	swait.ge [sflag:s26], $0x80  }
0x19b: {  	s30 =	rddreg [dreg:$0xd]  }
0x19c: {  	s31 =	rddreg [dreg:$0xb];
	s6 =	sadd.s32 $0x1, s30  }
0x19d: {  	p0 =	sne.s32 s6, s31  }
.Ltmp8:
0x19e: {  	_ = 	snop;
	(pc) =	sbr.rel @p0 .LBB2_1-.Ltmp8, $3  }
0x19f: {  	_ =	sdelay $0x1  }
0x1a0: {  	[sflag:s26] =	ssyncset.done $0x0  }
0x1a1: {  	[sflag:s26] =	ssyncadd.s32 $0xFFFFFF80  }
0x1a2: {  	_ =	sfence.sel $0x180000  }
0x1a3: {  	[bflag:$0x0] =	sbarrier.arrive $0xFFFF  }
0x1a4: {  	_ =	strace $0x90000047  }
0x1a5: {  	[bflag:$0x2] =	sbarrier.arrive $0xFFFF  }
0x1a6: {  	p0 =	sne.s32 s2, $0x0;
	s0 =	rddreg [dreg:$0x2]  }
0x1a7: {  	s0 =	sadd.s32 @!p0 $0x100000, s0  }
0x1a8: {  	[sflag:s0] =	ssyncadd.tile.s32 @!p0 $0x1;
	_ =	shalt  }
.Lfunc_end2:
_tile_overlayer_lowered:
.L_overlay_start_2:
0x1a9: {  	(tag) =	ssettag $0x2  }
0x1aa: {  	s0 =	rddreg [dreg:$0x0];
	s2 =	stileid.u32  }
0x1ab: {  	s1 =	rddreg [dreg:$0x1];
	p0 =	sne.s32 s2, $0x0  }
0x1ac: {  	s3 =	rddreg [dreg:$0x2];
	[bflag:$0x3] =	sbarrier.arrive $0xFFFF;
	s2 =	simm.s32 @!p0 $0x1C06  }
0x1ad: {  	[timem:s3], [sflag:s2] =	dma.local @!p0 [hbm:s0], s1  }
0x1ae: {  	s0 =	simm.s32 @!p0 $0x6  }
0x1af: {  	_ =	swait.ge @!p0 [sflag:s0], s1  }
0x1b0: {  	s1 =	ssub.s32 @!p0 $0x0, s1;
	[sflag:s0] =	ssyncset.done @!p0 $0x0  }
0x1b1: {  	[sflag:s0] =	ssyncadd.s32 @!p0 s1  }
0x1b2: {  	[bflag:$0x3] =	sbarrier.arrive $0xFFFF  }
0x1b3: {  	_ =	shalt  }

</sc_bundles>
